<compile_context>
chip_gen: v7x
topology: tpu7x:2x2x1
jax: 0.10.2.dev20260603
libtpu: 0.0.44.dev20260713+nightly
codegen_flags: <defaults>
</compile_context>

<pallas_src>
import functools

import jax
import jax.numpy as jnp
from jax import lax
from jax.experimental import pallas as pl
from jax.experimental.pallas import tpu as pltpu
from jax.experimental.pallas import tpu_sc as plsc

N = 10000
N_PAD = 10240
HR = N_PAD // 128
E = 320000
D = 128
G = 64

NC = 2
NS = 16
NW = NC * NS
EPW = E // NW
CH = 80
NCH = EPW // CH
DEPTH = 4
STRIPE = N_PAD // NS


@functools.cache
def _mesh():
    return plsc.VectorSubcoreMesh(core_axis_name="c", subcore_axis_name="s",
                                  num_cores=NC, num_subcores=NS)



def _deg_body(dst_hbm, out_hbm, dstv, hist):
    c = lax.axis_index("c")
    s = lax.axis_index("s")
    wid = s * NC + c
    pltpu.sync_copy(dst_hbm.at[pl.ds(wid * EPW, EPW)], dstv)

    zeros16 = jnp.zeros((16,), jnp.float32)

    def zloop(i, _):
        for j in range(8):
            hist[i, pl.ds(j * 16, 16)] = zeros16
        return ()
    lax.fori_loop(0, HR, zloop, ())

    ones16 = jnp.ones((16,), jnp.float32)

    def aloop(j, _):
        idx = dstv[pl.ds(j * 16, 16)]
        plsc.addupdate_scatter(
            hist,
            [lax.shift_right_logical(idx, 7), lax.bitwise_and(idx, 127)],
            ones16)
        return ()
    lax.fori_loop(0, EPW // 16, aloop, ())

    pltpu.sync_copy(hist, out_hbm.at[wid])


def _sc_degree(dst):
    fn = pl.kernel(
        _deg_body,
        out_type=jax.ShapeDtypeStruct((NW, HR, 128), jnp.float32),
        mesh=_mesh(),
        scratch_types=[
            pltpu.VMEM((EPW,), jnp.int32),
            pltpu.VMEM((HR, 128), jnp.float32),
        ],
        compiler_params=pltpu.CompilerParams(needs_layout_passes=False),
    )
    return fn(dst)


def _scatter_body(hp_hbm, src_hbm, dst_hbm, out_hbm,
                  sidx3, idx3, rows3, zbuf, acc, gs3, js3, is3, ss3):
    c = lax.axis_index("c")
    s = lax.axis_index("s")
    wid = s * NC + c

    zeros16 = jnp.zeros((16,), jnp.float32)
    for i in range(8):
        for j in range(8):
            zbuf[i, pl.ds(j * 16, 16)] = zeros16

    def zloop(t, _):
        pltpu.sync_copy(zbuf, acc.at[pl.ds(s * STRIPE + t * 8, 8)])
        return ()
    lax.fori_loop(0, STRIPE // 8, zloop, ())
    plsc.subcore_barrier()

    def gather(k, r):
        pltpu.async_copy(hp_hbm.at[sidx3[r]], rows3[r], gs3[r])

    def gwait(k, r):
        pltpu.make_async_copy(hp_hbm.at[sidx3[r]], rows3[r],
                              gs3[r]).wait()

    def sload(k, r):
        pltpu.async_copy(src_hbm.at[pl.ds(wid * EPW + k * CH, CH)],
                         sidx3[r], js3[r])

    def swait_idx(k, r):
        pltpu.make_async_copy(src_hbm.at[pl.ds(wid * EPW + k * CH, CH)],
                              sidx3[r], js3[r]).wait()

    def iload(k, r):
        pltpu.async_copy(dst_hbm.at[pl.ds(wid * EPW + k * CH, CH)],
                         idx3[r], is3[r])

    def iwait(k, r):
        pltpu.make_async_copy(dst_hbm.at[pl.ds(wid * EPW + k * CH, CH)],
                              idx3[r], is3[r]).wait()

    for r in range(DEPTH):
        sload(r, r)
        iload(r, r)
        swait_idx(r, r)
        gather(r, r)

    def step(k, r):
        gwait(k, r)

        @pl.when(k + DEPTH < NCH)
        def _():
            sload(k + DEPTH, r)
        iwait(k, r)
        pltpu.async_copy(rows3[r], acc.at[idx3[r]], ss3[r], add=True)
        pltpu.make_async_copy(rows3[r], acc.at[idx3[r]], ss3[r]).wait()

        @pl.when(k + DEPTH < NCH)
        def _():
            swait_idx(k + DEPTH, r)
            gather(k + DEPTH, r)
            iload(k + DEPTH, r)

    def eloop(kk, _):
        k0 = DEPTH * kk
        for r in range(DEPTH):
            step(k0 + r, r)
        return ()
    lax.fori_loop(0, NCH // DEPTH, eloop, ())
    for r in range(NCH % DEPTH):
        step(NCH - NCH % DEPTH + r, r)
    plsc.subcore_barrier()

    pltpu.sync_copy(acc.at[pl.ds(s * STRIPE, STRIPE)],
                    out_hbm.at[c, pl.ds(s * STRIPE, STRIPE)])


def _sc_scatter(hp, src1d, dst1d):
    fn = pl.kernel(
        _scatter_body,
        out_type=jax.ShapeDtypeStruct((NC, N_PAD, D), jnp.float32),
        mesh=_mesh(),
        scratch_types=[
            tuple(pltpu.VMEM((CH,), jnp.int32) for _ in range(DEPTH)),
            tuple(pltpu.VMEM((CH,), jnp.int32) for _ in range(DEPTH)),
            tuple(pltpu.VMEM((CH, D), jnp.float32) for _ in range(DEPTH)),
            pltpu.VMEM((8, D), jnp.float32),
            pltpu.VMEM_SHARED((N_PAD, D), jnp.float32),
            tuple(pltpu.SemaphoreType.DMA for _ in range(DEPTH)),
            tuple(pltpu.SemaphoreType.DMA for _ in range(DEPTH)),
            tuple(pltpu.SemaphoreType.DMA for _ in range(DEPTH)),
            tuple(pltpu.SemaphoreType.DMA for _ in range(DEPTH)),
        ],
        compiler_params=pltpu.CompilerParams(needs_layout_passes=False),
    )
    return fn(hp, src1d, dst1d)



_R = 2048
_NB = N_PAD // _R
_HB = _R // 128


def _expand_col(tbl):
    rexp = (lax.shift_right_logical(
                lax.broadcasted_iota(jnp.int32, (_R, _HB), 0), 7)
            == lax.broadcasted_iota(jnp.int32, (_R, _HB), 1))
    rep = jnp.dot(rexp.astype(jnp.float32), tbl,
                  preferred_element_type=jnp.float32)
    lane = lax.broadcasted_iota(jnp.int32, (_R, 128), 1)
    rowmod = lax.bitwise_and(
        lax.broadcasted_iota(jnp.int32, (_R, 128), 0), 127)
    sel = (lane == rowmod).astype(jnp.float32)
    return jnp.sum(rep * sel, axis=1, keepdims=True)


def _dis_col(hist_blk):
    deg = 1.0 + jnp.sum(hist_blk, axis=0)
    return _expand_col(lax.rsqrt(deg))


def _k1_body(hist_ref, x_ref, w_ref, hp_ref):
    dis = _dis_col(hist_ref[...])
    h = jnp.dot(x_ref[...], w_ref[...], preferred_element_type=jnp.float32)
    hp_ref[...] = h * dis


def _k3_body(hist_ref, acc_ref, hp_ref, b_ref, w_ref, out_ref):
    dis = _dis_col(hist_ref[...])
    z = dis * (acc_ref[0] + acc_ref[1] + hp_ref[...]) + b_ref[...]
    z = jnp.maximum(z, 0.0)
    out_ref[...] = jnp.dot(z, w_ref[...],
                           preferred_element_type=jnp.float32) * dis


def _k5_body(hist_ref, acc_ref, hp_ref, b_ref, batch_ref, wout_ref, bout_ref,
             out_ref, pooled, cnt):
    i = pl.program_id(0)

    @pl.when(i == 0)
    def _():
        pooled[...] = jnp.zeros_like(pooled)
        cnt[...] = jnp.zeros_like(cnt)

    dis = _dis_col(hist_ref[...])
    z = dis * (acc_ref[0] + acc_ref[1] + hp_ref[...]) + b_ref[...]
    z = jnp.maximum(z, 0.0)
    bcol = _expand_col(batch_ref[...].astype(jnp.float32))
    gids = lax.broadcasted_iota(jnp.int32, (_R, G), 1).astype(jnp.float32)
    seg = (bcol == gids).astype(jnp.float32)
    dn = (((0,), (0,)), ((), ()))
    pooled[...] += lax.dot_general(seg, z, dn,
                                   preferred_element_type=jnp.float32)
    cnt[...] += lax.dot_general(seg, jnp.ones((_R, D), jnp.float32), dn,
                                preferred_element_type=jnp.float32)

    @pl.when(i == _NB - 1)
    def _():
        mean = pooled[...] / jnp.maximum(cnt[...], 1.0)
        out_ref[...] = jnp.dot(mean, wout_ref[...],
                               preferred_element_type=jnp.float32) + bout_ref[...]


_HIST_SPEC = pl.BlockSpec((NW, _HB, 128), lambda i: (0, i, 0))
_ROW_SPEC = pl.BlockSpec((_R, D), lambda i: (i, 0))
_ACC_SPEC = pl.BlockSpec((NC, _R, D), lambda i: (0, i, 0))
_W_SPEC = pl.BlockSpec((D, D), lambda i: (0, 0))
_B_SPEC = pl.BlockSpec((1, D), lambda i: (0, 0))


def _tc_first(hist, x_pad, W1):
    return pl.pallas_call(
        _k1_body,
        grid=(_NB,),
        in_specs=[_HIST_SPEC, _ROW_SPEC, _W_SPEC],
        out_specs=_ROW_SPEC,
        out_shape=jax.ShapeDtypeStruct((N_PAD, D), jnp.float32),
    )(hist, x_pad, W1)


def _tc_mid(hist, acc, hp, b1, W2):
    return pl.pallas_call(
        _k3_body,
        grid=(_NB,),
        in_specs=[_HIST_SPEC, _ACC_SPEC, _ROW_SPEC, _B_SPEC, _W_SPEC],
        out_specs=_ROW_SPEC,
        out_shape=jax.ShapeDtypeStruct((N_PAD, D), jnp.float32),
    )(hist, acc, hp, b1.reshape(1, D), W2)


def _tc_final(hist, acc, hp, b2, batch2d, Wout, bout):
    return pl.pallas_call(
        _k5_body,
        grid=(_NB,),
        in_specs=[
            _HIST_SPEC, _ACC_SPEC, _ROW_SPEC, _B_SPEC,
            pl.BlockSpec((_HB, 128), lambda i: (i, 0)),
            _W_SPEC, _B_SPEC,
        ],
        out_specs=pl.BlockSpec((G, D), lambda i: (0, 0)),
        out_shape=jax.ShapeDtypeStruct((G, D), jnp.float32),
        scratch_shapes=[
            pltpu.VMEM((G, D), jnp.float32),
            pltpu.VMEM((G, D), jnp.float32),
        ],
    )(hist, acc, hp, b2.reshape(1, D), batch2d, Wout, bout.reshape(1, D))


def kernel(x, edge_index, batch, W1, b1, W2, b2, Wout, bout):
    src = edge_index[0]
    dst = edge_index[1]
    x_pad = jnp.pad(x, ((0, N_PAD - N), (0, 0)))
    batch2d = jnp.pad(batch, (0, N_PAD - N),
                      constant_values=G).reshape(HR, 128)

    hist = _sc_degree(dst)
    h1p = _tc_first(hist, x_pad, W1)
    acc1 = _sc_scatter(h1p, src, dst)
    h2p = _tc_mid(hist, acc1, h1p, b1, W2)
    acc2 = _sc_scatter(h2p, src, dst)
    return _tc_final(hist, acc2, h2p, b2, batch2d, Wout, bout)

# --- scband reference (transcript-rebuilt; emitter-appended) ---
"""Pipeline reference for scband-gcn-v1-16020228014637 (READ-ONLY COPY).

The authoritative reference and input builder live on the scoring server;
editing this copy changes nothing except your own understanding.
"""

import jax, jax.numpy as jnp
import numpy as np

N = 10000
E = 320000
D = 128
H = 128
O = 128
G = 64


def gcn_conv(x, src, dst, W, b, num_nodes):
    # PyG GCNConv: add self-loops, symmetric normalization, linear transform, scatter-add, bias
    loop = jnp.arange(num_nodes, dtype=src.dtype)
    s = jnp.concatenate([src, loop])
    d = jnp.concatenate([dst, loop])
    deg = jnp.zeros((num_nodes,), dtype=x.dtype).at[d].add(1.0)
    deg_inv_sqrt = jnp.where(deg > 0, deg ** -0.5, 0.0)
    norm = deg_inv_sqrt[s] * deg_inv_sqrt[d]
    h = x @ W
    msg = h[s] * norm[:, None]
    out = jnp.zeros((num_nodes, W.shape[1]), dtype=x.dtype).at[d].add(msg)
    return out + b


def global_mean_pool(x, batch, num_graphs):
    sums = jax.ops.segment_sum(x, batch, num_segments=num_graphs)
    counts = jax.ops.segment_sum(jnp.ones((x.shape[0],), dtype=x.dtype), batch, num_segments=num_graphs)
    return sums / jnp.maximum(counts, 1.0)[:, None]


def setup_inputs(seed: int = 0) -> dict:
    key = jax.random.key(seed)
    ks = jax.random.split(key, 9)
    x = jax.random.normal(ks[0], (N, D), dtype=jnp.float32)
    edge_index = jax.random.randint(ks[1], (2, E), 0, N, dtype=jnp.int32)
    batch = jnp.sort(jax.random.randint(ks[2], (N,), 0, G, dtype=jnp.int32))
    W1 = jax.random.normal(ks[3], (D, H), dtype=jnp.float32) * 0.05
    b1 = jnp.zeros((H,), dtype=jnp.float32)
    W2 = jax.random.normal(ks[4], (H, H), dtype=jnp.float32) * 0.05
    b2 = jnp.zeros((H,), dtype=jnp.float32)
    Wout = jax.random.normal(ks[5], (H, O), dtype=jnp.float32) * 0.05
    bout = jnp.zeros((O,), dtype=jnp.float32)
    return {"x": x, "edge_index": edge_index, "batch": batch,
            "W1": W1, "b1": b1, "W2": W2, "b2": b2, "Wout": Wout, "bout": bout}


def reference(x, edge_index, batch, W1, b1, W2, b2, Wout, bout):
    src, dst = edge_index[0], edge_index[1]
    # layer 1: GCNConv -> ReLU (norm=None, dropout=0.0)
    h = gcn_conv(x, src, dst, W1, b1, N)
    h = jax.nn.relu(h)
    # layer 2: GCNConv -> ReLU
    h = gcn_conv(h, src, dst, W2, b2, N)
    h = jax.nn.relu(h)
    # global mean pool over graphs in batch
    h = global_mean_pool(h, batch, G)
    # output linear
    return h @ Wout + bout

if __name__ == "__main__":
    import jax
    _d = setup_inputs()
    print(jax.jit(kernel)(*tuple(_d.values())))

</pallas_src>

<mosaic_0001>
#map = affine_map<(d0, d1) -> (0)>
#map1 = affine_map<(d0, d1) -> (0, 0, 0)>
module attributes {stable_mosaic.version = 14 : i64} {
  func.func @_deg_body(%arg0: i32, %arg1: i32, %arg2: memref<320000xi32, #tpu.memory_space<hbm>>, %arg3: memref<32x80x128xf32, #tpu.memory_space<hbm>>, %arg4: memref<10000xi32, #tpu.memory_space<vmem>>, %arg5: memref<80x128xf32, #tpu.memory_space<vmem>>) attributes {dimension_semantics = [#tpu.dimension_semantics<core_parallel>, #tpu.dimension_semantics<subcore_parallel>], iteration_bounds = array<i64: 2, 16>, scalar_prefetch = 0 : i64, scratch_operands = 2 : i64, tpu.core_type = #tpu.core_type<sc_vector_subcore>, window_params = [{transform_indices = #map}, {transform_indices = #map1}]} {
    %mul3A = arith.constant 2 : i32
    %mul3A_0 = arith.muli %arg1, %mul3A : i32
    %add3A = arith.addi %mul3A_0, %arg0 : i32
    %mul3A_1 = arith.constant 10000 : i32
    %mul3A_2 = arith.muli %add3A, %mul3A_1 : i32
    "tpu.region"() ({
      %run_scoped3A = tpu.sem_alloc : memref<!tpu.dma_semaphore, #tpu.memory_space<semaphore_mem>>
      %dma_start3A = tpu.memref_slice %arg2[%mul3A_2] : memref<320000xi32, #tpu.memory_space<hbm>> -> memref<10000xi32, #tpu.memory_space<hbm>>
      %dma_start3A_15 = tpu.memref_slice %arg2[%mul3A_2] : memref<320000xi32, #tpu.memory_space<hbm>> -> memref<10000xi32, #tpu.memory_space<hbm>>
      tpu.enqueue_dma source(%dma_start3A_15 : memref<10000xi32, #tpu.memory_space<hbm>>) target(%arg4 : memref<10000xi32, #tpu.memory_space<vmem>>) target_semaphore(%run_scoped3A : memref<!tpu.dma_semaphore, #tpu.memory_space<semaphore_mem>>)
      %dma_wait3A = tpu.memref_slice %arg2[%mul3A_2] : memref<320000xi32, #tpu.memory_space<hbm>> -> memref<10000xi32, #tpu.memory_space<hbm>>
      %dma_wait3A_16 = tpu.memref_slice %arg2[%mul3A_2] : memref<320000xi32, #tpu.memory_space<hbm>> -> memref<10000xi32, #tpu.memory_space<hbm>>
      tpu.wait_dma2 semaphore(%run_scoped3A : memref<!tpu.dma_semaphore, #tpu.memory_space<semaphore_mem>>) src(%dma_wait3A_16 : memref<10000xi32, #tpu.memory_space<hbm>>) dst(%arg4 : memref<10000xi32, #tpu.memory_space<vmem>>)
      tpu.yield
    }) : () -> ()
    %broadcast_in_dim3A = arith.constant 0.000000e+00 : f32
    %broadcast_in_dim3A_3 = vector.broadcast %broadcast_in_dim3A : f32 to vector<16xf32>
    %scan3A = arith.constant 0 : i32
    %scan3A_4 = arith.constant 80 : i32
    %scan3A_5 = arith.addi %scan3A, %scan3A_4 : i32
    %scan3A_6 = arith.constant 1 : i32
    scf.for %scan3A_15 = %scan3A to %scan3A_5 step %scan3A_6  : i32 {
      %swap3A = arith.index_cast %scan3A_15 : i32 to index
      %swap3A_16 = arith.constant 0 : index
      %swap3A_17 = tpu.vector_load %arg5[%swap3A, %swap3A_16] {strides = array<i32>} : memref<80x128xf32, #tpu.memory_space<vmem>>, vector<16xf32>,
      tpu.vector_store %arg5[%swap3A, %swap3A_16], %broadcast_in_dim3A_3 {strides = array<i32>} : memref<80x128xf32, #tpu.memory_space<vmem>>, vector<16xf32>,
      %swap3A_18 = arith.index_cast %scan3A_15 : i32 to index
      %swap3A_19 = arith.constant 16 : index
      %swap3A_20 = tpu.vector_load %arg5[%swap3A_18, %swap3A_19] {strides = array<i32>} : memref<80x128xf32, #tpu.memory_space<vmem>>, vector<16xf32>,
      tpu.vector_store %arg5[%swap3A_18, %swap3A_19], %broadcast_in_dim3A_3 {strides = array<i32>} : memref<80x128xf32, #tpu.memory_space<vmem>>, vector<16xf32>,
      %swap3A_21 = arith.index_cast %scan3A_15 : i32 to index
      %swap3A_22 = arith.constant 32 : index
      %swap3A_23 = tpu.vector_load %arg5[%swap3A_21, %swap3A_22] {strides = array<i32>} : memref<80x128xf32, #tpu.memory_space<vmem>>, vector<16xf32>,
      tpu.vector_store %arg5[%swap3A_21, %swap3A_22], %broadcast_in_dim3A_3 {strides = array<i32>} : memref<80x128xf32, #tpu.memory_space<vmem>>, vector<16xf32>,
      %swap3A_24 = arith.index_cast %scan3A_15 : i32 to index
      %swap3A_25 = arith.constant 48 : index
      %swap3A_26 = tpu.vector_load %arg5[%swap3A_24, %swap3A_25] {strides = array<i32>} : memref<80x128xf32, #tpu.memory_space<vmem>>, vector<16xf32>,
      tpu.vector_store %arg5[%swap3A_24, %swap3A_25], %broadcast_in_dim3A_3 {strides = array<i32>} : memref<80x128xf32, #tpu.memory_space<vmem>>, vector<16xf32>,
      %swap3A_27 = arith.index_cast %scan3A_15 : i32 to index
      %swap3A_28 = arith.constant 64 : index
      %swap3A_29 = tpu.vector_load %arg5[%swap3A_27, %swap3A_28] {strides = array<i32>} : memref<80x128xf32, #tpu.memory_space<vmem>>, vector<16xf32>,
      tpu.vector_store %arg5[%swap3A_27, %swap3A_28], %broadcast_in_dim3A_3 {strides = array<i32>} : memref<80x128xf32, #tpu.memory_space<vmem>>, vector<16xf32>,
      %swap3A_30 = arith.index_cast %scan3A_15 : i32 to index
      %swap3A_31 = arith.constant 80 : index
      %swap3A_32 = tpu.vector_load %arg5[%swap3A_30, %swap3A_31] {strides = array<i32>} : memref<80x128xf32, #tpu.memory_space<vmem>>, vector<16xf32>,
      tpu.vector_store %arg5[%swap3A_30, %swap3A_31], %broadcast_in_dim3A_3 {strides = array<i32>} : memref<80x128xf32, #tpu.memory_space<vmem>>, vector<16xf32>,
      %swap3A_33 = arith.index_cast %scan3A_15 : i32 to index
      %swap3A_34 = arith.constant 96 : index
      %swap3A_35 = tpu.vector_load %arg5[%swap3A_33, %swap3A_34] {strides = array<i32>} : memref<80x128xf32, #tpu.memory_space<vmem>>, vector<16xf32>,
      tpu.vector_store %arg5[%swap3A_33, %swap3A_34], %broadcast_in_dim3A_3 {strides = array<i32>} : memref<80x128xf32, #tpu.memory_space<vmem>>, vector<16xf32>,
      %swap3A_36 = arith.index_cast %scan3A_15 : i32 to index
      %swap3A_37 = arith.constant 112 : index
      %swap3A_38 = tpu.vector_load %arg5[%swap3A_36, %swap3A_37] {strides = array<i32>} : memref<80x128xf32, #tpu.memory_space<vmem>>, vector<16xf32>,
      tpu.vector_store %arg5[%swap3A_36, %swap3A_37], %broadcast_in_dim3A_3 {strides = array<i32>} : memref<80x128xf32, #tpu.memory_space<vmem>>, vector<16xf32>,
    }
    %scan3A_7 = arith.constant 80 : i32
    %broadcast_in_dim3A_8 = arith.constant 1.000000e+00 : f32
    %broadcast_in_dim3A_9 = vector.broadcast %broadcast_in_dim3A_8 : f32 to vector<16xf32>
    %scan3A_10 = arith.constant 0 : i32
    %scan3A_11 = arith.constant 625 : i32
    %scan3A_12 = arith.addi %scan3A_10, %scan3A_11 : i32
    %scan3A_13 = arith.constant 1 : i32
    scf.for %scan3A_15 = %scan3A_10 to %scan3A_12 step %scan3A_13  : i32 {
      %mul3A_16 = arith.constant 16 : i32
      %mul3A_17 = arith.muli %scan3A_15, %mul3A_16 : i32
      %get3A = arith.index_cast %mul3A_17 : i32 to index
      %get3A_18 = tpu.vector_load %arg4[%get3A] {strides = array<i32>} : memref<10000xi32, #tpu.memory_space<vmem>>, vector<16xi32>,
      %shift_right_logical3A = arith.constant 7 : i32
      %shift_right_logical3A_19 = vector.broadcast %shift_right_logical3A : i32 to vector<16xi32>
      %shift_right_logical3A_20 = arith.shrui %get3A_18, %shift_right_logical3A_19 : vector<16xi32>
      %and3A = arith.constant 127 : i32
      %and3A_21 = vector.broadcast %and3A : i32 to vector<16xi32>
      %and3A_22 = arith.andi %get3A_18, %and3A_21 : vector<16xi32>
      tpu.vector_store_idx %arg5[%shift_right_logical3A_20, %and3A_22], %broadcast_in_dim3A_9 {add = true} : memref<80x128xf32, #tpu.memory_space<vmem>>[vector<16xi32>, vector<16xi32>], vector<16xf32>,
    }
    %scan3A_14 = arith.constant 625 : i32
    "tpu.region"() ({
      %run_scoped3A = tpu.sem_alloc : memref<!tpu.dma_semaphore, #tpu.memory_space<semaphore_mem>>
      %dma_start3A = arith.constant 0 : i32
      %dma_start3A_15 = arith.constant 0 : i32
      %dma_start3A_16 = tpu.memref_slice %arg3[%add3A, %dma_start3A, %dma_start3A_15] : memref<32x80x128xf32, #tpu.memory_space<hbm>> -> memref<1x80x128xf32, #tpu.memory_space<hbm>>
      %dma_start3A_17 = tpu.memref_squeeze %dma_start3A_16 : memref<1x80x128xf32, #tpu.memory_space<hbm>> -> memref<80x128xf32, #tpu.memory_space<hbm>>
      %dma_start3A_18 = arith.constant 0 : i32
      %dma_start3A_19 = arith.constant 0 : i32
      %dma_start3A_20 = tpu.memref_slice %arg3[%add3A, %dma_start3A_18, %dma_start3A_19] : memref<32x80x128xf32, #tpu.memory_space<hbm>> -> memref<1x80x128xf32, #tpu.memory_space<hbm>>
      %dma_start3A_21 = tpu.memref_squeeze %dma_start3A_20 : memref<1x80x128xf32, #tpu.memory_space<hbm>> -> memref<80x128xf32, #tpu.memory_space<hbm>>
      tpu.enqueue_dma source(%arg5 : memref<80x128xf32, #tpu.memory_space<vmem>>) target(%dma_start3A_21 : memref<80x128xf32, #tpu.memory_space<hbm>>) target_semaphore(%run_scoped3A : memref<!tpu.dma_semaphore, #tpu.memory_space<semaphore_mem>>)
      %dma_wait3A = arith.constant 0 : i32
      %dma_wait3A_22 = arith.constant 0 : i32
      %dma_wait3A_23 = tpu.memref_slice %arg3[%add3A, %dma_wait3A, %dma_wait3A_22] : memref<32x80x128xf32, #tpu.memory_space<hbm>> -> memref<1x80x128xf32, #tpu.memory_space<hbm>>
      %dma_wait3A_24 = tpu.memref_squeeze %dma_wait3A_23 : memref<1x80x128xf32, #tpu.memory_space<hbm>> -> memref<80x128xf32, #tpu.memory_space<hbm>>
      %dma_wait3A_25 = arith.constant 0 : i32
      %dma_wait3A_26 = arith.constant 0 : i32
      %dma_wait3A_27 = tpu.memref_slice %arg3[%add3A, %dma_wait3A_25, %dma_wait3A_26] : memref<32x80x128xf32, #tpu.memory_space<hbm>> -> memref<1x80x128xf32, #tpu.memory_space<hbm>>
      %dma_wait3A_28 = tpu.memref_squeeze %dma_wait3A_27 : memref<1x80x128xf32, #tpu.memory_space<hbm>> -> memref<80x128xf32, #tpu.memory_space<hbm>>
      tpu.wait_dma2 semaphore(%run_scoped3A : memref<!tpu.dma_semaphore, #tpu.memory_space<semaphore_mem>>) src(%arg5 : memref<80x128xf32, #tpu.memory_space<vmem>>) dst(%dma_wait3A_28 : memref<80x128xf32, #tpu.memory_space<hbm>>)
      tpu.yield
    }) : () -> ()
    return
  }
}

#map = affine_map<(d0, d1) -> (0, 0)>
#map1 = affine_map<(d0, d1) -> (0)>
#map2 = affine_map<(d0, d1) -> (0, 0, 0)>
module attributes {stable_mosaic.version = 14 : i64} {
  func.func @_scatter_body(%arg0: i32, %arg1: i32, %arg2: memref<10240x128xf32, #tpu.memory_space<hbm>>, %arg3: memref<320000xi32, #tpu.memory_space<hbm>>, %arg4: memref<320000xi32, #tpu.memory_space<hbm>>, %arg5: memref<2x10240x128xf32, #tpu.memory_space<hbm>>, %arg6: memref<80xi32, #tpu.memory_space<vmem>>, %arg7: memref<80xi32, #tpu.memory_space<vmem>>, %arg8: memref<80xi32, #tpu.memory_space<vmem>>, %arg9: memref<80xi32, #tpu.memory_space<vmem>>, %arg10: memref<80xi32, #tpu.memory_space<vmem>>, %arg11: memref<80xi32, #tpu.memory_space<vmem>>, %arg12: memref<80xi32, #tpu.memory_space<vmem>>, %arg13: memref<80xi32, #tpu.memory_space<vmem>>, %arg14: memref<80x128xf32, #tpu.memory_space<vmem>>, %arg15: memref<80x128xf32, #tpu.memory_space<vmem>>, %arg16: memref<80x128xf32, #tpu.memory_space<vmem>>, %arg17: memref<80x128xf32, #tpu.memory_space<vmem>>, %arg18: memref<8x128xf32, #tpu.memory_space<vmem>>, %arg19: memref<10240x128xf32, #tpu.memory_space<vmem_shared>>, %arg20: memref<!tpu.dma_semaphore, #tpu.memory_space<semaphore_mem>>, %arg21: memref<!tpu.dma_semaphore, #tpu.memory_space<semaphore_mem>>, %arg22: memref<!tpu.dma_semaphore, #tpu.memory_space<semaphore_mem>>, %arg23: memref<!tpu.dma_semaphore, #tpu.memory_space<semaphore_mem>>, %arg24: memref<!tpu.dma_semaphore, #tpu.memory_space<semaphore_mem>>, %arg25: memref<!tpu.dma_semaphore, #tpu.memory_space<semaphore_mem>>, %arg26: memref<!tpu.dma_semaphore, #tpu.memory_space<semaphore_mem>>, %arg27: memref<!tpu.dma_semaphore, #tpu.memory_space<semaphore_mem>>, %arg28: memref<!tpu.dma_semaphore, #tpu.memory_space<semaphore_mem>>, %arg29: memref<!tpu.dma_semaphore, #tpu.memory_space<semaphore_mem>>, %arg30: memref<!tpu.dma_semaphore, #tpu.memory_space<semaphore_mem>>, %arg31: memref<!tpu.dma_semaphore, #tpu.memory_space<semaphore_mem>>, %arg32: memref<!tpu.dma_semaphore, #tpu.memory_space<semaphore_mem>>, %arg33: memref<!tpu.dma_semaphore, #tpu.memory_space<semaphore_mem>>, %arg34: memref<!tpu.dma_semaphore, #tpu.memory_space<semaphore_mem>>, %arg35: memref<!tpu.dma_semaphore, #tpu.memory_space<semaphore_mem>>) attributes {dimension_semantics = [#tpu.dimension_semantics<core_parallel>, #tpu.dimension_semantics<subcore_parallel>], iteration_bounds = array<i64: 2, 16>, scalar_prefetch = 0 : i64, scratch_operands = 30 : i64, tpu.core_type = #tpu.core_type<sc_vector_subcore>, window_params = [{transform_indices = #map}, {transform_indices = #map1}, {transform_indices = #map1}, {transform_indices = #map2}]} {
    %mul3A = arith.constant 2 : i32
    %mul3A_0 = arith.muli %arg1, %mul3A : i32
    %add3A = arith.addi %mul3A_0, %arg0 : i32
    %broadcast_in_dim3A = arith.constant 0.000000e+00 : f32
    %broadcast_in_dim3A_1 = vector.broadcast %broadcast_in_dim3A : f32 to vector<16xf32>
    %swap3A = arith.constant 0 : i32
    %swap3A_2 = arith.index_cast %swap3A : i32 to index
    %swap3A_3 = arith.constant 0 : index
    %swap3A_4 = tpu.vector_load %arg18[%swap3A_2, %swap3A_3] {strides = array<i32>} : memref<8x128xf32, #tpu.memory_space<vmem>>, vector<16xf32>,
    tpu.vector_store %arg18[%swap3A_2, %swap3A_3], %broadcast_in_dim3A_1 {strides = array<i32>} : memref<8x128xf32, #tpu.memory_space<vmem>>, vector<16xf32>,
    %swap3A_5 = arith.constant 0 : i32
    %swap3A_6 = arith.index_cast %swap3A_5 : i32 to index
    %swap3A_7 = arith.constant 16 : index
    %swap3A_8 = tpu.vector_load %arg18[%swap3A_6, %swap3A_7] {strides = array<i32>} : memref<8x128xf32, #tpu.memory_space<vmem>>, vector<16xf32>,
    tpu.vector_store %arg18[%swap3A_6, %swap3A_7], %broadcast_in_dim3A_1 {strides = array<i32>} : memref<8x128xf32, #tpu.memory_space<vmem>>, vector<16xf32>,
    %swap3A_9 = arith.constant 0 : i32
    %swap3A_10 = arith.index_cast %swap3A_9 : i32 to index
    %swap3A_11 = arith.constant 32 : index
    %swap3A_12 = tpu.vector_load %arg18[%swap3A_10, %swap3A_11] {strides = array<i32>} : memref<8x128xf32, #tpu.memory_space<vmem>>, vector<16xf32>,
    tpu.vector_store %arg18[%swap3A_10, %swap3A_11], %broadcast_in_dim3A_1 {strides = array<i32>} : memref<8x128xf32, #tpu.memory_space<vmem>>, vector<16xf32>,
    %swap3A_13 = arith.constant 0 : i32
    %swap3A_14 = arith.index_cast %swap3A_13 : i32 to index
    %swap3A_15 = arith.constant 48 : index
    %swap3A_16 = tpu.vector_load %arg18[%swap3A_14, %swap3A_15] {strides = array<i32>} : memref<8x128xf32, #tpu.memory_space<vmem>>, vector<16xf32>,
    tpu.vector_store %arg18[%swap3A_14, %swap3A_15], %broadcast_in_dim3A_1 {strides = array<i32>} : memref<8x128xf32, #tpu.memory_space<vmem>>, vector<16xf32>,
    %swap3A_17 = arith.constant 0 : i32
    %swap3A_18 = arith.index_cast %swap3A_17 : i32 to index
    %swap3A_19 = arith.constant 64 : index
    %swap3A_20 = tpu.vector_load %arg18[%swap3A_18, %swap3A_19] {strides = array<i32>} : memref<8x128xf32, #tpu.memory_space<vmem>>, vector<16xf32>,
    tpu.vector_store %arg18[%swap3A_18, %swap3A_19], %broadcast_in_dim3A_1 {strides = array<i32>} : memref<8x128xf32, #tpu.memory_space<vmem>>, vector<16xf32>,
    %swap3A_21 = arith.constant 0 : i32
    %swap3A_22 = arith.index_cast %swap3A_21 : i32 to index
    %swap3A_23 = arith.constant 80 : index
    %swap3A_24 = tpu.vector_load %arg18[%swap3A_22, %swap3A_23] {strides = array<i32>} : memref<8x128xf32, #tpu.memory_space<vmem>>, vector<16xf32>,
    tpu.vector_store %arg18[%swap3A_22, %swap3A_23], %broadcast_in_dim3A_1 {strides = array<i32>} : memref<8x128xf32, #tpu.memory_space<vmem>>, vector<16xf32>,
    %swap3A_25 = arith.constant 0 : i32
    %swap3A_26 = arith.index_cast %swap3A_25 : i32 to index
    %swap3A_27 = arith.constant 96 : index
    %swap3A_28 = tpu.vector_load %arg18[%swap3A_26, %swap3A_27] {strides = array<i32>} : memref<8x128xf32, #tpu.memory_space<vmem>>, vector<16xf32>,
    tpu.vector_store %arg18[%swap3A_26, %swap3A_27], %broadcast_in_dim3A_1 {strides = array<i32>} : memref<8x128xf32, #tpu.memory_space<vmem>>, vector<16xf32>,
    %swap3A_29 = arith.constant 0 : i32
    %swap3A_30 = arith.index_cast %swap3A_29 : i32 to index
    %swap3A_31 = arith.constant 112 : index
    %swap3A_32 = tpu.vector_load %arg18[%swap3A_30, %swap3A_31] {strides = array<i32>} : memref<8x128xf32, #tpu.memory_space<vmem>>, vector<16xf32>,
    tpu.vector_store %arg18[%swap3A_30, %swap3A_31], %broadcast_in_dim3A_1 {strides = array<i32>} : memref<8x128xf32, #tpu.memory_space<vmem>>, vector<16xf32>,
    %swap3A_33 = arith.constant 1 : i32
    %swap3A_34 = arith.index_cast %swap3A_33 : i32 to index
    %swap3A_35 = arith.constant 0 : index
    %swap3A_36 = tpu.vector_load %arg18[%swap3A_34, %swap3A_35] {strides = array<i32>} : memref<8x128xf32, #tpu.memory_space<vmem>>, vector<16xf32>,
    tpu.vector_store %arg18[%swap3A_34, %swap3A_35], %broadcast_in_dim3A_1 {strides = array<i32>} : memref<8x128xf32, #tpu.memory_space<vmem>>, vector<16xf32>,
    %swap3A_37 = arith.constant 1 : i32
    %swap3A_38 = arith.index_cast %swap3A_37 : i32 to index
    %swap3A_39 = arith.constant 16 : index
    %swap3A_40 = tpu.vector_load %arg18[%swap3A_38, %swap3A_39] {strides = array<i32>} : memref<8x128xf32, #tpu.memory_space<vmem>>, vector<16xf32>,
    tpu.vector_store %arg18[%swap3A_38, %swap3A_39], %broadcast_in_dim3A_1 {strides = array<i32>} : memref<8x128xf32, #tpu.memory_space<vmem>>, vector<16xf32>,
    %swap3A_41 = arith.constant 1 : i32
    %swap3A_42 = arith.index_cast %swap3A_41 : i32 to index
    %swap3A_43 = arith.constant 32 : index
    %swap3A_44 = tpu.vector_load %arg18[%swap3A_42, %swap3A_43] {strides = array<i32>} : memref<8x128xf32, #tpu.memory_space<vmem>>, vector<16xf32>,
    tpu.vector_store %arg18[%swap3A_42, %swap3A_43], %broadcast_in_dim3A_1 {strides = array<i32>} : memref<8x128xf32, #tpu.memory_space<vmem>>, vector<16xf32>,
    %swap3A_45 = arith.constant 1 : i32
    %swap3A_46 = arith.index_cast %swap3A_45 : i32 to index
    %swap3A_47 = arith.constant 48 : index
    %swap3A_48 = tpu.vector_load %arg18[%swap3A_46, %swap3A_47] {strides = array<i32>} : memref<8x128xf32, #tpu.memory_space<vmem>>, vector<16xf32>,
    tpu.vector_store %arg18[%swap3A_46, %swap3A_47], %broadcast_in_dim3A_1 {strides = array<i32>} : memref<8x128xf32, #tpu.memory_space<vmem>>, vector<16xf32>,
    %swap3A_49 = arith.constant 1 : i32
    %swap3A_50 = arith.index_cast %swap3A_49 : i32 to index
    %swap3A_51 = arith.constant 64 : index
    %swap3A_52 = tpu.vector_load %arg18[%swap3A_50, %swap3A_51] {strides = array<i32>} : memref<8x128xf32, #tpu.memory_space<vmem>>, vector<16xf32>,
    tpu.vector_store %arg18[%swap3A_50, %swap3A_51], %broadcast_in_dim3A_1 {strides = array<i32>} : memref<8x128xf32, #tpu.memory_space<vmem>>, vector<16xf32>,
    %swap3A_53 = arith.constant 1 : i32
    %swap3A_54 = arith.index_cast %swap3A_53 : i32 to index
    %swap3A_55 = arith.constant 80 : index
    %swap3A_56 = tpu.vector_load %arg18[%swap3A_54, %swap3A_55] {strides = array<i32>} : memref<8x128xf32, #tpu.memory_space<vmem>>, vector<16xf32>,
    tpu.vector_store %arg18[%swap3A_54, %swap3A_55], %broadcast_in_dim3A_1 {strides = array<i32>} : memref<8x128xf32, #tpu.memory_space<vmem>>, vector<16xf32>,
    %swap3A_57 = arith.constant 1 : i32
    %swap3A_58 = arith.index_cast %swap3A_57 : i32 to index
    %swap3A_59 = arith.constant 96 : index
    %swap3A_60 = tpu.vector_load %arg18[%swap3A_58, %swap3A_59] {strides = array<i32>} : memref<8x128xf32, #tpu.memory_space<vmem>>, vector<16xf32>,
    tpu.vector_store %arg18[%swap3A_58, %swap3A_59], %broadcast_in_dim3A_1 {strides = array<i32>} : memref<8x128xf32, #tpu.memory_space<vmem>>, vector<16xf32>,
    %swap3A_61 = arith.constant 1 : i32
    %swap3A_62 = arith.index_cast %swap3A_61 : i32 to index
    %swap3A_63 = arith.constant 112 : index
    %swap3A_64 = tpu.vector_load %arg18[%swap3A_62, %swap3A_63] {strides = array<i32>} : memref<8x128xf32, #tpu.memory_space<vmem>>, vector<16xf32>,
    tpu.vector_store %arg18[%swap3A_62, %swap3A_63], %broadcast_in_dim3A_1 {strides = array<i32>} : memref<8x128xf32, #tpu.memory_space<vmem>>, vector<16xf32>,
    %swap3A_65 = arith.constant 2 : i32
    %swap3A_66 = arith.index_cast %swap3A_65 : i32 to index
    %swap3A_67 = arith.constant 0 : index
    %swap3A_68 = tpu.vector_load %arg18[%swap3A_66, %swap3A_67] {strides = array<i32>} : memref<8x128xf32, #tpu.memory_space<vmem>>, vector<16xf32>,
    tpu.vector_store %arg18[%swap3A_66, %swap3A_67], %broadcast_in_dim3A_1 {strides = array<i32>} : memref<8x128xf32, #tpu.memory_space<vmem>>, vector<16xf32>,
    %swap3A_69 = arith.constant 2 : i32
    %swap3A_70 = arith.index_cast %swap3A_69 : i32 to index
    %swap3A_71 = arith.constant 16 : index
    %swap3A_72 = tpu.vector_load %arg18[%swap3A_70, %swap3A_71] {strides = array<i32>} : memref<8x128xf32, #tpu.memory_space<vmem>>, vector<16xf32>,
    tpu.vector_store %arg18[%swap3A_70, %swap3A_71], %broadcast_in_dim3A_1 {strides = array<i32>} : memref<8x128xf32, #tpu.memory_space<vmem>>, vector<16xf32>,
    %swap3A_73 = arith.constant 2 : i32
    %swap3A_74 = arith.index_cast %swap3A_73 : i32 to index
    %swap3A_75 = arith.constant 32 : index
    %swap3A_76 = tpu.vector_load %arg18[%swap3A_74, %swap3A_75] {strides = array<i32>} : memref<8x128xf32, #tpu.memory_space<vmem>>, vector<16xf32>,
    tpu.vector_store %arg18[%swap3A_74, %swap3A_75], %broadcast_in_dim3A_1 {strides = array<i32>} : memref<8x128xf32, #tpu.memory_space<vmem>>, vector<16xf32>,
    %swap3A_77 = arith.constant 2 : i32
    %swap3A_78 = arith.index_cast %swap3A_77 : i32 to index
    %swap3A_79 = arith.constant 48 : index
    %swap3A_80 = tpu.vector_load %arg18[%swap3A_78, %swap3A_79] {strides = array<i32>} : memref<8x128xf32, #tpu.memory_space<vmem>>, vector<16xf32>,
    tpu.vector_store %arg18[%swap3A_78, %swap3A_79], %broadcast_in_dim3A_1 {strides = array<i32>} : memref<8x128xf32, #tpu.memory_space<vmem>>, vector<16xf32>,
    %swap3A_81 = arith.constant 2 : i32
    %swap3A_82 = arith.index_cast %swap3A_81 : i32 to index
    %swap3A_83 = arith.constant 64 : index
    %swap3A_84 = tpu.vector_load %arg18[%swap3A_82, %swap3A_83] {strides = array<i32>} : memref<8x128xf32, #tpu.memory_space<vmem>>, vector<16xf32>,
    tpu.vector_store %arg18[%swap3A_82, %swap3A_83], %broadcast_in_dim3A_1 {strides = array<i32>} : memref<8x128xf32, #tpu.memory_space<vmem>>, vector<16xf32>,
    %swap3A_85 = arith.constant 2 : i32
    %swap3A_86 = arith.index_cast %swap3A_85 : i32 to index
    %swap3A_87 = arith.constant 80 : index
    %swap3A_88 = tpu.vector_load %arg18[%swap3A_86, %swap3A_87] {strides = array<i32>} : memref<8x128xf32, #tpu.memory_space<vmem>>, vector<16xf32>,
    tpu.vector_store %arg18[%swap3A_86, %swap3A_87], %broadcast_in_dim3A_1 {strides = array<i32>} : memref<8x128xf32, #tpu.memory_space<vmem>>, vector<16xf32>,
    %swap3A_89 = arith.constant 2 : i32
    %swap3A_90 = arith.index_cast %swap3A_89 : i32 to index
    %swap3A_91 = arith.constant 96 : index
    %swap3A_92 = tpu.vector_load %arg18[%swap3A_90, %swap3A_91] {strides = array<i32>} : memref<8x128xf32, #tpu.memory_space<vmem>>, vector<16xf32>,
    tpu.vector_store %arg18[%swap3A_90, %swap3A_91], %broadcast_in_dim3A_1 {strides = array<i32>} : memref<8x128xf32, #tpu.memory_space<vmem>>, vector<16xf32>,
    %swap3A_93 = arith.constant 2 : i32
    %swap3A_94 = arith.index_cast %swap3A_93 : i32 to index
    %swap3A_95 = arith.constant 112 : index
    %swap3A_96 = tpu.vector_load %arg18[%swap3A_94, %swap3A_95] {strides = array<i32>} : memref<8x128xf32, #tpu.memory_space<vmem>>, vector<16xf32>,
    tpu.vector_store %arg18[%swap3A_94, %swap3A_95], %broadcast_in_dim3A_1 {strides = array<i32>} : memref<8x128xf32, #tpu.memory_space<vmem>>, vector<16xf32>,
    %swap3A_97 = arith.constant 3 : i32
    %swap3A_98 = arith.index_cast %swap3A_97 : i32 to index
    %swap3A_99 = arith.constant 0 : index
    %swap3A_100 = tpu.vector_load %arg18[%swap3A_98, %swap3A_99] {strides = array<i32>} : memref<8x128xf32, #tpu.memory_space<vmem>>, vector<16xf32>,
    tpu.vector_store %arg18[%swap3A_98, %swap3A_99], %broadcast_in_dim3A_1 {strides = array<i32>} : memref<8x128xf32, #tpu.memory_space<vmem>>, vector<16xf32>,
    %swap3A_101 = arith.constant 3 : i32
    %swap3A_102 = arith.index_cast %swap3A_101 : i32 to index
    %swap3A_103 = arith.constant 16 : index
    %swap3A_104 = tpu.vector_load %arg18[%swap3A_102, %swap3A_103] {strides = array<i32>} : memref<8x128xf32, #tpu.memory_space<vmem>>, vector<16xf32>,
    tpu.vector_store %arg18[%swap3A_102, %swap3A_103], %broadcast_in_dim3A_1 {strides = array<i32>} : memref<8x128xf32, #tpu.memory_space<vmem>>, vector<16xf32>,
    %swap3A_105 = arith.constant 3 : i32
    %swap3A_106 = arith.index_cast %swap3A_105 : i32 to index
    %swap3A_107 = arith.constant 32 : index
    %swap3A_108 = tpu.vector_load %arg18[%swap3A_106, %swap3A_107] {strides = array<i32>} : memref<8x128xf32, #tpu.memory_space<vmem>>, vector<16xf32>,
    tpu.vector_store %arg18[%swap3A_106, %swap3A_107], %broadcast_in_dim3A_1 {strides = array<i32>} : memref<8x128xf32, #tpu.memory_space<vmem>>, vector<16xf32>,
    %swap3A_109 = arith.constant 3 : i32
    %swap3A_110 = arith.index_cast %swap3A_109 : i32 to index
    %swap3A_111 = arith.constant 48 : index
    %swap3A_112 = tpu.vector_load %arg18[%swap3A_110, %swap3A_111] {strides = array<i32>} : memref<8x128xf32, #tpu.memory_space<vmem>>, vector<16xf32>,
    tpu.vector_store %arg18[%swap3A_110, %swap3A_111], %broadcast_in_dim3A_1 {strides = array<i32>} : memref<8x128xf32, #tpu.memory_space<vmem>>, vector<16xf32>,
    %swap3A_113 = arith.constant 3 : i32
    %swap3A_114 = arith.index_cast %swap3A_113 : i32 to index
    %swap3A_115 = arith.constant 64 : index
    %swap3A_116 = tpu.vector_load %arg18[%swap3A_114, %swap3A_115] {strides = array<i32>} : memref<8x128xf32, #tpu.memory_space<vmem>>, vector<16xf32>,
    tpu.vector_store %arg18[%swap3A_114, %swap3A_115], %broadcast_in_dim3A_1 {strides = array<i32>} : memref<8x128xf32, #tpu.memory_space<vmem>>, vector<16xf32>,
    %swap3A_117 = arith.constant 3 : i32
    %swap3A_118 = arith.index_cast %swap3A_117 : i32 to index
    %swap3A_119 = arith.constant 80 : index
    %swap3A_120 = tpu.vector_load %arg18[%swap3A_118, %swap3A_119] {strides = array<i32>} : memref<8x128xf32, #tpu.memory_space<vmem>>, vector<16xf32>,
    tpu.vector_store %arg18[%swap3A_118, %swap3A_119], %broadcast_in_dim3A_1 {strides = array<i32>} : memref<8x128xf32, #tpu.memory_space<vmem>>, vector<16xf32>,
    %swap3A_121 = arith.constant 3 : i32
    %swap3A_122 = arith.index_cast %swap3A_121 : i32 to index
    %swap3A_123 = arith.constant 96 : index
    %swap3A_124 = tpu.vector_load %arg18[%swap3A_122, %swap3A_123] {strides = array<i32>} : memref<8x128xf32, #tpu.memory_space<vmem>>, vector<16xf32>,
    tpu.vector_store %arg18[%swap3A_122, %swap3A_123], %broadcast_in_dim3A_1 {strides = array<i32>} : memref<8x128xf32, #tpu.memory_space<vmem>>, vector<16xf32>,
    %swap3A_125 = arith.constant 3 : i32
    %swap3A_126 = arith.index_cast %swap3A_125 : i32 to index
    %swap3A_127 = arith.constant 112 : index
    %swap3A_128 = tpu.vector_load %arg18[%swap3A_126, %swap3A_127] {strides = array<i32>} : memref<8x128xf32, #tpu.memory_space<vmem>>, vector<16xf32>,
    tpu.vector_store %arg18[%swap3A_126, %swap3A_127], %broadcast_in_dim3A_1 {strides = array<i32>} : memref<8x128xf32, #tpu.memory_space<vmem>>, vector<16xf32>,
    %swap3A_129 = arith.constant 4 : i32
    %swap3A_130 = arith.index_cast %swap3A_129 : i32 to index
    %swap3A_131 = arith.constant 0 : index
    %swap3A_132 = tpu.vector_load %arg18[%swap3A_130, %swap3A_131] {strides = array<i32>} : memref<8x128xf32, #tpu.memory_space<vmem>>, vector<16xf32>,
    tpu.vector_store %arg18[%swap3A_130, %swap3A_131], %broadcast_in_dim3A_1 {strides = array<i32>} : memref<8x128xf32, #tpu.memory_space<vmem>>, vector<16xf32>,
    %swap3A_133 = arith.constant 4 : i32
    %swap3A_134 = arith.index_cast %swap3A_133 : i32 to index
    %swap3A_135 = arith.constant 16 : index
    %swap3A_136 = tpu.vector_load %arg18[%swap3A_134, %swap3A_135] {strides = array<i32>} : memref<8x128xf32, #tpu.memory_space<vmem>>, vector<16xf32>,
    tpu.vector_store %arg18[%swap3A_134, %swap3A_135], %broadcast_in_dim3A_1 {strides = array<i32>} : memref<8x128xf32, #tpu.memory_space<vmem>>, vector<16xf32>,
    %swap3A_137 = arith.constant 4 : i32
    %swap3A_138 = arith.index_cast %swap3A_137 : i32 to index
    %swap3A_139 = arith.constant 32 : index
    %swap3A_140 = tpu.vector_load %arg18[%swap3A_138, %swap3A_139] {strides = array<i32>} : memref<8x128xf32, #tpu.memory_space<vmem>>, vector<16xf32>,
    tpu.vector_store %arg18[%swap3A_138, %swap3A_139], %broadcast_in_dim3A_1 {strides = array<i32>} : memref<8x128xf32, #tpu.memory_space<vmem>>, vector<16xf32>,
    %swap3A_141 = arith.constant 4 : i32
    %swap3A_142 = arith.index_cast %swap3A_141 : i32 to index
    %swap3A_143 = arith.constant 48 : index
    %swap3A_144 = tpu.vector_load %arg18[%swap3A_142, %swap3A_143] {strides = array<i32>} : memref<8x128xf32, #tpu.memory_space<vmem>>, vector<16xf32>,
    tpu.vector_store %arg18[%swap3A_142, %swap3A_143], %broadcast_in_dim3A_1 {strides = array<i32>} : memref<8x128xf32, #tpu.memory_space<vmem>>, vector<16xf32>,
    %swap3A_145 = arith.constant 4 : i32
    %swap3A_146 = arith.index_cast %swap3A_145 : i32 to index
    %swap3A_147 = arith.constant 64 : index
    %swap3A_148 = tpu.vector_load %arg18[%swap3A_146, %swap3A_147] {strides = array<i32>} : memref<8x128xf32, #tpu.memory_space<vmem>>, vector<16xf32>,
    tpu.vector_store %arg18[%swap3A_146, %swap3A_147], %broadcast_in_dim3A_1 {strides = array<i32>} : memref<8x128xf32, #tpu.memory_space<vmem>>, vector<16xf32>,
    %swap3A_149 = arith.constant 4 : i32
    %swap3A_150 = arith.index_cast %swap3A_149 : i32 to index
    %swap3A_151 = arith.constant 80 : index
    %swap3A_152 = tpu.vector_load %arg18[%swap3A_150, %swap3A_151] {strides = array<i32>} : memref<8x128xf32, #tpu.memory_space<vmem>>, vector<16xf32>,
    tpu.vector_store %arg18[%swap3A_150, %swap3A_151], %broadcast_in_dim3A_1 {strides = array<i32>} : memref<8x128xf32, #tpu.memory_space<vmem>>, vector<16xf32>,
    %swap3A_153 = arith.constant 4 : i32
    %swap3A_154 = arith.index_cast %swap3A_153 : i32 to index
    %swap3A_155 = arith.constant 96 : index
    %swap3A_156 = tpu.vector_load %arg18[%swap3A_154, %swap3A_155] {strides = array<i32>} : memref<8x128xf32, #tpu.memory_space<vmem>>, vector<16xf32>,
    tpu.vector_store %arg18[%swap3A_154, %swap3A_155], %broadcast_in_dim3A_1 {strides = array<i32>} : memref<8x128xf32, #tpu.memory_space<vmem>>, vector<16xf32>,
    %swap3A_157 = arith.constant 4 : i32
    %swap3A_158 = arith.index_cast %swap3A_157 : i32 to index
    %swap3A_159 = arith.constant 112 : index
    %swap3A_160 = tpu.vector_load %arg18[%swap3A_158, %swap3A_159] {strides = array<i32>} : memref<8x128xf32, #tpu.memory_space<vmem>>, vector<16xf32>,
    tpu.vector_store %arg18[%swap3A_158, %swap3A_159], %broadcast_in_dim3A_1 {strides = array<i32>} : memref<8x128xf32, #tpu.memory_space<vmem>>, vector<16xf32>,
    %swap3A_161 = arith.constant 5 : i32
    %swap3A_162 = arith.index_cast %swap3A_161 : i32 to index
    %swap3A_163 = arith.constant 0 : index
    %swap3A_164 = tpu.vector_load %arg18[%swap3A_162, %swap3A_163] {strides = array<i32>} : memref<8x128xf32, #tpu.memory_space<vmem>>, vector<16xf32>,
    tpu.vector_store %arg18[%swap3A_162, %swap3A_163], %broadcast_in_dim3A_1 {strides = array<i32>} : memref<8x128xf32, #tpu.memory_space<vmem>>, vector<16xf32>,
    %swap3A_165 = arith.constant 5 : i32
    %swap3A_166 = arith.index_cast %swap3A_165 : i32 to index
    %swap3A_167 = arith.constant 16 : index
    %swap3A_168 = tpu.vector_load %arg18[%swap3A_166, %swap3A_167] {strides = array<i32>} : memref<8x128xf32, #tpu.memory_space<vmem>>, vector<16xf32>,
    tpu.vector_store %arg18[%swap3A_166, %swap3A_167], %broadcast_in_dim3A_1 {strides = array<i32>} : memref<8x128xf32, #tpu.memory_space<vmem>>, vector<16xf32>,
    %swap3A_169 = arith.constant 5 : i32
    %swap3A_170 = arith.index_cast %swap3A_169 : i32 to index
    %swap3A_171 = arith.constant 32 : index
    %swap3A_172 = tpu.vector_load %arg18[%swap3A_170, %swap3A_171] {strides = array<i32>} : memref<8x128xf32, #tpu.memory_space<vmem>>, vector<16xf32>,
    tpu.vector_store %arg18[%swap3A_170, %swap3A_171], %broadcast_in_dim3A_1 {strides = array<i32>} : memref<8x128xf32, #tpu.memory_space<vmem>>, vector<16xf32>,
    %swap3A_173 = arith.constant 5 : i32
    %swap3A_174 = arith.index_cast %swap3A_173 : i32 to index
    %swap3A_175 = arith.constant 48 : index
    %swap3A_176 = tpu.vector_load %arg18[%swap3A_174, %swap3A_175] {strides = array<i32>} : memref<8x128xf32, #tpu.memory_space<vmem>>, vector<16xf32>,
    tpu.vector_store %arg18[%swap3A_174, %swap3A_175], %broadcast_in_dim3A_1 {strides = array<i32>} : memref<8x128xf32, #tpu.memory_space<vmem>>, vector<16xf32>,
    %swap3A_177 = arith.constant 5 : i32
    %swap3A_178 = arith.index_cast %swap3A_177 : i32 to index
    %swap3A_179 = arith.constant 64 : index
    %swap3A_180 = tpu.vector_load %arg18[%swap3A_178, %swap3A_179] {strides = array<i32>} : memref<8x128xf32, #tpu.memory_space<vmem>>, vector<16xf32>,
    tpu.vector_store %arg18[%swap3A_178, %swap3A_179], %broadcast_in_dim3A_1 {strides = array<i32>} : memref<8x128xf32, #tpu.memory_space<vmem>>, vector<16xf32>,
    %swap3A_181 = arith.constant 5 : i32
    %swap3A_182 = arith.index_cast %swap3A_181 : i32 to index
    %swap3A_183 = arith.constant 80 : index
    %swap3A_184 = tpu.vector_load %arg18[%swap3A_182, %swap3A_183] {strides = array<i32>} : memref<8x128xf32, #tpu.memory_space<vmem>>, vector<16xf32>,
    tpu.vector_store %arg18[%swap3A_182, %swap3A_183], %broadcast_in_dim3A_1 {strides = array<i32>} : memref<8x128xf32, #tpu.memory_space<vmem>>, vector<16xf32>,
    %swap3A_185 = arith.constant 5 : i32
    %swap3A_186 = arith.index_cast %swap3A_185 : i32 to index
    %swap3A_187 = arith.constant 96 : index
    %swap3A_188 = tpu.vector_load %arg18[%swap3A_186, %swap3A_187] {strides = array<i32>} : memref<8x128xf32, #tpu.memory_space<vmem>>, vector<16xf32>,
    tpu.vector_store %arg18[%swap3A_186, %swap3A_187], %broadcast_in_dim3A_1 {strides = array<i32>} : memref<8x128xf32, #tpu.memory_space<vmem>>, vector<16xf32>,
    %swap3A_189 = arith.constant 5 : i32
    %swap3A_190 = arith.index_cast %swap3A_189 : i32 to index
    %swap3A_191 = arith.constant 112 : index
    %swap3A_192 = tpu.vector_load %arg18[%swap3A_190, %swap3A_191] {strides = array<i32>} : memref<8x128xf32, #tpu.memory_space<vmem>>, vector<16xf32>,
    tpu.vector_store %arg18[%swap3A_190, %swap3A_191], %broadcast_in_dim3A_1 {strides = array<i32>} : memref<8x128xf32, #tpu.memory_space<vmem>>, vector<16xf32>,
    %swap3A_193 = arith.constant 6 : i32
    %swap3A_194 = arith.index_cast %swap3A_193 : i32 to index
    %swap3A_195 = arith.constant 0 : index
    %swap3A_196 = tpu.vector_load %arg18[%swap3A_194, %swap3A_195] {strides = array<i32>} : memref<8x128xf32, #tpu.memory_space<vmem>>, vector<16xf32>,
    tpu.vector_store %arg18[%swap3A_194, %swap3A_195], %broadcast_in_dim3A_1 {strides = array<i32>} : memref<8x128xf32, #tpu.memory_space<vmem>>, vector<16xf32>,
    %swap3A_197 = arith.constant 6 : i32
    %swap3A_198 = arith.index_cast %swap3A_197 : i32 to index
    %swap3A_199 = arith.constant 16 : index
    %swap3A_200 = tpu.vector_load %arg18[%swap3A_198, %swap3A_199] {strides = array<i32>} : memref<8x128xf32, #tpu.memory_space<vmem>>, vector<16xf32>,
    tpu.vector_store %arg18[%swap3A_198, %swap3A_199], %broadcast_in_dim3A_1 {strides = array<i32>} : memref<8x128xf32, #tpu.memory_space<vmem>>, vector<16xf32>,
    %swap3A_201 = arith.constant 6 : i32
    %swap3A_202 = arith.index_cast %swap3A_201 : i32 to index
    %swap3A_203 = arith.constant 32 : index
    %swap3A_204 = tpu.vector_load %arg18[%swap3A_202, %swap3A_203] {strides = array<i32>} : memref<8x128xf32, #tpu.memory_space<vmem>>, vector<16xf32>,
    tpu.vector_store %arg18[%swap3A_202, %swap3A_203], %broadcast_in_dim3A_1 {strides = array<i32>} : memref<8x128xf32, #tpu.memory_space<vmem>>, vector<16xf32>,
    %swap3A_205 = arith.constant 6 : i32
    %swap3A_206 = arith.index_cast %swap3A_205 : i32 to index
    %swap3A_207 = arith.constant 48 : index
    %swap3A_208 = tpu.vector_load %arg18[%swap3A_206, %swap3A_207] {strides = array<i32>} : memref<8x128xf32, #tpu.memory_space<vmem>>, vector<16xf32>,
    tpu.vector_store %arg18[%swap3A_206, %swap3A_207], %broadcast_in_dim3A_1 {strides = array<i32>} : memref<8x128xf32, #tpu.memory_space<vmem>>, vector<16xf32>,
    %swap3A_209 = arith.constant 6 : i32
    %swap3A_210 = arith.index_cast %swap3A_209 : i32 to index
    %swap3A_211 = arith.constant 64 : index
    %swap3A_212 = tpu.vector_load %arg18[%swap3A_210, %swap3A_211] {strides = array<i32>} : memref<8x128xf32, #tpu.memory_space<vmem>>, vector<16xf32>,
    tpu.vector_store %arg18[%swap3A_210, %swap3A_211], %broadcast_in_dim3A_1 {strides = array<i32>} : memref<8x128xf32, #tpu.memory_space<vmem>>, vector<16xf32>,
    %swap3A_213 = arith.constant 6 : i32
    %swap3A_214 = arith.index_cast %swap3A_213 : i32 to index
    %swap3A_215 = arith.constant 80 : index
    %swap3A_216 = tpu.vector_load %arg18[%swap3A_214, %swap3A_215] {strides = array<i32>} : memref<8x128xf32, #tpu.memory_space<vmem>>, vector<16xf32>,
    tpu.vector_store %arg18[%swap3A_214, %swap3A_215], %broadcast_in_dim3A_1 {strides = array<i32>} : memref<8x128xf32, #tpu.memory_space<vmem>>, vector<16xf32>,
    %swap3A_217 = arith.constant 6 : i32
    %swap3A_218 = arith.index_cast %swap3A_217 : i32 to index
    %swap3A_219 = arith.constant 96 : index
    %swap3A_220 = tpu.vector_load %arg18[%swap3A_218, %swap3A_219] {strides = array<i32>} : memref<8x128xf32, #tpu.memory_space<vmem>>, vector<16xf32>,
    tpu.vector_store %arg18[%swap3A_218, %swap3A_219], %broadcast_in_dim3A_1 {strides = array<i32>} : memref<8x128xf32, #tpu.memory_space<vmem>>, vector<16xf32>,
    %swap3A_221 = arith.constant 6 : i32
    %swap3A_222 = arith.index_cast %swap3A_221 : i32 to index
    %swap3A_223 = arith.constant 112 : index
    %swap3A_224 = tpu.vector_load %arg18[%swap3A_222, %swap3A_223] {strides = array<i32>} : memref<8x128xf32, #tpu.memory_space<vmem>>, vector<16xf32>,
    tpu.vector_store %arg18[%swap3A_222, %swap3A_223], %broadcast_in_dim3A_1 {strides = array<i32>} : memref<8x128xf32, #tpu.memory_space<vmem>>, vector<16xf32>,
    %swap3A_225 = arith.constant 7 : i32
    %swap3A_226 = arith.index_cast %swap3A_225 : i32 to index
    %swap3A_227 = arith.constant 0 : index
    %swap3A_228 = tpu.vector_load %arg18[%swap3A_226, %swap3A_227] {strides = array<i32>} : memref<8x128xf32, #tpu.memory_space<vmem>>, vector<16xf32>,
    tpu.vector_store %arg18[%swap3A_226, %swap3A_227], %broadcast_in_dim3A_1 {strides = array<i32>} : memref<8x128xf32, #tpu.memory_space<vmem>>, vector<16xf32>,
    %swap3A_229 = arith.constant 7 : i32
    %swap3A_230 = arith.index_cast %swap3A_229 : i32 to index
    %swap3A_231 = arith.constant 16 : index
    %swap3A_232 = tpu.vector_load %arg18[%swap3A_230, %swap3A_231] {strides = array<i32>} : memref<8x128xf32, #tpu.memory_space<vmem>>, vector<16xf32>,
    tpu.vector_store %arg18[%swap3A_230, %swap3A_231], %broadcast_in_dim3A_1 {strides = array<i32>} : memref<8x128xf32, #tpu.memory_space<vmem>>, vector<16xf32>,
    %swap3A_233 = arith.constant 7 : i32
    %swap3A_234 = arith.index_cast %swap3A_233 : i32 to index
    %swap3A_235 = arith.constant 32 : index
    %swap3A_236 = tpu.vector_load %arg18[%swap3A_234, %swap3A_235] {strides = array<i32>} : memref<8x128xf32, #tpu.memory_space<vmem>>, vector<16xf32>,
    tpu.vector_store %arg18[%swap3A_234, %swap3A_235], %broadcast_in_dim3A_1 {strides = array<i32>} : memref<8x128xf32, #tpu.memory_space<vmem>>, vector<16xf32>,
    %swap3A_237 = arith.constant 7 : i32
    %swap3A_238 = arith.index_cast %swap3A_237 : i32 to index
    %swap3A_239 = arith.constant 48 : index
    %swap3A_240 = tpu.vector_load %arg18[%swap3A_238, %swap3A_239] {strides = array<i32>} : memref<8x128xf32, #tpu.memory_space<vmem>>, vector<16xf32>,
    tpu.vector_store %arg18[%swap3A_238, %swap3A_239], %broadcast_in_dim3A_1 {strides = array<i32>} : memref<8x128xf32, #tpu.memory_space<vmem>>, vector<16xf32>,
    %swap3A_241 = arith.constant 7 : i32
    %swap3A_242 = arith.index_cast %swap3A_241 : i32 to index
    %swap3A_243 = arith.constant 64 : index
    %swap3A_244 = tpu.vector_load %arg18[%swap3A_242, %swap3A_243] {strides = array<i32>} : memref<8x128xf32, #tpu.memory_space<vmem>>, vector<16xf32>,
    tpu.vector_store %arg18[%swap3A_242, %swap3A_243], %broadcast_in_dim3A_1 {strides = array<i32>} : memref<8x128xf32, #tpu.memory_space<vmem>>, vector<16xf32>,
    %swap3A_245 = arith.constant 7 : i32
    %swap3A_246 = arith.index_cast %swap3A_245 : i32 to index
    %swap3A_247 = arith.constant 80 : index
    %swap3A_248 = tpu.vector_load %arg18[%swap3A_246, %swap3A_247] {strides = array<i32>} : memref<8x128xf32, #tpu.memory_space<vmem>>, vector<16xf32>,
    tpu.vector_store %arg18[%swap3A_246, %swap3A_247], %broadcast_in_dim3A_1 {strides = array<i32>} : memref<8x128xf32, #tpu.memory_space<vmem>>, vector<16xf32>,
    %swap3A_249 = arith.constant 7 : i32
    %swap3A_250 = arith.index_cast %swap3A_249 : i32 to index
    %swap3A_251 = arith.constant 96 : index
    %swap3A_252 = tpu.vector_load %arg18[%swap3A_250, %swap3A_251] {strides = array<i32>} : memref<8x128xf32, #tpu.memory_space<vmem>>, vector<16xf32>,
    tpu.vector_store %arg18[%swap3A_250, %swap3A_251], %broadcast_in_dim3A_1 {strides = array<i32>} : memref<8x128xf32, #tpu.memory_space<vmem>>, vector<16xf32>,
    %swap3A_253 = arith.constant 7 : i32
    %swap3A_254 = arith.index_cast %swap3A_253 : i32 to index
    %swap3A_255 = arith.constant 112 : index
    %swap3A_256 = tpu.vector_load %arg18[%swap3A_254, %swap3A_255] {strides = array<i32>} : memref<8x128xf32, #tpu.memory_space<vmem>>, vector<16xf32>,
    tpu.vector_store %arg18[%swap3A_254, %swap3A_255], %broadcast_in_dim3A_1 {strides = array<i32>} : memref<8x128xf32, #tpu.memory_space<vmem>>, vector<16xf32>,
    %scan3A = arith.constant 0 : i32
    %scan3A_257 = arith.constant 80 : i32
    %scan3A_258 = arith.addi %scan3A, %scan3A_257 : i32
    %scan3A_259 = arith.constant 1 : i32
    scf.for %scan3A_368 = %scan3A to %scan3A_258 step %scan3A_259  : i32 {
      %mul3A_369 = arith.constant 640 : i32
      %mul3A_370 = arith.muli %arg1, %mul3A_369 : i32
      %mul3A_371 = arith.constant 8 : i32
      %mul3A_372 = arith.muli %scan3A_368, %mul3A_371 : i32
      %add3A_373 = arith.addi %mul3A_370, %mul3A_372 : i32
      "tpu.region"() ({
        %run_scoped3A = tpu.sem_alloc : memref<!tpu.dma_semaphore, #tpu.memory_space<semaphore_mem>>
        %dma_start3A_374 = arith.constant 0 : i32
        %dma_start3A_375 = tpu.memref_slice %arg19[%add3A_373, %dma_start3A_374] : memref<10240x128xf32, #tpu.memory_space<vmem_shared>> -> memref<8x128xf32, #tpu.memory_space<vmem_shared>>
        %dma_start3A_376 = arith.constant 0 : i32
        %dma_start3A_377 = tpu.memref_slice %arg19[%add3A_373, %dma_start3A_376] : memref<10240x128xf32, #tpu.memory_space<vmem_shared>> -> memref<8x128xf32, #tpu.memory_space<vmem_shared>>
        tpu.enqueue_dma source(%arg18 : memref<8x128xf32, #tpu.memory_space<vmem>>) target(%dma_start3A_377 : memref<8x128xf32, #tpu.memory_space<vmem_shared>>) target_semaphore(%run_scoped3A : memref<!tpu.dma_semaphore, #tpu.memory_space<semaphore_mem>>)
        %dma_wait3A_378 = arith.constant 0 : i32
        %dma_wait3A_379 = tpu.memref_slice %arg19[%add3A_373, %dma_wait3A_378] : memref<10240x128xf32, #tpu.memory_space<vmem_shared>> -> memref<8x128xf32, #tpu.memory_space<vmem_shared>>
        %dma_wait3A_380 = arith.constant 0 : i32
        %dma_wait3A_381 = tpu.memref_slice %arg19[%add3A_373, %dma_wait3A_380] : memref<10240x128xf32, #tpu.memory_space<vmem_shared>> -> memref<8x128xf32, #tpu.memory_space<vmem_shared>>
        tpu.wait_dma2 semaphore(%run_scoped3A : memref<!tpu.dma_semaphore, #tpu.memory_space<semaphore_mem>>) src(%arg18 : memref<8x128xf32, #tpu.memory_space<vmem>>) dst(%dma_wait3A_381 : memref<8x128xf32, #tpu.memory_space<vmem_shared>>)
        tpu.yield
      }) : () -> ()
    }
    %scan3A_260 = arith.constant 80 : i32
    %barrier3A = arith.constant 0 : index
    tpu.barrier barrier_id(%barrier3A)
    %mul3A_261 = arith.constant 10000 : i32
    %mul3A_262 = arith.muli %add3A, %mul3A_261 : i32
    %add3A_263 = arith.constant 0 : i32
    %add3A_264 = arith.addi %mul3A_262, %add3A_263 : i32
    %dma_start3A = tpu.memref_slice %arg3[%add3A_264] : memref<320000xi32, #tpu.memory_space<hbm>> -> memref<80xi32, #tpu.memory_space<hbm>>
    %dma_start3A_265 = tpu.memref_slice %arg3[%add3A_264] : memref<320000xi32, #tpu.memory_space<hbm>> -> memref<80xi32, #tpu.memory_space<hbm>>
    tpu.enqueue_dma source(%dma_start3A_265 : memref<80xi32, #tpu.memory_space<hbm>>) target(%arg6 : memref<80xi32, #tpu.memory_space<vmem>>) target_semaphore(%arg24 : memref<!tpu.dma_semaphore, #tpu.memory_space<semaphore_mem>>)
    %mul3A_266 = arith.constant 10000 : i32
    %mul3A_267 = arith.muli %add3A, %mul3A_266 : i32
    %add3A_268 = arith.constant 0 : i32
    %add3A_269 = arith.addi %mul3A_267, %add3A_268 : i32
    %dma_start3A_270 = tpu.memref_slice %arg4[%add3A_269] : memref<320000xi32, #tpu.memory_space<hbm>> -> memref<80xi32, #tpu.memory_space<hbm>>
    %dma_start3A_271 = tpu.memref_slice %arg4[%add3A_269] : memref<320000xi32, #tpu.memory_space<hbm>> -> memref<80xi32, #tpu.memory_space<hbm>>
    tpu.enqueue_dma source(%dma_start3A_271 : memref<80xi32, #tpu.memory_space<hbm>>) target(%arg10 : memref<80xi32, #tpu.memory_space<vmem>>) target_semaphore(%arg28 : memref<!tpu.dma_semaphore, #tpu.memory_space<semaphore_mem>>)
    %mul3A_272 = arith.constant 10000 : i32
    %mul3A_273 = arith.muli %add3A, %mul3A_272 : i32
    %add3A_274 = arith.constant 0 : i32
    %add3A_275 = arith.addi %mul3A_273, %add3A_274 : i32
    %dma_wait3A = tpu.memref_slice %arg3[%add3A_275] : memref<320000xi32, #tpu.memory_space<hbm>> -> memref<80xi32, #tpu.memory_space<hbm>>
    %dma_wait3A_276 = tpu.memref_slice %arg3[%add3A_275] : memref<320000xi32, #tpu.memory_space<hbm>> -> memref<80xi32, #tpu.memory_space<hbm>>
    tpu.wait_dma2 semaphore(%arg24 : memref<!tpu.dma_semaphore, #tpu.memory_space<semaphore_mem>>) src(%dma_wait3A_276 : memref<80xi32, #tpu.memory_space<hbm>>) dst(%arg6 : memref<80xi32, #tpu.memory_space<vmem>>)
    %dma_start3A_277 = arith.constant 0 : i32
    %dma_start3A_278 = arith.constant 0 : i32
    %dma_start3A_279 = tpu.memref_slice %arg2[%dma_start3A_277, %dma_start3A_278] : memref<10240x128xf32, #tpu.memory_space<hbm>> -> memref<10240x128xf32, #tpu.memory_space<hbm>>
    tpu.enqueue_indirect_dma source(%dma_start3A_279 : memref<10240x128xf32, #tpu.memory_space<hbm>>) target(%arg14 : memref<80x128xf32, #tpu.memory_space<vmem>>) offsets(%arg6 : memref<80xi32, #tpu.memory_space<vmem>>) semaphore(%arg20 : memref<!tpu.dma_semaphore, #tpu.memory_space<semaphore_mem>>)
    %mul3A_280 = arith.constant 10000 : i32
    %mul3A_281 = arith.muli %add3A, %mul3A_280 : i32
    %add3A_282 = arith.constant 80 : i32
    %add3A_283 = arith.addi %mul3A_281, %add3A_282 : i32
    %dma_start3A_284 = tpu.memref_slice %arg3[%add3A_283] : memref<320000xi32, #tpu.memory_space<hbm>> -> memref<80xi32, #tpu.memory_space<hbm>>
    %dma_start3A_285 = tpu.memref_slice %arg3[%add3A_283] : memref<320000xi32, #tpu.memory_space<hbm>> -> memref<80xi32, #tpu.memory_space<hbm>>
    tpu.enqueue_dma source(%dma_start3A_285 : memref<80xi32, #tpu.memory_space<hbm>>) target(%arg7 : memref<80xi32, #tpu.memory_space<vmem>>) target_semaphore(%arg25 : memref<!tpu.dma_semaphore, #tpu.memory_space<semaphore_mem>>)
    %mul3A_286 = arith.constant 10000 : i32
    %mul3A_287 = arith.muli %add3A, %mul3A_286 : i32
    %add3A_288 = arith.constant 80 : i32
    %add3A_289 = arith.addi %mul3A_287, %add3A_288 : i32
    %dma_start3A_290 = tpu.memref_slice %arg4[%add3A_289] : memref<320000xi32, #tpu.memory_space<hbm>> -> memref<80xi32, #tpu.memory_space<hbm>>
    %dma_start3A_291 = tpu.memref_slice %arg4[%add3A_289] : memref<320000xi32, #tpu.memory_space<hbm>> -> memref<80xi32, #tpu.memory_space<hbm>>
    tpu.enqueue_dma source(%dma_start3A_291 : memref<80xi32, #tpu.memory_space<hbm>>) target(%arg11 : memref<80xi32, #tpu.memory_space<vmem>>) target_semaphore(%arg29 : memref<!tpu.dma_semaphore, #tpu.memory_space<semaphore_mem>>)
    %mul3A_292 = arith.constant 10000 : i32
    %mul3A_293 = arith.muli %add3A, %mul3A_292 : i32
    %add3A_294 = arith.constant 80 : i32
    %add3A_295 = arith.addi %mul3A_293, %add3A_294 : i32
    %dma_wait3A_296 = tpu.memref_slice %arg3[%add3A_295] : memref<320000xi32, #tpu.memory_space<hbm>> -> memref<80xi32, #tpu.memory_space<hbm>>
    %dma_wait3A_297 = tpu.memref_slice %arg3[%add3A_295] : memref<320000xi32, #tpu.memory_space<hbm>> -> memref<80xi32, #tpu.memory_space<hbm>>
    tpu.wait_dma2 semaphore(%arg25 : memref<!tpu.dma_semaphore, #tpu.memory_space<semaphore_mem>>) src(%dma_wait3A_297 : memref<80xi32, #tpu.memory_space<hbm>>) dst(%arg7 : memref<80xi32, #tpu.memory_space<vmem>>)
    %dma_start3A_298 = arith.constant 0 : i32
    %dma_start3A_299 = arith.constant 0 : i32
    %dma_start3A_300 = tpu.memref_slice %arg2[%dma_start3A_298, %dma_start3A_299] : memref<10240x128xf32, #tpu.memory_space<hbm>> -> memref<10240x128xf32, #tpu.memory_space<hbm>>
    tpu.enqueue_indirect_dma source(%dma_start3A_300 : memref<10240x128xf32, #tpu.memory_space<hbm>>) target(%arg15 : memref<80x128xf32, #tpu.memory_space<vmem>>) offsets(%arg7 : memref<80xi32, #tpu.memory_space<vmem>>) semaphore(%arg21 : memref<!tpu.dma_semaphore, #tpu.memory_space<semaphore_mem>>)
    %mul3A_301 = arith.constant 10000 : i32
    %mul3A_302 = arith.muli %add3A, %mul3A_301 : i32
    %add3A_303 = arith.constant 160 : i32
    %add3A_304 = arith.addi %mul3A_302, %add3A_303 : i32
    %dma_start3A_305 = tpu.memref_slice %arg3[%add3A_304] : memref<320000xi32, #tpu.memory_space<hbm>> -> memref<80xi32, #tpu.memory_space<hbm>>
    %dma_start3A_306 = tpu.memref_slice %arg3[%add3A_304] : memref<320000xi32, #tpu.memory_space<hbm>> -> memref<80xi32, #tpu.memory_space<hbm>>
    tpu.enqueue_dma source(%dma_start3A_306 : memref<80xi32, #tpu.memory_space<hbm>>) target(%arg8 : memref<80xi32, #tpu.memory_space<vmem>>) target_semaphore(%arg26 : memref<!tpu.dma_semaphore, #tpu.memory_space<semaphore_mem>>)
    %mul3A_307 = arith.constant 10000 : i32
    %mul3A_308 = arith.muli %add3A, %mul3A_307 : i32
    %add3A_309 = arith.constant 160 : i32
    %add3A_310 = arith.addi %mul3A_308, %add3A_309 : i32
    %dma_start3A_311 = tpu.memref_slice %arg4[%add3A_310] : memref<320000xi32, #tpu.memory_space<hbm>> -> memref<80xi32, #tpu.memory_space<hbm>>
    %dma_start3A_312 = tpu.memref_slice %arg4[%add3A_310] : memref<320000xi32, #tpu.memory_space<hbm>> -> memref<80xi32, #tpu.memory_space<hbm>>
    tpu.enqueue_dma source(%dma_start3A_312 : memref<80xi32, #tpu.memory_space<hbm>>) target(%arg12 : memref<80xi32, #tpu.memory_space<vmem>>) target_semaphore(%arg30 : memref<!tpu.dma_semaphore, #tpu.memory_space<semaphore_mem>>)
    %mul3A_313 = arith.constant 10000 : i32
    %mul3A_314 = arith.muli %add3A, %mul3A_313 : i32
    %add3A_315 = arith.constant 160 : i32
    %add3A_316 = arith.addi %mul3A_314, %add3A_315 : i32
    %dma_wait3A_317 = tpu.memref_slice %arg3[%add3A_316] : memref<320000xi32, #tpu.memory_space<hbm>> -> memref<80xi32, #tpu.memory_space<hbm>>
    %dma_wait3A_318 = tpu.memref_slice %arg3[%add3A_316] : memref<320000xi32, #tpu.memory_space<hbm>> -> memref<80xi32, #tpu.memory_space<hbm>>
    tpu.wait_dma2 semaphore(%arg26 : memref<!tpu.dma_semaphore, #tpu.memory_space<semaphore_mem>>) src(%dma_wait3A_318 : memref<80xi32, #tpu.memory_space<hbm>>) dst(%arg8 : memref<80xi32, #tpu.memory_space<vmem>>)
    %dma_start3A_319 = arith.constant 0 : i32
    %dma_start3A_320 = arith.constant 0 : i32
    %dma_start3A_321 = tpu.memref_slice %arg2[%dma_start3A_319, %dma_start3A_320] : memref<10240x128xf32, #tpu.memory_space<hbm>> -> memref<10240x128xf32, #tpu.memory_space<hbm>>
    tpu.enqueue_indirect_dma source(%dma_start3A_321 : memref<10240x128xf32, #tpu.memory_space<hbm>>) target(%arg16 : memref<80x128xf32, #tpu.memory_space<vmem>>) offsets(%arg8 : memref<80xi32, #tpu.memory_space<vmem>>) semaphore(%arg22 : memref<!tpu.dma_semaphore, #tpu.memory_space<semaphore_mem>>)
    %mul3A_322 = arith.constant 10000 : i32
    %mul3A_323 = arith.muli %add3A, %mul3A_322 : i32
    %add3A_324 = arith.constant 240 : i32
    %add3A_325 = arith.addi %mul3A_323, %add3A_324 : i32
    %dma_start3A_326 = tpu.memref_slice %arg3[%add3A_325] : memref<320000xi32, #tpu.memory_space<hbm>> -> memref<80xi32, #tpu.memory_space<hbm>>
    %dma_start3A_327 = tpu.memref_slice %arg3[%add3A_325] : memref<320000xi32, #tpu.memory_space<hbm>> -> memref<80xi32, #tpu.memory_space<hbm>>
    tpu.enqueue_dma source(%dma_start3A_327 : memref<80xi32, #tpu.memory_space<hbm>>) target(%arg9 : memref<80xi32, #tpu.memory_space<vmem>>) target_semaphore(%arg27 : memref<!tpu.dma_semaphore, #tpu.memory_space<semaphore_mem>>)
    %mul3A_328 = arith.constant 10000 : i32
    %mul3A_329 = arith.muli %add3A, %mul3A_328 : i32
    %add3A_330 = arith.constant 240 : i32
    %add3A_331 = arith.addi %mul3A_329, %add3A_330 : i32
    %dma_start3A_332 = tpu.memref_slice %arg4[%add3A_331] : memref<320000xi32, #tpu.memory_space<hbm>> -> memref<80xi32, #tpu.memory_space<hbm>>
    %dma_start3A_333 = tpu.memref_slice %arg4[%add3A_331] : memref<320000xi32, #tpu.memory_space<hbm>> -> memref<80xi32, #tpu.memory_space<hbm>>
    tpu.enqueue_dma source(%dma_start3A_333 : memref<80xi32, #tpu.memory_space<hbm>>) target(%arg13 : memref<80xi32, #tpu.memory_space<vmem>>) target_semaphore(%arg31 : memref<!tpu.dma_semaphore, #tpu.memory_space<semaphore_mem>>)
    %mul3A_334 = arith.constant 10000 : i32
    %mul3A_335 = arith.muli %add3A, %mul3A_334 : i32
    %add3A_336 = arith.constant 240 : i32
    %add3A_337 = arith.addi %mul3A_335, %add3A_336 : i32
    %dma_wait3A_338 = tpu.memref_slice %arg3[%add3A_337] : memref<320000xi32, #tpu.memory_space<hbm>> -> memref<80xi32, #tpu.memory_space<hbm>>
    %dma_wait3A_339 = tpu.memref_slice %arg3[%add3A_337] : memref<320000xi32, #tpu.memory_space<hbm>> -> memref<80xi32, #tpu.memory_space<hbm>>
    tpu.wait_dma2 semaphore(%arg27 : memref<!tpu.dma_semaphore, #tpu.memory_space<semaphore_mem>>) src(%dma_wait3A_339 : memref<80xi32, #tpu.memory_space<hbm>>) dst(%arg9 : memref<80xi32, #tpu.memory_space<vmem>>)
    %dma_start3A_340 = arith.constant 0 : i32
    %dma_start3A_341 = arith.constant 0 : i32
    %dma_start3A_342 = tpu.memref_slice %arg2[%dma_start3A_340, %dma_start3A_341] : memref<10240x128xf32, #tpu.memory_space<hbm>> -> memref<10240x128xf32, #tpu.memory_space<hbm>>
    tpu.enqueue_indirect_dma source(%dma_start3A_342 : memref<10240x128xf32, #tpu.memory_space<hbm>>) target(%arg17 : memref<80x128xf32, #tpu.memory_space<vmem>>) offsets(%arg9 : memref<80xi32, #tpu.memory_space<vmem>>) semaphore(%arg23 : memref<!tpu.dma_semaphore, #tpu.memory_space<semaphore_mem>>)
    %scan3A_343 = arith.constant 0 : i32
    %scan3A_344 = arith.constant 31 : i32
    %scan3A_345 = arith.addi %scan3A_343, %scan3A_344 : i32
    %scan3A_346 = arith.constant 1 : i32
    scf.for %scan3A_368 = %scan3A_343 to %scan3A_345 step %scan3A_346  : i32 {
      %mul3A_369 = arith.constant 4 : i32
      %mul3A_370 = arith.muli %mul3A_369, %scan3A_368 : i32
      %add3A_371 = arith.constant 0 : i32
      %add3A_372 = arith.addi %mul3A_370, %add3A_371 : i32
      %dma_wait3A_373 = arith.constant 0 : i32
      %dma_wait3A_374 = arith.constant 0 : i32
      %dma_wait3A_375 = tpu.memref_slice %arg2[%dma_wait3A_373, %dma_wait3A_374] : memref<10240x128xf32, #tpu.memory_space<hbm>> -> memref<10240x128xf32, #tpu.memory_space<hbm>>
      tpu.wait_indirect_dma semaphore(%arg20 : memref<!tpu.dma_semaphore, #tpu.memory_space<semaphore_mem>>) src(%dma_wait3A_375 : memref<10240x128xf32, #tpu.memory_space<hbm>>) dst(%arg14 : memref<80x128xf32, #tpu.memory_space<vmem>>)
      %add3A_376 = arith.constant 4 : i32
      %add3A_377 = arith.addi %add3A_372, %add3A_376 : i32
      %lt3A = arith.constant 125 : i32
      %lt3A_378 = arith.cmpi slt, %add3A_377, %lt3A : i32
      %convert_element_type3A = arith.extui %lt3A_378 : i1 to i32
      %cond3A = arith.constant 0 : i32
      %cond3A_379 = arith.cmpi ne, %convert_element_type3A, %cond3A : i32
      scf.if %cond3A_379 {
        %add3A_496 = arith.constant 4 : i32
        %add3A_497 = arith.addi %add3A_372, %add3A_496 : i32
        %mul3A_498 = arith.constant 10000 : i32
        %mul3A_499 = arith.muli %add3A, %mul3A_498 : i32
        %mul3A_500 = arith.constant 80 : i32
        %mul3A_501 = arith.muli %add3A_497, %mul3A_500 : i32
        %add3A_502 = arith.addi %mul3A_499, %mul3A_501 : i32
        %dma_start3A_503 = tpu.memref_slice %arg3[%add3A_502] : memref<320000xi32, #tpu.memory_space<hbm>> -> memref<80xi32, #tpu.memory_space<hbm>>
        %dma_start3A_504 = tpu.memref_slice %arg3[%add3A_502] : memref<320000xi32, #tpu.memory_space<hbm>> -> memref<80xi32, #tpu.memory_space<hbm>>
        tpu.enqueue_dma source(%dma_start3A_504 : memref<80xi32, #tpu.memory_space<hbm>>) target(%arg6 : memref<80xi32, #tpu.memory_space<vmem>>) target_semaphore(%arg24 : memref<!tpu.dma_semaphore, #tpu.memory_space<semaphore_mem>>)
      } else {
      }
      %mul3A_380 = arith.constant 10000 : i32
      %mul3A_381 = arith.muli %add3A, %mul3A_380 : i32
      %mul3A_382 = arith.constant 80 : i32
      %mul3A_383 = arith.muli %add3A_372, %mul3A_382 : i32
      %add3A_384 = arith.addi %mul3A_381, %mul3A_383 : i32
      %dma_wait3A_385 = tpu.memref_slice %arg4[%add3A_384] : memref<320000xi32, #tpu.memory_space<hbm>> -> memref<80xi32, #tpu.memory_space<hbm>>
      %dma_wait3A_386 = tpu.memref_slice %arg4[%add3A_384] : memref<320000xi32, #tpu.memory_space<hbm>> -> memref<80xi32, #tpu.memory_space<hbm>>
      tpu.wait_dma2 semaphore(%arg28 : memref<!tpu.dma_semaphore, #tpu.memory_space<semaphore_mem>>) src(%dma_wait3A_386 : memref<80xi32, #tpu.memory_space<hbm>>) dst(%arg10 : memref<80xi32, #tpu.memory_space<vmem>>)
      %dma_start3A_387 = arith.constant 0 : i32
      %dma_start3A_388 = arith.constant 0 : i32
      %dma_start3A_389 = tpu.memref_slice %arg19[%dma_start3A_387, %dma_start3A_388] : memref<10240x128xf32, #tpu.memory_space<vmem_shared>> -> memref<10240x128xf32, #tpu.memory_space<vmem_shared>>
      tpu.enqueue_indirect_dma source(%arg14 : memref<80x128xf32, #tpu.memory_space<vmem>>) target(%dma_start3A_389 : memref<10240x128xf32, #tpu.memory_space<vmem_shared>>) offsets(%arg10 : memref<80xi32, #tpu.memory_space<vmem>>) semaphore(%arg32 : memref<!tpu.dma_semaphore, #tpu.memory_space<semaphore_mem>>) {add = true}
      %dma_wait3A_390 = arith.constant 0 : i32
      %dma_wait3A_391 = arith.constant 0 : i32
      %dma_wait3A_392 = tpu.memref_slice %arg19[%dma_wait3A_390, %dma_wait3A_391] : memref<10240x128xf32, #tpu.memory_space<vmem_shared>> -> memref<10240x128xf32, #tpu.memory_space<vmem_shared>>
      tpu.wait_indirect_dma semaphore(%arg32 : memref<!tpu.dma_semaphore, #tpu.memory_space<semaphore_mem>>) src(%arg14 : memref<80x128xf32, #tpu.memory_space<vmem>>) dst(%dma_wait3A_392 : memref<10240x128xf32, #tpu.memory_space<vmem_shared>>)
      %add3A_393 = arith.constant 4 : i32
      %add3A_394 = arith.addi %add3A_372, %add3A_393 : i32
      %lt3A_395 = arith.constant 125 : i32
      %lt3A_396 = arith.cmpi slt, %add3A_394, %lt3A_395 : i32
      %convert_element_type3A_397 = arith.extui %lt3A_396 : i1 to i32
      %cond3A_398 = arith.constant 0 : i32
      %cond3A_399 = arith.cmpi ne, %convert_element_type3A_397, %cond3A_398 : i32
      scf.if %cond3A_399 {
        %add3A_496 = arith.constant 4 : i32
        %add3A_497 = arith.addi %add3A_372, %add3A_496 : i32
        %mul3A_498 = arith.constant 10000 : i32
        %mul3A_499 = arith.muli %add3A, %mul3A_498 : i32
        %mul3A_500 = arith.constant 80 : i32
        %mul3A_501 = arith.muli %add3A_497, %mul3A_500 : i32
        %add3A_502 = arith.addi %mul3A_499, %mul3A_501 : i32
        %dma_wait3A_503 = tpu.memref_slice %arg3[%add3A_502] : memref<320000xi32, #tpu.memory_space<hbm>> -> memref<80xi32, #tpu.memory_space<hbm>>
        %dma_wait3A_504 = tpu.memref_slice %arg3[%add3A_502] : memref<320000xi32, #tpu.memory_space<hbm>> -> memref<80xi32, #tpu.memory_space<hbm>>
        tpu.wait_dma2 semaphore(%arg24 : memref<!tpu.dma_semaphore, #tpu.memory_space<semaphore_mem>>) src(%dma_wait3A_504 : memref<80xi32, #tpu.memory_space<hbm>>) dst(%arg6 : memref<80xi32, #tpu.memory_space<vmem>>)
        %add3A_505 = arith.constant 4 : i32
        %add3A_506 = arith.addi %add3A_372, %add3A_505 : i32
        %dma_start3A_507 = arith.constant 0 : i32
        %dma_start3A_508 = arith.constant 0 : i32
        %dma_start3A_509 = tpu.memref_slice %arg2[%dma_start3A_507, %dma_start3A_508] : memref<10240x128xf32, #tpu.memory_space<hbm>> -> memref<10240x128xf32, #tpu.memory_space<hbm>>
        tpu.enqueue_indirect_dma source(%dma_start3A_509 : memref<10240x128xf32, #tpu.memory_space<hbm>>) target(%arg14 : memref<80x128xf32, #tpu.memory_space<vmem>>) offsets(%arg6 : memref<80xi32, #tpu.memory_space<vmem>>) semaphore(%arg20 : memref<!tpu.dma_semaphore, #tpu.memory_space<semaphore_mem>>)
        %add3A_510 = arith.constant 4 : i32
        %add3A_511 = arith.addi %add3A_372, %add3A_510 : i32
        %mul3A_512 = arith.constant 10000 : i32
        %mul3A_513 = arith.muli %add3A, %mul3A_512 : i32
        %mul3A_514 = arith.constant 80 : i32
        %mul3A_515 = arith.muli %add3A_511, %mul3A_514 : i32
        %add3A_516 = arith.addi %mul3A_513, %mul3A_515 : i32
        %dma_start3A_517 = tpu.memref_slice %arg4[%add3A_516] : memref<320000xi32, #tpu.memory_space<hbm>> -> memref<80xi32, #tpu.memory_space<hbm>>
        %dma_start3A_518 = tpu.memref_slice %arg4[%add3A_516] : memref<320000xi32, #tpu.memory_space<hbm>> -> memref<80xi32, #tpu.memory_space<hbm>>
        tpu.enqueue_dma source(%dma_start3A_518 : memref<80xi32, #tpu.memory_space<hbm>>) target(%arg10 : memref<80xi32, #tpu.memory_space<vmem>>) target_semaphore(%arg28 : memref<!tpu.dma_semaphore, #tpu.memory_space<semaphore_mem>>)
      } else {
      }
      %add3A_400 = arith.constant 1 : i32
      %add3A_401 = arith.addi %mul3A_370, %add3A_400 : i32
      %dma_wait3A_402 = arith.constant 0 : i32
      %dma_wait3A_403 = arith.constant 0 : i32
      %dma_wait3A_404 = tpu.memref_slice %arg2[%dma_wait3A_402, %dma_wait3A_403] : memref<10240x128xf32, #tpu.memory_space<hbm>> -> memref<10240x128xf32, #tpu.memory_space<hbm>>
      tpu.wait_indirect_dma semaphore(%arg21 : memref<!tpu.dma_semaphore, #tpu.memory_space<semaphore_mem>>) src(%dma_wait3A_404 : memref<10240x128xf32, #tpu.memory_space<hbm>>) dst(%arg15 : memref<80x128xf32, #tpu.memory_space<vmem>>)
      %add3A_405 = arith.constant 4 : i32
      %add3A_406 = arith.addi %add3A_401, %add3A_405 : i32
      %lt3A_407 = arith.constant 125 : i32
      %lt3A_408 = arith.cmpi slt, %add3A_406, %lt3A_407 : i32
      %convert_element_type3A_409 = arith.extui %lt3A_408 : i1 to i32
      %cond3A_410 = arith.constant 0 : i32
      %cond3A_411 = arith.cmpi ne, %convert_element_type3A_409, %cond3A_410 : i32
      scf.if %cond3A_411 {
        %add3A_496 = arith.constant 4 : i32
        %add3A_497 = arith.addi %add3A_401, %add3A_496 : i32
        %mul3A_498 = arith.constant 10000 : i32
        %mul3A_499 = arith.muli %add3A, %mul3A_498 : i32
        %mul3A_500 = arith.constant 80 : i32
        %mul3A_501 = arith.muli %add3A_497, %mul3A_500 : i32
        %add3A_502 = arith.addi %mul3A_499, %mul3A_501 : i32
        %dma_start3A_503 = tpu.memref_slice %arg3[%add3A_502] : memref<320000xi32, #tpu.memory_space<hbm>> -> memref<80xi32, #tpu.memory_space<hbm>>
        %dma_start3A_504 = tpu.memref_slice %arg3[%add3A_502] : memref<320000xi32, #tpu.memory_space<hbm>> -> memref<80xi32, #tpu.memory_space<hbm>>
        tpu.enqueue_dma source(%dma_start3A_504 : memref<80xi32, #tpu.memory_space<hbm>>) target(%arg7 : memref<80xi32, #tpu.memory_space<vmem>>) target_semaphore(%arg25 : memref<!tpu.dma_semaphore, #tpu.memory_space<semaphore_mem>>)
      } else {
      }
      %mul3A_412 = arith.constant 10000 : i32
      %mul3A_413 = arith.muli %add3A, %mul3A_412 : i32
      %mul3A_414 = arith.constant 80 : i32
      %mul3A_415 = arith.muli %add3A_401, %mul3A_414 : i32
      %add3A_416 = arith.addi %mul3A_413, %mul3A_415 : i32
      %dma_wait3A_417 = tpu.memref_slice %arg4[%add3A_416] : memref<320000xi32, #tpu.memory_space<hbm>> -> memref<80xi32, #tpu.memory_space<hbm>>
      %dma_wait3A_418 = tpu.memref_slice %arg4[%add3A_416] : memref<320000xi32, #tpu.memory_space<hbm>> -> memref<80xi32, #tpu.memory_space<hbm>>
      tpu.wait_dma2 semaphore(%arg29 : memref<!tpu.dma_semaphore, #tpu.memory_space<semaphore_mem>>) src(%dma_wait3A_418 : memref<80xi32, #tpu.memory_space<hbm>>) dst(%arg11 : memref<80xi32, #tpu.memory_space<vmem>>)
      %dma_start3A_419 = arith.constant 0 : i32
      %dma_start3A_420 = arith.constant 0 : i32
      %dma_start3A_421 = tpu.memref_slice %arg19[%dma_start3A_419, %dma_start3A_420] : memref<10240x128xf32, #tpu.memory_space<vmem_shared>> -> memref<10240x128xf32, #tpu.memory_space<vmem_shared>>
      tpu.enqueue_indirect_dma source(%arg15 : memref<80x128xf32, #tpu.memory_space<vmem>>) target(%dma_start3A_421 : memref<10240x128xf32, #tpu.memory_space<vmem_shared>>) offsets(%arg11 : memref<80xi32, #tpu.memory_space<vmem>>) semaphore(%arg33 : memref<!tpu.dma_semaphore, #tpu.memory_space<semaphore_mem>>) {add = true}
      %dma_wait3A_422 = arith.constant 0 : i32
      %dma_wait3A_423 = arith.constant 0 : i32
      %dma_wait3A_424 = tpu.memref_slice %arg19[%dma_wait3A_422, %dma_wait3A_423] : memref<10240x128xf32, #tpu.memory_space<vmem_shared>> -> memref<10240x128xf32, #tpu.memory_space<vmem_shared>>
      tpu.wait_indirect_dma semaphore(%arg33 : memref<!tpu.dma_semaphore, #tpu.memory_space<semaphore_mem>>) src(%arg15 : memref<80x128xf32, #tpu.memory_space<vmem>>) dst(%dma_wait3A_424 : memref<10240x128xf32, #tpu.memory_space<vmem_shared>>)
      %add3A_425 = arith.constant 4 : i32
      %add3A_426 = arith.addi %add3A_401, %add3A_425 : i32
      %lt3A_427 = arith.constant 125 : i32
      %lt3A_428 = arith.cmpi slt, %add3A_426, %lt3A_427 : i32
      %convert_element_type3A_429 = arith.extui %lt3A_428 : i1 to i32
      %cond3A_430 = arith.constant 0 : i32
      %cond3A_431 = arith.cmpi ne, %convert_element_type3A_429, %cond3A_430 : i32
      scf.if %cond3A_431 {
        %add3A_496 = arith.constant 4 : i32
        %add3A_497 = arith.addi %add3A_401, %add3A_496 : i32
        %mul3A_498 = arith.constant 10000 : i32
        %mul3A_499 = arith.muli %add3A, %mul3A_498 : i32
        %mul3A_500 = arith.constant 80 : i32
        %mul3A_501 = arith.muli %add3A_497, %mul3A_500 : i32
        %add3A_502 = arith.addi %mul3A_499, %mul3A_501 : i32
        %dma_wait3A_503 = tpu.memref_slice %arg3[%add3A_502] : memref<320000xi32, #tpu.memory_space<hbm>> -> memref<80xi32, #tpu.memory_space<hbm>>
        %dma_wait3A_504 = tpu.memref_slice %arg3[%add3A_502] : memref<320000xi32, #tpu.memory_space<hbm>> -> memref<80xi32, #tpu.memory_space<hbm>>
        tpu.wait_dma2 semaphore(%arg25 : memref<!tpu.dma_semaphore, #tpu.memory_space<semaphore_mem>>) src(%dma_wait3A_504 : memref<80xi32, #tpu.memory_space<hbm>>) dst(%arg7 : memref<80xi32, #tpu.memory_space<vmem>>)
        %add3A_505 = arith.constant 4 : i32
        %add3A_506 = arith.addi %add3A_401, %add3A_505 : i32
        %dma_start3A_507 = arith.constant 0 : i32
        %dma_start3A_508 = arith.constant 0 : i32
        %dma_start3A_509 = tpu.memref_slice %arg2[%dma_start3A_507, %dma_start3A_508] : memref<10240x128xf32, #tpu.memory_space<hbm>> -> memref<10240x128xf32, #tpu.memory_space<hbm>>
        tpu.enqueue_indirect_dma source(%dma_start3A_509 : memref<10240x128xf32, #tpu.memory_space<hbm>>) target(%arg15 : memref<80x128xf32, #tpu.memory_space<vmem>>) offsets(%arg7 : memref<80xi32, #tpu.memory_space<vmem>>) semaphore(%arg21 : memref<!tpu.dma_semaphore, #tpu.memory_space<semaphore_mem>>)
        %add3A_510 = arith.constant 4 : i32
        %add3A_511 = arith.addi %add3A_401, %add3A_510 : i32
        %mul3A_512 = arith.constant 10000 : i32
        %mul3A_513 = arith.muli %add3A, %mul3A_512 : i32
        %mul3A_514 = arith.constant 80 : i32
        %mul3A_515 = arith.muli %add3A_511, %mul3A_514 : i32
        %add3A_516 = arith.addi %mul3A_513, %mul3A_515 : i32
        %dma_start3A_517 = tpu.memref_slice %arg4[%add3A_516] : memref<320000xi32, #tpu.memory_space<hbm>> -> memref<80xi32, #tpu.memory_space<hbm>>
        %dma_start3A_518 = tpu.memref_slice %arg4[%add3A_516] : memref<320000xi32, #tpu.memory_space<hbm>> -> memref<80xi32, #tpu.memory_space<hbm>>
        tpu.enqueue_dma source(%dma_start3A_518 : memref<80xi32, #tpu.memory_space<hbm>>) target(%arg11 : memref<80xi32, #tpu.memory_space<vmem>>) target_semaphore(%arg29 : memref<!tpu.dma_semaphore, #tpu.memory_space<semaphore_mem>>)
      } else {
      }
      %add3A_432 = arith.constant 2 : i32
      %add3A_433 = arith.addi %mul3A_370, %add3A_432 : i32
      %dma_wait3A_434 = arith.constant 0 : i32
      %dma_wait3A_435 = arith.constant 0 : i32
      %dma_wait3A_436 = tpu.memref_slice %arg2[%dma_wait3A_434, %dma_wait3A_435] : memref<10240x128xf32, #tpu.memory_space<hbm>> -> memref<10240x128xf32, #tpu.memory_space<hbm>>
      tpu.wait_indirect_dma semaphore(%arg22 : memref<!tpu.dma_semaphore, #tpu.memory_space<semaphore_mem>>) src(%dma_wait3A_436 : memref<10240x128xf32, #tpu.memory_space<hbm>>) dst(%arg16 : memref<80x128xf32, #tpu.memory_space<vmem>>)
      %add3A_437 = arith.constant 4 : i32
      %add3A_438 = arith.addi %add3A_433, %add3A_437 : i32
      %lt3A_439 = arith.constant 125 : i32
      %lt3A_440 = arith.cmpi slt, %add3A_438, %lt3A_439 : i32
      %convert_element_type3A_441 = arith.extui %lt3A_440 : i1 to i32
      %cond3A_442 = arith.constant 0 : i32
      %cond3A_443 = arith.cmpi ne, %convert_element_type3A_441, %cond3A_442 : i32
      scf.if %cond3A_443 {
        %add3A_496 = arith.constant 4 : i32
        %add3A_497 = arith.addi %add3A_433, %add3A_496 : i32
        %mul3A_498 = arith.constant 10000 : i32
        %mul3A_499 = arith.muli %add3A, %mul3A_498 : i32
        %mul3A_500 = arith.constant 80 : i32
        %mul3A_501 = arith.muli %add3A_497, %mul3A_500 : i32
        %add3A_502 = arith.addi %mul3A_499, %mul3A_501 : i32
        %dma_start3A_503 = tpu.memref_slice %arg3[%add3A_502] : memref<320000xi32, #tpu.memory_space<hbm>> -> memref<80xi32, #tpu.memory_space<hbm>>
        %dma_start3A_504 = tpu.memref_slice %arg3[%add3A_502] : memref<320000xi32, #tpu.memory_space<hbm>> -> memref<80xi32, #tpu.memory_space<hbm>>
        tpu.enqueue_dma source(%dma_start3A_504 : memref<80xi32, #tpu.memory_space<hbm>>) target(%arg8 : memref<80xi32, #tpu.memory_space<vmem>>) target_semaphore(%arg26 : memref<!tpu.dma_semaphore, #tpu.memory_space<semaphore_mem>>)
      } else {
      }
      %mul3A_444 = arith.constant 10000 : i32
      %mul3A_445 = arith.muli %add3A, %mul3A_444 : i32
      %mul3A_446 = arith.constant 80 : i32
      %mul3A_447 = arith.muli %add3A_433, %mul3A_446 : i32
      %add3A_448 = arith.addi %mul3A_445, %mul3A_447 : i32
      %dma_wait3A_449 = tpu.memref_slice %arg4[%add3A_448] : memref<320000xi32, #tpu.memory_space<hbm>> -> memref<80xi32, #tpu.memory_space<hbm>>
      %dma_wait3A_450 = tpu.memref_slice %arg4[%add3A_448] : memref<320000xi32, #tpu.memory_space<hbm>> -> memref<80xi32, #tpu.memory_space<hbm>>
      tpu.wait_dma2 semaphore(%arg30 : memref<!tpu.dma_semaphore, #tpu.memory_space<semaphore_mem>>) src(%dma_wait3A_450 : memref<80xi32, #tpu.memory_space<hbm>>) dst(%arg12 : memref<80xi32, #tpu.memory_space<vmem>>)
      %dma_start3A_451 = arith.constant 0 : i32
      %dma_start3A_452 = arith.constant 0 : i32
      %dma_start3A_453 = tpu.memref_slice %arg19[%dma_start3A_451, %dma_start3A_452] : memref<10240x128xf32, #tpu.memory_space<vmem_shared>> -> memref<10240x128xf32, #tpu.memory_space<vmem_shared>>
      tpu.enqueue_indirect_dma source(%arg16 : memref<80x128xf32, #tpu.memory_space<vmem>>) target(%dma_start3A_453 : memref<10240x128xf32, #tpu.memory_space<vmem_shared>>) offsets(%arg12 : memref<80xi32, #tpu.memory_space<vmem>>) semaphore(%arg34 : memref<!tpu.dma_semaphore, #tpu.memory_space<semaphore_mem>>) {add = true}
      %dma_wait3A_454 = arith.constant 0 : i32
      %dma_wait3A_455 = arith.constant 0 : i32
      %dma_wait3A_456 = tpu.memref_slice %arg19[%dma_wait3A_454, %dma_wait3A_455] : memref<10240x128xf32, #tpu.memory_space<vmem_shared>> -> memref<10240x128xf32, #tpu.memory_space<vmem_shared>>
      tpu.wait_indirect_dma semaphore(%arg34 : memref<!tpu.dma_semaphore, #tpu.memory_space<semaphore_mem>>) src(%arg16 : memref<80x128xf32, #tpu.memory_space<vmem>>) dst(%dma_wait3A_456 : memref<10240x128xf32, #tpu.memory_space<vmem_shared>>)
      %add3A_457 = arith.constant 4 : i32
      %add3A_458 = arith.addi %add3A_433, %add3A_457 : i32
      %lt3A_459 = arith.constant 125 : i32
      %lt3A_460 = arith.cmpi slt, %add3A_458, %lt3A_459 : i32
      %convert_element_type3A_461 = arith.extui %lt3A_460 : i1 to i32
      %cond3A_462 = arith.constant 0 : i32
      %cond3A_463 = arith.cmpi ne, %convert_element_type3A_461, %cond3A_462 : i32
      scf.if %cond3A_463 {
        %add3A_496 = arith.constant 4 : i32
        %add3A_497 = arith.addi %add3A_433, %add3A_496 : i32
        %mul3A_498 = arith.constant 10000 : i32
        %mul3A_499 = arith.muli %add3A, %mul3A_498 : i32
        %mul3A_500 = arith.constant 80 : i32
        %mul3A_501 = arith.muli %add3A_497, %mul3A_500 : i32
        %add3A_502 = arith.addi %mul3A_499, %mul3A_501 : i32
        %dma_wait3A_503 = tpu.memref_slice %arg3[%add3A_502] : memref<320000xi32, #tpu.memory_space<hbm>> -> memref<80xi32, #tpu.memory_space<hbm>>
        %dma_wait3A_504 = tpu.memref_slice %arg3[%add3A_502] : memref<320000xi32, #tpu.memory_space<hbm>> -> memref<80xi32, #tpu.memory_space<hbm>>
        tpu.wait_dma2 semaphore(%arg26 : memref<!tpu.dma_semaphore, #tpu.memory_space<semaphore_mem>>) src(%dma_wait3A_504 : memref<80xi32, #tpu.memory_space<hbm>>) dst(%arg8 : memref<80xi32, #tpu.memory_space<vmem>>)
        %add3A_505 = arith.constant 4 : i32
        %add3A_506 = arith.addi %add3A_433, %add3A_505 : i32
        %dma_start3A_507 = arith.constant 0 : i32
        %dma_start3A_508 = arith.constant 0 : i32
        %dma_start3A_509 = tpu.memref_slice %arg2[%dma_start3A_507, %dma_start3A_508] : memref<10240x128xf32, #tpu.memory_space<hbm>> -> memref<10240x128xf32, #tpu.memory_space<hbm>>
        tpu.enqueue_indirect_dma source(%dma_start3A_509 : memref<10240x128xf32, #tpu.memory_space<hbm>>) target(%arg16 : memref<80x128xf32, #tpu.memory_space<vmem>>) offsets(%arg8 : memref<80xi32, #tpu.memory_space<vmem>>) semaphore(%arg22 : memref<!tpu.dma_semaphore, #tpu.memory_space<semaphore_mem>>)
        %add3A_510 = arith.constant 4 : i32
        %add3A_511 = arith.addi %add3A_433, %add3A_510 : i32
        %mul3A_512 = arith.constant 10000 : i32
        %mul3A_513 = arith.muli %add3A, %mul3A_512 : i32
        %mul3A_514 = arith.constant 80 : i32
        %mul3A_515 = arith.muli %add3A_511, %mul3A_514 : i32
        %add3A_516 = arith.addi %mul3A_513, %mul3A_515 : i32
        %dma_start3A_517 = tpu.memref_slice %arg4[%add3A_516] : memref<320000xi32, #tpu.memory_space<hbm>> -> memref<80xi32, #tpu.memory_space<hbm>>
        %dma_start3A_518 = tpu.memref_slice %arg4[%add3A_516] : memref<320000xi32, #tpu.memory_space<hbm>> -> memref<80xi32, #tpu.memory_space<hbm>>
        tpu.enqueue_dma source(%dma_start3A_518 : memref<80xi32, #tpu.memory_space<hbm>>) target(%arg12 : memref<80xi32, #tpu.memory_space<vmem>>) target_semaphore(%arg30 : memref<!tpu.dma_semaphore, #tpu.memory_space<semaphore_mem>>)
      } else {
      }
      %add3A_464 = arith.constant 3 : i32
      %add3A_465 = arith.addi %mul3A_370, %add3A_464 : i32
      %dma_wait3A_466 = arith.constant 0 : i32
      %dma_wait3A_467 = arith.constant 0 : i32
      %dma_wait3A_468 = tpu.memref_slice %arg2[%dma_wait3A_466, %dma_wait3A_467] : memref<10240x128xf32, #tpu.memory_space<hbm>> -> memref<10240x128xf32, #tpu.memory_space<hbm>>
      tpu.wait_indirect_dma semaphore(%arg23 : memref<!tpu.dma_semaphore, #tpu.memory_space<semaphore_mem>>) src(%dma_wait3A_468 : memref<10240x128xf32, #tpu.memory_space<hbm>>) dst(%arg17 : memref<80x128xf32, #tpu.memory_space<vmem>>)
      %add3A_469 = arith.constant 4 : i32
      %add3A_470 = arith.addi %add3A_465, %add3A_469 : i32
      %lt3A_471 = arith.constant 125 : i32
      %lt3A_472 = arith.cmpi slt, %add3A_470, %lt3A_471 : i32
      %convert_element_type3A_473 = arith.extui %lt3A_472 : i1 to i32
      %cond3A_474 = arith.constant 0 : i32
      %cond3A_475 = arith.cmpi ne, %convert_element_type3A_473, %cond3A_474 : i32
      scf.if %cond3A_475 {
        %add3A_496 = arith.constant 4 : i32
        %add3A_497 = arith.addi %add3A_465, %add3A_496 : i32
        %mul3A_498 = arith.constant 10000 : i32
        %mul3A_499 = arith.muli %add3A, %mul3A_498 : i32
        %mul3A_500 = arith.constant 80 : i32
        %mul3A_501 = arith.muli %add3A_497, %mul3A_500 : i32
        %add3A_502 = arith.addi %mul3A_499, %mul3A_501 : i32
        %dma_start3A_503 = tpu.memref_slice %arg3[%add3A_502] : memref<320000xi32, #tpu.memory_space<hbm>> -> memref<80xi32, #tpu.memory_space<hbm>>
        %dma_start3A_504 = tpu.memref_slice %arg3[%add3A_502] : memref<320000xi32, #tpu.memory_space<hbm>> -> memref<80xi32, #tpu.memory_space<hbm>>
        tpu.enqueue_dma source(%dma_start3A_504 : memref<80xi32, #tpu.memory_space<hbm>>) target(%arg9 : memref<80xi32, #tpu.memory_space<vmem>>) target_semaphore(%arg27 : memref<!tpu.dma_semaphore, #tpu.memory_space<semaphore_mem>>)
      } else {
      }
      %mul3A_476 = arith.constant 10000 : i32
      %mul3A_477 = arith.muli %add3A, %mul3A_476 : i32
      %mul3A_478 = arith.constant 80 : i32
      %mul3A_479 = arith.muli %add3A_465, %mul3A_478 : i32
      %add3A_480 = arith.addi %mul3A_477, %mul3A_479 : i32
      %dma_wait3A_481 = tpu.memref_slice %arg4[%add3A_480] : memref<320000xi32, #tpu.memory_space<hbm>> -> memref<80xi32, #tpu.memory_space<hbm>>
      %dma_wait3A_482 = tpu.memref_slice %arg4[%add3A_480] : memref<320000xi32, #tpu.memory_space<hbm>> -> memref<80xi32, #tpu.memory_space<hbm>>
      tpu.wait_dma2 semaphore(%arg31 : memref<!tpu.dma_semaphore, #tpu.memory_space<semaphore_mem>>) src(%dma_wait3A_482 : memref<80xi32, #tpu.memory_space<hbm>>) dst(%arg13 : memref<80xi32, #tpu.memory_space<vmem>>)
      %dma_start3A_483 = arith.constant 0 : i32
      %dma_start3A_484 = arith.constant 0 : i32
      %dma_start3A_485 = tpu.memref_slice %arg19[%dma_start3A_483, %dma_start3A_484] : memref<10240x128xf32, #tpu.memory_space<vmem_shared>> -> memref<10240x128xf32, #tpu.memory_space<vmem_shared>>
      tpu.enqueue_indirect_dma source(%arg17 : memref<80x128xf32, #tpu.memory_space<vmem>>) target(%dma_start3A_485 : memref<10240x128xf32, #tpu.memory_space<vmem_shared>>) offsets(%arg13 : memref<80xi32, #tpu.memory_space<vmem>>) semaphore(%arg35 : memref<!tpu.dma_semaphore, #tpu.memory_space<semaphore_mem>>) {add = true}
      %dma_wait3A_486 = arith.constant 0 : i32
      %dma_wait3A_487 = arith.constant 0 : i32
      %dma_wait3A_488 = tpu.memref_slice %arg19[%dma_wait3A_486, %dma_wait3A_487] : memref<10240x128xf32, #tpu.memory_space<vmem_shared>> -> memref<10240x128xf32, #tpu.memory_space<vmem_shared>>
      tpu.wait_indirect_dma semaphore(%arg35 : memref<!tpu.dma_semaphore, #tpu.memory_space<semaphore_mem>>) src(%arg17 : memref<80x128xf32, #tpu.memory_space<vmem>>) dst(%dma_wait3A_488 : memref<10240x128xf32, #tpu.memory_space<vmem_shared>>)
      %add3A_489 = arith.constant 4 : i32
      %add3A_490 = arith.addi %add3A_465, %add3A_489 : i32
      %lt3A_491 = arith.constant 125 : i32
      %lt3A_492 = arith.cmpi slt, %add3A_490, %lt3A_491 : i32
      %convert_element_type3A_493 = arith.extui %lt3A_492 : i1 to i32
      %cond3A_494 = arith.constant 0 : i32
      %cond3A_495 = arith.cmpi ne, %convert_element_type3A_493, %cond3A_494 : i32
      scf.if %cond3A_495 {
        %add3A_496 = arith.constant 4 : i32
        %add3A_497 = arith.addi %add3A_465, %add3A_496 : i32
        %mul3A_498 = arith.constant 10000 : i32
        %mul3A_499 = arith.muli %add3A, %mul3A_498 : i32
        %mul3A_500 = arith.constant 80 : i32
        %mul3A_501 = arith.muli %add3A_497, %mul3A_500 : i32
        %add3A_502 = arith.addi %mul3A_499, %mul3A_501 : i32
        %dma_wait3A_503 = tpu.memref_slice %arg3[%add3A_502] : memref<320000xi32, #tpu.memory_space<hbm>> -> memref<80xi32, #tpu.memory_space<hbm>>
        %dma_wait3A_504 = tpu.memref_slice %arg3[%add3A_502] : memref<320000xi32, #tpu.memory_space<hbm>> -> memref<80xi32, #tpu.memory_space<hbm>>
        tpu.wait_dma2 semaphore(%arg27 : memref<!tpu.dma_semaphore, #tpu.memory_space<semaphore_mem>>) src(%dma_wait3A_504 : memref<80xi32, #tpu.memory_space<hbm>>) dst(%arg9 : memref<80xi32, #tpu.memory_space<vmem>>)
        %add3A_505 = arith.constant 4 : i32
        %add3A_506 = arith.addi %add3A_465, %add3A_505 : i32
        %dma_start3A_507 = arith.constant 0 : i32
        %dma_start3A_508 = arith.constant 0 : i32
        %dma_start3A_509 = tpu.memref_slice %arg2[%dma_start3A_507, %dma_start3A_508] : memref<10240x128xf32, #tpu.memory_space<hbm>> -> memref<10240x128xf32, #tpu.memory_space<hbm>>
        tpu.enqueue_indirect_dma source(%dma_start3A_509 : memref<10240x128xf32, #tpu.memory_space<hbm>>) target(%arg17 : memref<80x128xf32, #tpu.memory_space<vmem>>) offsets(%arg9 : memref<80xi32, #tpu.memory_space<vmem>>) semaphore(%arg23 : memref<!tpu.dma_semaphore, #tpu.memory_space<semaphore_mem>>)
        %add3A_510 = arith.constant 4 : i32
        %add3A_511 = arith.addi %add3A_465, %add3A_510 : i32
        %mul3A_512 = arith.constant 10000 : i32
        %mul3A_513 = arith.muli %add3A, %mul3A_512 : i32
        %mul3A_514 = arith.constant 80 : i32
        %mul3A_515 = arith.muli %add3A_511, %mul3A_514 : i32
        %add3A_516 = arith.addi %mul3A_513, %mul3A_515 : i32
        %dma_start3A_517 = tpu.memref_slice %arg4[%add3A_516] : memref<320000xi32, #tpu.memory_space<hbm>> -> memref<80xi32, #tpu.memory_space<hbm>>
        %dma_start3A_518 = tpu.memref_slice %arg4[%add3A_516] : memref<320000xi32, #tpu.memory_space<hbm>> -> memref<80xi32, #tpu.memory_space<hbm>>
        tpu.enqueue_dma source(%dma_start3A_518 : memref<80xi32, #tpu.memory_space<hbm>>) target(%arg13 : memref<80xi32, #tpu.memory_space<vmem>>) target_semaphore(%arg31 : memref<!tpu.dma_semaphore, #tpu.memory_space<semaphore_mem>>)
      } else {
      }
    }
    %scan3A_347 = arith.constant 31 : i32
    %dma_wait3A_348 = arith.constant 0 : i32
    %dma_wait3A_349 = arith.constant 0 : i32
    %dma_wait3A_350 = tpu.memref_slice %arg2[%dma_wait3A_348, %dma_wait3A_349] : memref<10240x128xf32, #tpu.memory_space<hbm>> -> memref<10240x128xf32, #tpu.memory_space<hbm>>
    tpu.wait_indirect_dma semaphore(%arg20 : memref<!tpu.dma_semaphore, #tpu.memory_space<semaphore_mem>>) src(%dma_wait3A_350 : memref<10240x128xf32, #tpu.memory_space<hbm>>) dst(%arg14 : memref<80x128xf32, #tpu.memory_space<vmem>>)
    %mul3A_351 = arith.constant 10000 : i32
    %mul3A_352 = arith.muli %add3A, %mul3A_351 : i32
    %add3A_353 = arith.constant 9920 : i32
    %add3A_354 = arith.addi %mul3A_352, %add3A_353 : i32
    %dma_wait3A_355 = tpu.memref_slice %arg4[%add3A_354] : memref<320000xi32, #tpu.memory_space<hbm>> -> memref<80xi32, #tpu.memory_space<hbm>>
    %dma_wait3A_356 = tpu.memref_slice %arg4[%add3A_354] : memref<320000xi32, #tpu.memory_space<hbm>> -> memref<80xi32, #tpu.memory_space<hbm>>
    tpu.wait_dma2 semaphore(%arg28 : memref<!tpu.dma_semaphore, #tpu.memory_space<semaphore_mem>>) src(%dma_wait3A_356 : memref<80xi32, #tpu.memory_space<hbm>>) dst(%arg10 : memref<80xi32, #tpu.memory_space<vmem>>)
    %dma_start3A_357 = arith.constant 0 : i32
    %dma_start3A_358 = arith.constant 0 : i32
    %dma_start3A_359 = tpu.memref_slice %arg19[%dma_start3A_357, %dma_start3A_358] : memref<10240x128xf32, #tpu.memory_space<vmem_shared>> -> memref<10240x128xf32, #tpu.memory_space<vmem_shared>>
    tpu.enqueue_indirect_dma source(%arg14 : memref<80x128xf32, #tpu.memory_space<vmem>>) target(%dma_start3A_359 : memref<10240x128xf32, #tpu.memory_space<vmem_shared>>) offsets(%arg10 : memref<80xi32, #tpu.memory_space<vmem>>) semaphore(%arg32 : memref<!tpu.dma_semaphore, #tpu.memory_space<semaphore_mem>>) {add = true}
    %dma_wait3A_360 = arith.constant 0 : i32
    %dma_wait3A_361 = arith.constant 0 : i32
    %dma_wait3A_362 = tpu.memref_slice %arg19[%dma_wait3A_360, %dma_wait3A_361] : memref<10240x128xf32, #tpu.memory_space<vmem_shared>> -> memref<10240x128xf32, #tpu.memory_space<vmem_shared>>
    tpu.wait_indirect_dma semaphore(%arg32 : memref<!tpu.dma_semaphore, #tpu.memory_space<semaphore_mem>>) src(%arg14 : memref<80x128xf32, #tpu.memory_space<vmem>>) dst(%dma_wait3A_362 : memref<10240x128xf32, #tpu.memory_space<vmem_shared>>)
    %barrier3A_363 = arith.constant 0 : index
    tpu.barrier barrier_id(%barrier3A_363)
    %mul3A_364 = arith.constant 640 : i32
    %mul3A_365 = arith.muli %arg1, %mul3A_364 : i32
    %mul3A_366 = arith.constant 640 : i32
    %mul3A_367 = arith.muli %arg1, %mul3A_366 : i32
    "tpu.region"() ({
      %run_scoped3A = tpu.sem_alloc : memref<!tpu.dma_semaphore, #tpu.memory_space<semaphore_mem>>
      %dma_start3A_368 = arith.constant 0 : i32
      %dma_start3A_369 = tpu.memref_slice %arg5[%arg0, %mul3A_367, %dma_start3A_368] : memref<2x10240x128xf32, #tpu.memory_space<hbm>> -> memref<1x640x128xf32, #tpu.memory_space<hbm>>
      %dma_start3A_370 = tpu.memref_squeeze %dma_start3A_369 : memref<1x640x128xf32, #tpu.memory_space<hbm>> -> memref<640x128xf32, #tpu.memory_space<hbm>>
      %dma_start3A_371 = arith.constant 0 : i32
      %dma_start3A_372 = tpu.memref_slice %arg19[%mul3A_365, %dma_start3A_371] : memref<10240x128xf32, #tpu.memory_space<vmem_shared>> -> memref<640x128xf32, #tpu.memory_space<vmem_shared>>
      tpu.enqueue_dma source(%dma_start3A_372 : memref<640x128xf32, #tpu.memory_space<vmem_shared>>) target(%dma_start3A_370 : memref<640x128xf32, #tpu.memory_space<hbm>>) target_semaphore(%run_scoped3A : memref<!tpu.dma_semaphore, #tpu.memory_space<semaphore_mem>>)
      %dma_wait3A_373 = arith.constant 0 : i32
      %dma_wait3A_374 = tpu.memref_slice %arg5[%arg0, %mul3A_367, %dma_wait3A_373] : memref<2x10240x128xf32, #tpu.memory_space<hbm>> -> memref<1x640x128xf32, #tpu.memory_space<hbm>>
      %dma_wait3A_375 = tpu.memref_squeeze %dma_wait3A_374 : memref<1x640x128xf32, #tpu.memory_space<hbm>> -> memref<640x128xf32, #tpu.memory_space<hbm>>
      %dma_wait3A_376 = arith.constant 0 : i32
      %dma_wait3A_377 = tpu.memref_slice %arg19[%mul3A_365, %dma_wait3A_376] : memref<10240x128xf32, #tpu.memory_space<vmem_shared>> -> memref<640x128xf32, #tpu.memory_space<vmem_shared>>
      tpu.wait_dma2 semaphore(%run_scoped3A : memref<!tpu.dma_semaphore, #tpu.memory_space<semaphore_mem>>) src(%dma_wait3A_377 : memref<640x128xf32, #tpu.memory_space<vmem_shared>>) dst(%dma_wait3A_375 : memref<640x128xf32, #tpu.memory_space<hbm>>)
      tpu.yield
    }) : () -> ()
    return
  }
}

#map = affine_map<(d0, d1) -> (0, 0)>
#map1 = affine_map<(d0, d1) -> (0)>
#map2 = affine_map<(d0, d1) -> (0, 0, 0)>
module attributes {stable_mosaic.version = 14 : i64} {
  func.func @_scatter_body(%arg0: i32, %arg1: i32, %arg2: memref<10240x128xf32, #tpu.memory_space<hbm>>, %arg3: memref<320000xi32, #tpu.memory_space<hbm>>, %arg4: memref<320000xi32, #tpu.memory_space<hbm>>, %arg5: memref<2x10240x128xf32, #tpu.memory_space<hbm>>, %arg6: memref<80xi32, #tpu.memory_space<vmem>>, %arg7: memref<80xi32, #tpu.memory_space<vmem>>, %arg8: memref<80xi32, #tpu.memory_space<vmem>>, %arg9: memref<80xi32, #tpu.memory_space<vmem>>, %arg10: memref<80xi32, #tpu.memory_space<vmem>>, %arg11: memref<80xi32, #tpu.memory_space<vmem>>, %arg12: memref<80xi32, #tpu.memory_space<vmem>>, %arg13: memref<80xi32, #tpu.memory_space<vmem>>, %arg14: memref<80x128xf32, #tpu.memory_space<vmem>>, %arg15: memref<80x128xf32, #tpu.memory_space<vmem>>, %arg16: memref<80x128xf32, #tpu.memory_space<vmem>>, %arg17: memref<80x128xf32, #tpu.memory_space<vmem>>, %arg18: memref<8x128xf32, #tpu.memory_space<vmem>>, %arg19: memref<10240x128xf32, #tpu.memory_space<vmem_shared>>, %arg20: memref<!tpu.dma_semaphore, #tpu.memory_space<semaphore_mem>>, %arg21: memref<!tpu.dma_semaphore, #tpu.memory_space<semaphore_mem>>, %arg22: memref<!tpu.dma_semaphore, #tpu.memory_space<semaphore_mem>>, %arg23: memref<!tpu.dma_semaphore, #tpu.memory_space<semaphore_mem>>, %arg24: memref<!tpu.dma_semaphore, #tpu.memory_space<semaphore_mem>>, %arg25: memref<!tpu.dma_semaphore, #tpu.memory_space<semaphore_mem>>, %arg26: memref<!tpu.dma_semaphore, #tpu.memory_space<semaphore_mem>>, %arg27: memref<!tpu.dma_semaphore, #tpu.memory_space<semaphore_mem>>, %arg28: memref<!tpu.dma_semaphore, #tpu.memory_space<semaphore_mem>>, %arg29: memref<!tpu.dma_semaphore, #tpu.memory_space<semaphore_mem>>, %arg30: memref<!tpu.dma_semaphore, #tpu.memory_space<semaphore_mem>>, %arg31: memref<!tpu.dma_semaphore, #tpu.memory_space<semaphore_mem>>, %arg32: memref<!tpu.dma_semaphore, #tpu.memory_space<semaphore_mem>>, %arg33: memref<!tpu.dma_semaphore, #tpu.memory_space<semaphore_mem>>, %arg34: memref<!tpu.dma_semaphore, #tpu.memory_space<semaphore_mem>>, %arg35: memref<!tpu.dma_semaphore, #tpu.memory_space<semaphore_mem>>) attributes {dimension_semantics = [#tpu.dimension_semantics<core_parallel>, #tpu.dimension_semantics<subcore_parallel>], iteration_bounds = array<i64: 2, 16>, scalar_prefetch = 0 : i64, scratch_operands = 30 : i64, tpu.core_type = #tpu.core_type<sc_vector_subcore>, window_params = [{transform_indices = #map}, {transform_indices = #map1}, {transform_indices = #map1}, {transform_indices = #map2}]} {
    %mul3A = arith.constant 2 : i32
    %mul3A_0 = arith.muli %arg1, %mul3A : i32
    %add3A = arith.addi %mul3A_0, %arg0 : i32
    %broadcast_in_dim3A = arith.constant 0.000000e+00 : f32
    %broadcast_in_dim3A_1 = vector.broadcast %broadcast_in_dim3A : f32 to vector<16xf32>
    %swap3A = arith.constant 0 : i32
    %swap3A_2 = arith.index_cast %swap3A : i32 to index
    %swap3A_3 = arith.constant 0 : index
    %swap3A_4 = tpu.vector_load %arg18[%swap3A_2, %swap3A_3] {strides = array<i32>} : memref<8x128xf32, #tpu.memory_space<vmem>>, vector<16xf32>,
    tpu.vector_store %arg18[%swap3A_2, %swap3A_3], %broadcast_in_dim3A_1 {strides = array<i32>} : memref<8x128xf32, #tpu.memory_space<vmem>>, vector<16xf32>,
    %swap3A_5 = arith.constant 0 : i32
    %swap3A_6 = arith.index_cast %swap3A_5 : i32 to index
    %swap3A_7 = arith.constant 16 : index
    %swap3A_8 = tpu.vector_load %arg18[%swap3A_6, %swap3A_7] {strides = array<i32>} : memref<8x128xf32, #tpu.memory_space<vmem>>, vector<16xf32>,
    tpu.vector_store %arg18[%swap3A_6, %swap3A_7], %broadcast_in_dim3A_1 {strides = array<i32>} : memref<8x128xf32, #tpu.memory_space<vmem>>, vector<16xf32>,
    %swap3A_9 = arith.constant 0 : i32
    %swap3A_10 = arith.index_cast %swap3A_9 : i32 to index
    %swap3A_11 = arith.constant 32 : index
    %swap3A_12 = tpu.vector_load %arg18[%swap3A_10, %swap3A_11] {strides = array<i32>} : memref<8x128xf32, #tpu.memory_space<vmem>>, vector<16xf32>,
    tpu.vector_store %arg18[%swap3A_10, %swap3A_11], %broadcast_in_dim3A_1 {strides = array<i32>} : memref<8x128xf32, #tpu.memory_space<vmem>>, vector<16xf32>,
    %swap3A_13 = arith.constant 0 : i32
    %swap3A_14 = arith.index_cast %swap3A_13 : i32 to index
    %swap3A_15 = arith.constant 48 : index
    %swap3A_16 = tpu.vector_load %arg18[%swap3A_14, %swap3A_15] {strides = array<i32>} : memref<8x128xf32, #tpu.memory_space<vmem>>, vector<16xf32>,
    tpu.vector_store %arg18[%swap3A_14, %swap3A_15], %broadcast_in_dim3A_1 {strides = array<i32>} : memref<8x128xf32, #tpu.memory_space<vmem>>, vector<16xf32>,
    %swap3A_17 = arith.constant 0 : i32
    %swap3A_18 = arith.index_cast %swap3A_17 : i32 to index
    %swap3A_19 = arith.constant 64 : index
    %swap3A_20 = tpu.vector_load %arg18[%swap3A_18, %swap3A_19] {strides = array<i32>} : memref<8x128xf32, #tpu.memory_space<vmem>>, vector<16xf32>,
    tpu.vector_store %arg18[%swap3A_18, %swap3A_19], %broadcast_in_dim3A_1 {strides = array<i32>} : memref<8x128xf32, #tpu.memory_space<vmem>>, vector<16xf32>,
    %swap3A_21 = arith.constant 0 : i32
    %swap3A_22 = arith.index_cast %swap3A_21 : i32 to index
    %swap3A_23 = arith.constant 80 : index
    %swap3A_24 = tpu.vector_load %arg18[%swap3A_22, %swap3A_23] {strides = array<i32>} : memref<8x128xf32, #tpu.memory_space<vmem>>, vector<16xf32>,
    tpu.vector_store %arg18[%swap3A_22, %swap3A_23], %broadcast_in_dim3A_1 {strides = array<i32>} : memref<8x128xf32, #tpu.memory_space<vmem>>, vector<16xf32>,
    %swap3A_25 = arith.constant 0 : i32
    %swap3A_26 = arith.index_cast %swap3A_25 : i32 to index
    %swap3A_27 = arith.constant 96 : index
    %swap3A_28 = tpu.vector_load %arg18[%swap3A_26, %swap3A_27] {strides = array<i32>} : memref<8x128xf32, #tpu.memory_space<vmem>>, vector<16xf32>,
    tpu.vector_store %arg18[%swap3A_26, %swap3A_27], %broadcast_in_dim3A_1 {strides = array<i32>} : memref<8x128xf32, #tpu.memory_space<vmem>>, vector<16xf32>,
    %swap3A_29 = arith.constant 0 : i32
    %swap3A_30 = arith.index_cast %swap3A_29 : i32 to index
    %swap3A_31 = arith.constant 112 : index
    %swap3A_32 = tpu.vector_load %arg18[%swap3A_30, %swap3A_31] {strides = array<i32>} : memref<8x128xf32, #tpu.memory_space<vmem>>, vector<16xf32>,
    tpu.vector_store %arg18[%swap3A_30, %swap3A_31], %broadcast_in_dim3A_1 {strides = array<i32>} : memref<8x128xf32, #tpu.memory_space<vmem>>, vector<16xf32>,
    %swap3A_33 = arith.constant 1 : i32
    %swap3A_34 = arith.index_cast %swap3A_33 : i32 to index
    %swap3A_35 = arith.constant 0 : index
    %swap3A_36 = tpu.vector_load %arg18[%swap3A_34, %swap3A_35] {strides = array<i32>} : memref<8x128xf32, #tpu.memory_space<vmem>>, vector<16xf32>,
    tpu.vector_store %arg18[%swap3A_34, %swap3A_35], %broadcast_in_dim3A_1 {strides = array<i32>} : memref<8x128xf32, #tpu.memory_space<vmem>>, vector<16xf32>,
    %swap3A_37 = arith.constant 1 : i32
    %swap3A_38 = arith.index_cast %swap3A_37 : i32 to index
    %swap3A_39 = arith.constant 16 : index
    %swap3A_40 = tpu.vector_load %arg18[%swap3A_38, %swap3A_39] {strides = array<i32>} : memref<8x128xf32, #tpu.memory_space<vmem>>, vector<16xf32>,
    tpu.vector_store %arg18[%swap3A_38, %swap3A_39], %broadcast_in_dim3A_1 {strides = array<i32>} : memref<8x128xf32, #tpu.memory_space<vmem>>, vector<16xf32>,
    %swap3A_41 = arith.constant 1 : i32
    %swap3A_42 = arith.index_cast %swap3A_41 : i32 to index
    %swap3A_43 = arith.constant 32 : index
    %swap3A_44 = tpu.vector_load %arg18[%swap3A_42, %swap3A_43] {strides = array<i32>} : memref<8x128xf32, #tpu.memory_space<vmem>>, vector<16xf32>,
    tpu.vector_store %arg18[%swap3A_42, %swap3A_43], %broadcast_in_dim3A_1 {strides = array<i32>} : memref<8x128xf32, #tpu.memory_space<vmem>>, vector<16xf32>,
    %swap3A_45 = arith.constant 1 : i32
    %swap3A_46 = arith.index_cast %swap3A_45 : i32 to index
    %swap3A_47 = arith.constant 48 : index
    %swap3A_48 = tpu.vector_load %arg18[%swap3A_46, %swap3A_47] {strides = array<i32>} : memref<8x128xf32, #tpu.memory_space<vmem>>, vector<16xf32>,
    tpu.vector_store %arg18[%swap3A_46, %swap3A_47], %broadcast_in_dim3A_1 {strides = array<i32>} : memref<8x128xf32, #tpu.memory_space<vmem>>, vector<16xf32>,
    %swap3A_49 = arith.constant 1 : i32
    %swap3A_50 = arith.index_cast %swap3A_49 : i32 to index
    %swap3A_51 = arith.constant 64 : index
    %swap3A_52 = tpu.vector_load %arg18[%swap3A_50, %swap3A_51] {strides = array<i32>} : memref<8x128xf32, #tpu.memory_space<vmem>>, vector<16xf32>,
    tpu.vector_store %arg18[%swap3A_50, %swap3A_51], %broadcast_in_dim3A_1 {strides = array<i32>} : memref<8x128xf32, #tpu.memory_space<vmem>>, vector<16xf32>,
    %swap3A_53 = arith.constant 1 : i32
    %swap3A_54 = arith.index_cast %swap3A_53 : i32 to index
    %swap3A_55 = arith.constant 80 : index
    %swap3A_56 = tpu.vector_load %arg18[%swap3A_54, %swap3A_55] {strides = array<i32>} : memref<8x128xf32, #tpu.memory_space<vmem>>, vector<16xf32>,
    tpu.vector_store %arg18[%swap3A_54, %swap3A_55], %broadcast_in_dim3A_1 {strides = array<i32>} : memref<8x128xf32, #tpu.memory_space<vmem>>, vector<16xf32>,
    %swap3A_57 = arith.constant 1 : i32
    %swap3A_58 = arith.index_cast %swap3A_57 : i32 to index
    %swap3A_59 = arith.constant 96 : index
    %swap3A_60 = tpu.vector_load %arg18[%swap3A_58, %swap3A_59] {strides = array<i32>} : memref<8x128xf32, #tpu.memory_space<vmem>>, vector<16xf32>,
    tpu.vector_store %arg18[%swap3A_58, %swap3A_59], %broadcast_in_dim3A_1 {strides = array<i32>} : memref<8x128xf32, #tpu.memory_space<vmem>>, vector<16xf32>,
    %swap3A_61 = arith.constant 1 : i32
    %swap3A_62 = arith.index_cast %swap3A_61 : i32 to index
    %swap3A_63 = arith.constant 112 : index
    %swap3A_64 = tpu.vector_load %arg18[%swap3A_62, %swap3A_63] {strides = array<i32>} : memref<8x128xf32, #tpu.memory_space<vmem>>, vector<16xf32>,
    tpu.vector_store %arg18[%swap3A_62, %swap3A_63], %broadcast_in_dim3A_1 {strides = array<i32>} : memref<8x128xf32, #tpu.memory_space<vmem>>, vector<16xf32>,
    %swap3A_65 = arith.constant 2 : i32
    %swap3A_66 = arith.index_cast %swap3A_65 : i32 to index
    %swap3A_67 = arith.constant 0 : index
    %swap3A_68 = tpu.vector_load %arg18[%swap3A_66, %swap3A_67] {strides = array<i32>} : memref<8x128xf32, #tpu.memory_space<vmem>>, vector<16xf32>,
    tpu.vector_store %arg18[%swap3A_66, %swap3A_67], %broadcast_in_dim3A_1 {strides = array<i32>} : memref<8x128xf32, #tpu.memory_space<vmem>>, vector<16xf32>,
    %swap3A_69 = arith.constant 2 : i32
    %swap3A_70 = arith.index_cast %swap3A_69 : i32 to index
    %swap3A_71 = arith.constant 16 : index
    %swap3A_72 = tpu.vector_load %arg18[%swap3A_70, %swap3A_71] {strides = array<i32>} : memref<8x128xf32, #tpu.memory_space<vmem>>, vector<16xf32>,
    tpu.vector_store %arg18[%swap3A_70, %swap3A_71], %broadcast_in_dim3A_1 {strides = array<i32>} : memref<8x128xf32, #tpu.memory_space<vmem>>, vector<16xf32>,
    %swap3A_73 = arith.constant 2 : i32
    %swap3A_74 = arith.index_cast %swap3A_73 : i32 to index
    %swap3A_75 = arith.constant 32 : index
    %swap3A_76 = tpu.vector_load %arg18[%swap3A_74, %swap3A_75] {strides = array<i32>} : memref<8x128xf32, #tpu.memory_space<vmem>>, vector<16xf32>,
    tpu.vector_store %arg18[%swap3A_74, %swap3A_75], %broadcast_in_dim3A_1 {strides = array<i32>} : memref<8x128xf32, #tpu.memory_space<vmem>>, vector<16xf32>,
    %swap3A_77 = arith.constant 2 : i32
    %swap3A_78 = arith.index_cast %swap3A_77 : i32 to index
    %swap3A_79 = arith.constant 48 : index
    %swap3A_80 = tpu.vector_load %arg18[%swap3A_78, %swap3A_79] {strides = array<i32>} : memref<8x128xf32, #tpu.memory_space<vmem>>, vector<16xf32>,
    tpu.vector_store %arg18[%swap3A_78, %swap3A_79], %broadcast_in_dim3A_1 {strides = array<i32>} : memref<8x128xf32, #tpu.memory_space<vmem>>, vector<16xf32>,
    %swap3A_81 = arith.constant 2 : i32
    %swap3A_82 = arith.index_cast %swap3A_81 : i32 to index
    %swap3A_83 = arith.constant 64 : index
    %swap3A_84 = tpu.vector_load %arg18[%swap3A_82, %swap3A_83] {strides = array<i32>} : memref<8x128xf32, #tpu.memory_space<vmem>>, vector<16xf32>,
    tpu.vector_store %arg18[%swap3A_82, %swap3A_83], %broadcast_in_dim3A_1 {strides = array<i32>} : memref<8x128xf32, #tpu.memory_space<vmem>>, vector<16xf32>,
    %swap3A_85 = arith.constant 2 : i32
    %swap3A_86 = arith.index_cast %swap3A_85 : i32 to index
    %swap3A_87 = arith.constant 80 : index
    %swap3A_88 = tpu.vector_load %arg18[%swap3A_86, %swap3A_87] {strides = array<i32>} : memref<8x128xf32, #tpu.memory_space<vmem>>, vector<16xf32>,
    tpu.vector_store %arg18[%swap3A_86, %swap3A_87], %broadcast_in_dim3A_1 {strides = array<i32>} : memref<8x128xf32, #tpu.memory_space<vmem>>, vector<16xf32>,
    %swap3A_89 = arith.constant 2 : i32
    %swap3A_90 = arith.index_cast %swap3A_89 : i32 to index
    %swap3A_91 = arith.constant 96 : index
    %swap3A_92 = tpu.vector_load %arg18[%swap3A_90, %swap3A_91] {strides = array<i32>} : memref<8x128xf32, #tpu.memory_space<vmem>>, vector<16xf32>,
    tpu.vector_store %arg18[%swap3A_90, %swap3A_91], %broadcast_in_dim3A_1 {strides = array<i32>} : memref<8x128xf32, #tpu.memory_space<vmem>>, vector<16xf32>,
    %swap3A_93 = arith.constant 2 : i32
    %swap3A_94 = arith.index_cast %swap3A_93 : i32 to index
    %swap3A_95 = arith.constant 112 : index
    %swap3A_96 = tpu.vector_load %arg18[%swap3A_94, %swap3A_95] {strides = array<i32>} : memref<8x128xf32, #tpu.memory_space<vmem>>, vector<16xf32>,
    tpu.vector_store %arg18[%swap3A_94, %swap3A_95], %broadcast_in_dim3A_1 {strides = array<i32>} : memref<8x128xf32, #tpu.memory_space<vmem>>, vector<16xf32>,
    %swap3A_97 = arith.constant 3 : i32
    %swap3A_98 = arith.index_cast %swap3A_97 : i32 to index
    %swap3A_99 = arith.constant 0 : index
    %swap3A_100 = tpu.vector_load %arg18[%swap3A_98, %swap3A_99] {strides = array<i32>} : memref<8x128xf32, #tpu.memory_space<vmem>>, vector<16xf32>,
    tpu.vector_store %arg18[%swap3A_98, %swap3A_99], %broadcast_in_dim3A_1 {strides = array<i32>} : memref<8x128xf32, #tpu.memory_space<vmem>>, vector<16xf32>,
    %swap3A_101 = arith.constant 3 : i32
    %swap3A_102 = arith.index_cast %swap3A_101 : i32 to index
    %swap3A_103 = arith.constant 16 : index
    %swap3A_104 = tpu.vector_load %arg18[%swap3A_102, %swap3A_103] {strides = array<i32>} : memref<8x128xf32, #tpu.memory_space<vmem>>, vector<16xf32>,
    tpu.vector_store %arg18[%swap3A_102, %swap3A_103], %broadcast_in_dim3A_1 {strides = array<i32>} : memref<8x128xf32, #tpu.memory_space<vmem>>, vector<16xf32>,
    %swap3A_105 = arith.constant 3 : i32
    %swap3A_106 = arith.index_cast %swap3A_105 : i32 to index
    %swap3A_107 = arith.constant 32 : index
    %swap3A_108 = tpu.vector_load %arg18[%swap3A_106, %swap3A_107] {strides = array<i32>} : memref<8x128xf32, #tpu.memory_space<vmem>>, vector<16xf32>,
    tpu.vector_store %arg18[%swap3A_106, %swap3A_107], %broadcast_in_dim3A_1 {strides = array<i32>} : memref<8x128xf32, #tpu.memory_space<vmem>>, vector<16xf32>,
    %swap3A_109 = arith.constant 3 : i32
    %swap3A_110 = arith.index_cast %swap3A_109 : i32 to index
    %swap3A_111 = arith.constant 48 : index
    %swap3A_112 = tpu.vector_load %arg18[%swap3A_110, %swap3A_111] {strides = array<i32>} : memref<8x128xf32, #tpu.memory_space<vmem>>, vector<16xf32>,
    tpu.vector_store %arg18[%swap3A_110, %swap3A_111], %broadcast_in_dim3A_1 {strides = array<i32>} : memref<8x128xf32, #tpu.memory_space<vmem>>, vector<16xf32>,
    %swap3A_113 = arith.constant 3 : i32
    %swap3A_114 = arith.index_cast %swap3A_113 : i32 to index
    %swap3A_115 = arith.constant 64 : index
    %swap3A_116 = tpu.vector_load %arg18[%swap3A_114, %swap3A_115] {strides = array<i32>} : memref<8x128xf32, #tpu.memory_space<vmem>>, vector<16xf32>,
    tpu.vector_store %arg18[%swap3A_114, %swap3A_115], %broadcast_in_dim3A_1 {strides = array<i32>} : memref<8x128xf32, #tpu.memory_space<vmem>>, vector<16xf32>,
    %swap3A_117 = arith.constant 3 : i32
    %swap3A_118 = arith.index_cast %swap3A_117 : i32 to index
    %swap3A_119 = arith.constant 80 : index
    %swap3A_120 = tpu.vector_load %arg18[%swap3A_118, %swap3A_119] {strides = array<i32>} : memref<8x128xf32, #tpu.memory_space<vmem>>, vector<16xf32>,
    tpu.vector_store %arg18[%swap3A_118, %swap3A_119], %broadcast_in_dim3A_1 {strides = array<i32>} : memref<8x128xf32, #tpu.memory_space<vmem>>, vector<16xf32>,
    %swap3A_121 = arith.constant 3 : i32
    %swap3A_122 = arith.index_cast %swap3A_121 : i32 to index
    %swap3A_123 = arith.constant 96 : index
    %swap3A_124 = tpu.vector_load %arg18[%swap3A_122, %swap3A_123] {strides = array<i32>} : memref<8x128xf32, #tpu.memory_space<vmem>>, vector<16xf32>,
    tpu.vector_store %arg18[%swap3A_122, %swap3A_123], %broadcast_in_dim3A_1 {strides = array<i32>} : memref<8x128xf32, #tpu.memory_space<vmem>>, vector<16xf32>,
    %swap3A_125 = arith.constant 3 : i32
    %swap3A_126 = arith.index_cast %swap3A_125 : i32 to index
    %swap3A_127 = arith.constant 112 : index
    %swap3A_128 = tpu.vector_load %arg18[%swap3A_126, %swap3A_127] {strides = array<i32>} : memref<8x128xf32, #tpu.memory_space<vmem>>, vector<16xf32>,
    tpu.vector_store %arg18[%swap3A_126, %swap3A_127], %broadcast_in_dim3A_1 {strides = array<i32>} : memref<8x128xf32, #tpu.memory_space<vmem>>, vector<16xf32>,
    %swap3A_129 = arith.constant 4 : i32
    %swap3A_130 = arith.index_cast %swap3A_129 : i32 to index
    %swap3A_131 = arith.constant 0 : index
    %swap3A_132 = tpu.vector_load %arg18[%swap3A_130, %swap3A_131] {strides = array<i32>} : memref<8x128xf32, #tpu.memory_space<vmem>>, vector<16xf32>,
    tpu.vector_store %arg18[%swap3A_130, %swap3A_131], %broadcast_in_dim3A_1 {strides = array<i32>} : memref<8x128xf32, #tpu.memory_space<vmem>>, vector<16xf32>,
    %swap3A_133 = arith.constant 4 : i32
    %swap3A_134 = arith.index_cast %swap3A_133 : i32 to index
    %swap3A_135 = arith.constant 16 : index
    %swap3A_136 = tpu.vector_load %arg18[%swap3A_134, %swap3A_135] {strides = array<i32>} : memref<8x128xf32, #tpu.memory_space<vmem>>, vector<16xf32>,
    tpu.vector_store %arg18[%swap3A_134, %swap3A_135], %broadcast_in_dim3A_1 {strides = array<i32>} : memref<8x128xf32, #tpu.memory_space<vmem>>, vector<16xf32>,
    %swap3A_137 = arith.constant 4 : i32
    %swap3A_138 = arith.index_cast %swap3A_137 : i32 to index
    %swap3A_139 = arith.constant 32 : index
    %swap3A_140 = tpu.vector_load %arg18[%swap3A_138, %swap3A_139] {strides = array<i32>} : memref<8x128xf32, #tpu.memory_space<vmem>>, vector<16xf32>,
    tpu.vector_store %arg18[%swap3A_138, %swap3A_139], %broadcast_in_dim3A_1 {strides = array<i32>} : memref<8x128xf32, #tpu.memory_space<vmem>>, vector<16xf32>,
    %swap3A_141 = arith.constant 4 : i32
    %swap3A_142 = arith.index_cast %swap3A_141 : i32 to index
    %swap3A_143 = arith.constant 48 : index
    %swap3A_144 = tpu.vector_load %arg18[%swap3A_142, %swap3A_143] {strides = array<i32>} : memref<8x128xf32, #tpu.memory_space<vmem>>, vector<16xf32>,
    tpu.vector_store %arg18[%swap3A_142, %swap3A_143], %broadcast_in_dim3A_1 {strides = array<i32>} : memref<8x128xf32, #tpu.memory_space<vmem>>, vector<16xf32>,
    %swap3A_145 = arith.constant 4 : i32
    %swap3A_146 = arith.index_cast %swap3A_145 : i32 to index
    %swap3A_147 = arith.constant 64 : index
    %swap3A_148 = tpu.vector_load %arg18[%swap3A_146, %swap3A_147] {strides = array<i32>} : memref<8x128xf32, #tpu.memory_space<vmem>>, vector<16xf32>,
    tpu.vector_store %arg18[%swap3A_146, %swap3A_147], %broadcast_in_dim3A_1 {strides = array<i32>} : memref<8x128xf32, #tpu.memory_space<vmem>>, vector<16xf32>,
    %swap3A_149 = arith.constant 4 : i32
    %swap3A_150 = arith.index_cast %swap3A_149 : i32 to index
    %swap3A_151 = arith.constant 80 : index
    %swap3A_152 = tpu.vector_load %arg18[%swap3A_150, %swap3A_151] {strides = array<i32>} : memref<8x128xf32, #tpu.memory_space<vmem>>, vector<16xf32>,
    tpu.vector_store %arg18[%swap3A_150, %swap3A_151], %broadcast_in_dim3A_1 {strides = array<i32>} : memref<8x128xf32, #tpu.memory_space<vmem>>, vector<16xf32>,
    %swap3A_153 = arith.constant 4 : i32
    %swap3A_154 = arith.index_cast %swap3A_153 : i32 to index
    %swap3A_155 = arith.constant 96 : index
    %swap3A_156 = tpu.vector_load %arg18[%swap3A_154, %swap3A_155] {strides = array<i32>} : memref<8x128xf32, #tpu.memory_space<vmem>>, vector<16xf32>,
    tpu.vector_store %arg18[%swap3A_154, %swap3A_155], %broadcast_in_dim3A_1 {strides = array<i32>} : memref<8x128xf32, #tpu.memory_space<vmem>>, vector<16xf32>,
    %swap3A_157 = arith.constant 4 : i32
    %swap3A_158 = arith.index_cast %swap3A_157 : i32 to index
    %swap3A_159 = arith.constant 112 : index
    %swap3A_160 = tpu.vector_load %arg18[%swap3A_158, %swap3A_159] {strides = array<i32>} : memref<8x128xf32, #tpu.memory_space<vmem>>, vector<16xf32>,
    tpu.vector_store %arg18[%swap3A_158, %swap3A_159], %broadcast_in_dim3A_1 {strides = array<i32>} : memref<8x128xf32, #tpu.memory_space<vmem>>, vector<16xf32>,
    %swap3A_161 = arith.constant 5 : i32
    %swap3A_162 = arith.index_cast %swap3A_161 : i32 to index
    %swap3A_163 = arith.constant 0 : index
    %swap3A_164 = tpu.vector_load %arg18[%swap3A_162, %swap3A_163] {strides = array<i32>} : memref<8x128xf32, #tpu.memory_space<vmem>>, vector<16xf32>,
    tpu.vector_store %arg18[%swap3A_162, %swap3A_163], %broadcast_in_dim3A_1 {strides = array<i32>} : memref<8x128xf32, #tpu.memory_space<vmem>>, vector<16xf32>,
    %swap3A_165 = arith.constant 5 : i32
    %swap3A_166 = arith.index_cast %swap3A_165 : i32 to index
    %swap3A_167 = arith.constant 16 : index
    %swap3A_168 = tpu.vector_load %arg18[%swap3A_166, %swap3A_167] {strides = array<i32>} : memref<8x128xf32, #tpu.memory_space<vmem>>, vector<16xf32>,
    tpu.vector_store %arg18[%swap3A_166, %swap3A_167], %broadcast_in_dim3A_1 {strides = array<i32>} : memref<8x128xf32, #tpu.memory_space<vmem>>, vector<16xf32>,
    %swap3A_169 = arith.constant 5 : i32
    %swap3A_170 = arith.index_cast %swap3A_169 : i32 to index
    %swap3A_171 = arith.constant 32 : index
    %swap3A_172 = tpu.vector_load %arg18[%swap3A_170, %swap3A_171] {strides = array<i32>} : memref<8x128xf32, #tpu.memory_space<vmem>>, vector<16xf32>,
    tpu.vector_store %arg18[%swap3A_170, %swap3A_171], %broadcast_in_dim3A_1 {strides = array<i32>} : memref<8x128xf32, #tpu.memory_space<vmem>>, vector<16xf32>,
    %swap3A_173 = arith.constant 5 : i32
    %swap3A_174 = arith.index_cast %swap3A_173 : i32 to index
    %swap3A_175 = arith.constant 48 : index
    %swap3A_176 = tpu.vector_load %arg18[%swap3A_174, %swap3A_175] {strides = array<i32>} : memref<8x128xf32, #tpu.memory_space<vmem>>, vector<16xf32>,
    tpu.vector_store %arg18[%swap3A_174, %swap3A_175], %broadcast_in_dim3A_1 {strides = array<i32>} : memref<8x128xf32, #tpu.memory_space<vmem>>, vector<16xf32>,
    %swap3A_177 = arith.constant 5 : i32
    %swap3A_178 = arith.index_cast %swap3A_177 : i32 to index
    %swap3A_179 = arith.constant 64 : index
    %swap3A_180 = tpu.vector_load %arg18[%swap3A_178, %swap3A_179] {strides = array<i32>} : memref<8x128xf32, #tpu.memory_space<vmem>>, vector<16xf32>,
    tpu.vector_store %arg18[%swap3A_178, %swap3A_179], %broadcast_in_dim3A_1 {strides = array<i32>} : memref<8x128xf32, #tpu.memory_space<vmem>>, vector<16xf32>,
    %swap3A_181 = arith.constant 5 : i32
    %swap3A_182 = arith.index_cast %swap3A_181 : i32 to index
    %swap3A_183 = arith.constant 80 : index
    %swap3A_184 = tpu.vector_load %arg18[%swap3A_182, %swap3A_183] {strides = array<i32>} : memref<8x128xf32, #tpu.memory_space<vmem>>, vector<16xf32>,
    tpu.vector_store %arg18[%swap3A_182, %swap3A_183], %broadcast_in_dim3A_1 {strides = array<i32>} : memref<8x128xf32, #tpu.memory_space<vmem>>, vector<16xf32>,
    %swap3A_185 = arith.constant 5 : i32
    %swap3A_186 = arith.index_cast %swap3A_185 : i32 to index
    %swap3A_187 = arith.constant 96 : index
    %swap3A_188 = tpu.vector_load %arg18[%swap3A_186, %swap3A_187] {strides = array<i32>} : memref<8x128xf32, #tpu.memory_space<vmem>>, vector<16xf32>,
    tpu.vector_store %arg18[%swap3A_186, %swap3A_187], %broadcast_in_dim3A_1 {strides = array<i32>} : memref<8x128xf32, #tpu.memory_space<vmem>>, vector<16xf32>,
    %swap3A_189 = arith.constant 5 : i32
    %swap3A_190 = arith.index_cast %swap3A_189 : i32 to index
    %swap3A_191 = arith.constant 112 : index
    %swap3A_192 = tpu.vector_load %arg18[%swap3A_190, %swap3A_191] {strides = array<i32>} : memref<8x128xf32, #tpu.memory_space<vmem>>, vector<16xf32>,
    tpu.vector_store %arg18[%swap3A_190, %swap3A_191], %broadcast_in_dim3A_1 {strides = array<i32>} : memref<8x128xf32, #tpu.memory_space<vmem>>, vector<16xf32>,
    %swap3A_193 = arith.constant 6 : i32
    %swap3A_194 = arith.index_cast %swap3A_193 : i32 to index
    %swap3A_195 = arith.constant 0 : index
    %swap3A_196 = tpu.vector_load %arg18[%swap3A_194, %swap3A_195] {strides = array<i32>} : memref<8x128xf32, #tpu.memory_space<vmem>>, vector<16xf32>,
    tpu.vector_store %arg18[%swap3A_194, %swap3A_195], %broadcast_in_dim3A_1 {strides = array<i32>} : memref<8x128xf32, #tpu.memory_space<vmem>>, vector<16xf32>,
    %swap3A_197 = arith.constant 6 : i32
    %swap3A_198 = arith.index_cast %swap3A_197 : i32 to index
    %swap3A_199 = arith.constant 16 : index
    %swap3A_200 = tpu.vector_load %arg18[%swap3A_198, %swap3A_199] {strides = array<i32>} : memref<8x128xf32, #tpu.memory_space<vmem>>, vector<16xf32>,
    tpu.vector_store %arg18[%swap3A_198, %swap3A_199], %broadcast_in_dim3A_1 {strides = array<i32>} : memref<8x128xf32, #tpu.memory_space<vmem>>, vector<16xf32>,
    %swap3A_201 = arith.constant 6 : i32
    %swap3A_202 = arith.index_cast %swap3A_201 : i32 to index
    %swap3A_203 = arith.constant 32 : index
    %swap3A_204 = tpu.vector_load %arg18[%swap3A_202, %swap3A_203] {strides = array<i32>} : memref<8x128xf32, #tpu.memory_space<vmem>>, vector<16xf32>,
    tpu.vector_store %arg18[%swap3A_202, %swap3A_203], %broadcast_in_dim3A_1 {strides = array<i32>} : memref<8x128xf32, #tpu.memory_space<vmem>>, vector<16xf32>,
    %swap3A_205 = arith.constant 6 : i32
    %swap3A_206 = arith.index_cast %swap3A_205 : i32 to index
    %swap3A_207 = arith.constant 48 : index
    %swap3A_208 = tpu.vector_load %arg18[%swap3A_206, %swap3A_207] {strides = array<i32>} : memref<8x128xf32, #tpu.memory_space<vmem>>, vector<16xf32>,
    tpu.vector_store %arg18[%swap3A_206, %swap3A_207], %broadcast_in_dim3A_1 {strides = array<i32>} : memref<8x128xf32, #tpu.memory_space<vmem>>, vector<16xf32>,
    %swap3A_209 = arith.constant 6 : i32
    %swap3A_210 = arith.index_cast %swap3A_209 : i32 to index
    %swap3A_211 = arith.constant 64 : index
    %swap3A_212 = tpu.vector_load %arg18[%swap3A_210, %swap3A_211] {strides = array<i32>} : memref<8x128xf32, #tpu.memory_space<vmem>>, vector<16xf32>,
    tpu.vector_store %arg18[%swap3A_210, %swap3A_211], %broadcast_in_dim3A_1 {strides = array<i32>} : memref<8x128xf32, #tpu.memory_space<vmem>>, vector<16xf32>,
    %swap3A_213 = arith.constant 6 : i32
    %swap3A_214 = arith.index_cast %swap3A_213 : i32 to index
    %swap3A_215 = arith.constant 80 : index
    %swap3A_216 = tpu.vector_load %arg18[%swap3A_214, %swap3A_215] {strides = array<i32>} : memref<8x128xf32, #tpu.memory_space<vmem>>, vector<16xf32>,
    tpu.vector_store %arg18[%swap3A_214, %swap3A_215], %broadcast_in_dim3A_1 {strides = array<i32>} : memref<8x128xf32, #tpu.memory_space<vmem>>, vector<16xf32>,
    %swap3A_217 = arith.constant 6 : i32
    %swap3A_218 = arith.index_cast %swap3A_217 : i32 to index
    %swap3A_219 = arith.constant 96 : index
    %swap3A_220 = tpu.vector_load %arg18[%swap3A_218, %swap3A_219] {strides = array<i32>} : memref<8x128xf32, #tpu.memory_space<vmem>>, vector<16xf32>,
    tpu.vector_store %arg18[%swap3A_218, %swap3A_219], %broadcast_in_dim3A_1 {strides = array<i32>} : memref<8x128xf32, #tpu.memory_space<vmem>>, vector<16xf32>,
    %swap3A_221 = arith.constant 6 : i32
    %swap3A_222 = arith.index_cast %swap3A_221 : i32 to index
    %swap3A_223 = arith.constant 112 : index
    %swap3A_224 = tpu.vector_load %arg18[%swap3A_222, %swap3A_223] {strides = array<i32>} : memref<8x128xf32, #tpu.memory_space<vmem>>, vector<16xf32>,
    tpu.vector_store %arg18[%swap3A_222, %swap3A_223], %broadcast_in_dim3A_1 {strides = array<i32>} : memref<8x128xf32, #tpu.memory_space<vmem>>, vector<16xf32>,
    %swap3A_225 = arith.constant 7 : i32
    %swap3A_226 = arith.index_cast %swap3A_225 : i32 to index
    %swap3A_227 = arith.constant 0 : index
    %swap3A_228 = tpu.vector_load %arg18[%swap3A_226, %swap3A_227] {strides = array<i32>} : memref<8x128xf32, #tpu.memory_space<vmem>>, vector<16xf32>,
    tpu.vector_store %arg18[%swap3A_226, %swap3A_227], %broadcast_in_dim3A_1 {strides = array<i32>} : memref<8x128xf32, #tpu.memory_space<vmem>>, vector<16xf32>,
    %swap3A_229 = arith.constant 7 : i32
    %swap3A_230 = arith.index_cast %swap3A_229 : i32 to index
    %swap3A_231 = arith.constant 16 : index
    %swap3A_232 = tpu.vector_load %arg18[%swap3A_230, %swap3A_231] {strides = array<i32>} : memref<8x128xf32, #tpu.memory_space<vmem>>, vector<16xf32>,
    tpu.vector_store %arg18[%swap3A_230, %swap3A_231], %broadcast_in_dim3A_1 {strides = array<i32>} : memref<8x128xf32, #tpu.memory_space<vmem>>, vector<16xf32>,
    %swap3A_233 = arith.constant 7 : i32
    %swap3A_234 = arith.index_cast %swap3A_233 : i32 to index
    %swap3A_235 = arith.constant 32 : index
    %swap3A_236 = tpu.vector_load %arg18[%swap3A_234, %swap3A_235] {strides = array<i32>} : memref<8x128xf32, #tpu.memory_space<vmem>>, vector<16xf32>,
    tpu.vector_store %arg18[%swap3A_234, %swap3A_235], %broadcast_in_dim3A_1 {strides = array<i32>} : memref<8x128xf32, #tpu.memory_space<vmem>>, vector<16xf32>,
    %swap3A_237 = arith.constant 7 : i32
    %swap3A_238 = arith.index_cast %swap3A_237 : i32 to index
    %swap3A_239 = arith.constant 48 : index
    %swap3A_240 = tpu.vector_load %arg18[%swap3A_238, %swap3A_239] {strides = array<i32>} : memref<8x128xf32, #tpu.memory_space<vmem>>, vector<16xf32>,
    tpu.vector_store %arg18[%swap3A_238, %swap3A_239], %broadcast_in_dim3A_1 {strides = array<i32>} : memref<8x128xf32, #tpu.memory_space<vmem>>, vector<16xf32>,
    %swap3A_241 = arith.constant 7 : i32
    %swap3A_242 = arith.index_cast %swap3A_241 : i32 to index
    %swap3A_243 = arith.constant 64 : index
    %swap3A_244 = tpu.vector_load %arg18[%swap3A_242, %swap3A_243] {strides = array<i32>} : memref<8x128xf32, #tpu.memory_space<vmem>>, vector<16xf32>,
    tpu.vector_store %arg18[%swap3A_242, %swap3A_243], %broadcast_in_dim3A_1 {strides = array<i32>} : memref<8x128xf32, #tpu.memory_space<vmem>>, vector<16xf32>,
    %swap3A_245 = arith.constant 7 : i32
    %swap3A_246 = arith.index_cast %swap3A_245 : i32 to index
    %swap3A_247 = arith.constant 80 : index
    %swap3A_248 = tpu.vector_load %arg18[%swap3A_246, %swap3A_247] {strides = array<i32>} : memref<8x128xf32, #tpu.memory_space<vmem>>, vector<16xf32>,
    tpu.vector_store %arg18[%swap3A_246, %swap3A_247], %broadcast_in_dim3A_1 {strides = array<i32>} : memref<8x128xf32, #tpu.memory_space<vmem>>, vector<16xf32>,
    %swap3A_249 = arith.constant 7 : i32
    %swap3A_250 = arith.index_cast %swap3A_249 : i32 to index
    %swap3A_251 = arith.constant 96 : index
    %swap3A_252 = tpu.vector_load %arg18[%swap3A_250, %swap3A_251] {strides = array<i32>} : memref<8x128xf32, #tpu.memory_space<vmem>>, vector<16xf32>,
    tpu.vector_store %arg18[%swap3A_250, %swap3A_251], %broadcast_in_dim3A_1 {strides = array<i32>} : memref<8x128xf32, #tpu.memory_space<vmem>>, vector<16xf32>,
    %swap3A_253 = arith.constant 7 : i32
    %swap3A_254 = arith.index_cast %swap3A_253 : i32 to index
    %swap3A_255 = arith.constant 112 : index
    %swap3A_256 = tpu.vector_load %arg18[%swap3A_254, %swap3A_255] {strides = array<i32>} : memref<8x128xf32, #tpu.memory_space<vmem>>, vector<16xf32>,
    tpu.vector_store %arg18[%swap3A_254, %swap3A_255], %broadcast_in_dim3A_1 {strides = array<i32>} : memref<8x128xf32, #tpu.memory_space<vmem>>, vector<16xf32>,
    %scan3A = arith.constant 0 : i32
    %scan3A_257 = arith.constant 80 : i32
    %scan3A_258 = arith.addi %scan3A, %scan3A_257 : i32
    %scan3A_259 = arith.constant 1 : i32
    scf.for %scan3A_368 = %scan3A to %scan3A_258 step %scan3A_259  : i32 {
      %mul3A_369 = arith.constant 640 : i32
      %mul3A_370 = arith.muli %arg1, %mul3A_369 : i32
      %mul3A_371 = arith.constant 8 : i32
      %mul3A_372 = arith.muli %scan3A_368, %mul3A_371 : i32
      %add3A_373 = arith.addi %mul3A_370, %mul3A_372 : i32
      "tpu.region"() ({
        %run_scoped3A = tpu.sem_alloc : memref<!tpu.dma_semaphore, #tpu.memory_space<semaphore_mem>>
        %dma_start3A_374 = arith.constant 0 : i32
        %dma_start3A_375 = tpu.memref_slice %arg19[%add3A_373, %dma_start3A_374] : memref<10240x128xf32, #tpu.memory_space<vmem_shared>> -> memref<8x128xf32, #tpu.memory_space<vmem_shared>>
        %dma_start3A_376 = arith.constant 0 : i32
        %dma_start3A_377 = tpu.memref_slice %arg19[%add3A_373, %dma_start3A_376] : memref<10240x128xf32, #tpu.memory_space<vmem_shared>> -> memref<8x128xf32, #tpu.memory_space<vmem_shared>>
        tpu.enqueue_dma source(%arg18 : memref<8x128xf32, #tpu.memory_space<vmem>>) target(%dma_start3A_377 : memref<8x128xf32, #tpu.memory_space<vmem_shared>>) target_semaphore(%run_scoped3A : memref<!tpu.dma_semaphore, #tpu.memory_space<semaphore_mem>>)
        %dma_wait3A_378 = arith.constant 0 : i32
        %dma_wait3A_379 = tpu.memref_slice %arg19[%add3A_373, %dma_wait3A_378] : memref<10240x128xf32, #tpu.memory_space<vmem_shared>> -> memref<8x128xf32, #tpu.memory_space<vmem_shared>>
        %dma_wait3A_380 = arith.constant 0 : i32
        %dma_wait3A_381 = tpu.memref_slice %arg19[%add3A_373, %dma_wait3A_380] : memref<10240x128xf32, #tpu.memory_space<vmem_shared>> -> memref<8x128xf32, #tpu.memory_space<vmem_shared>>
        tpu.wait_dma2 semaphore(%run_scoped3A : memref<!tpu.dma_semaphore, #tpu.memory_space<semaphore_mem>>) src(%arg18 : memref<8x128xf32, #tpu.memory_space<vmem>>) dst(%dma_wait3A_381 : memref<8x128xf32, #tpu.memory_space<vmem_shared>>)
        tpu.yield
      }) : () -> ()
    }
    %scan3A_260 = arith.constant 80 : i32
    %barrier3A = arith.constant 0 : index
    tpu.barrier barrier_id(%barrier3A)
    %mul3A_261 = arith.constant 10000 : i32
    %mul3A_262 = arith.muli %add3A, %mul3A_261 : i32
    %add3A_263 = arith.constant 0 : i32
    %add3A_264 = arith.addi %mul3A_262, %add3A_263 : i32
    %dma_start3A = tpu.memref_slice %arg3[%add3A_264] : memref<320000xi32, #tpu.memory_space<hbm>> -> memref<80xi32, #tpu.memory_space<hbm>>
    %dma_start3A_265 = tpu.memref_slice %arg3[%add3A_264] : memref<320000xi32, #tpu.memory_space<hbm>> -> memref<80xi32, #tpu.memory_space<hbm>>
    tpu.enqueue_dma source(%dma_start3A_265 : memref<80xi32, #tpu.memory_space<hbm>>) target(%arg6 : memref<80xi32, #tpu.memory_space<vmem>>) target_semaphore(%arg24 : memref<!tpu.dma_semaphore, #tpu.memory_space<semaphore_mem>>)
    %mul3A_266 = arith.constant 10000 : i32
    %mul3A_267 = arith.muli %add3A, %mul3A_266 : i32
    %add3A_268 = arith.constant 0 : i32
    %add3A_269 = arith.addi %mul3A_267, %add3A_268 : i32
    %dma_start3A_270 = tpu.memref_slice %arg4[%add3A_269] : memref<320000xi32, #tpu.memory_space<hbm>> -> memref<80xi32, #tpu.memory_space<hbm>>
    %dma_start3A_271 = tpu.memref_slice %arg4[%add3A_269] : memref<320000xi32, #tpu.memory_space<hbm>> -> memref<80xi32, #tpu.memory_space<hbm>>
    tpu.enqueue_dma source(%dma_start3A_271 : memref<80xi32, #tpu.memory_space<hbm>>) target(%arg10 : memref<80xi32, #tpu.memory_space<vmem>>) target_semaphore(%arg28 : memref<!tpu.dma_semaphore, #tpu.memory_space<semaphore_mem>>)
    %mul3A_272 = arith.constant 10000 : i32
    %mul3A_273 = arith.muli %add3A, %mul3A_272 : i32
    %add3A_274 = arith.constant 0 : i32
    %add3A_275 = arith.addi %mul3A_273, %add3A_274 : i32
    %dma_wait3A = tpu.memref_slice %arg3[%add3A_275] : memref<320000xi32, #tpu.memory_space<hbm>> -> memref<80xi32, #tpu.memory_space<hbm>>
    %dma_wait3A_276 = tpu.memref_slice %arg3[%add3A_275] : memref<320000xi32, #tpu.memory_space<hbm>> -> memref<80xi32, #tpu.memory_space<hbm>>
    tpu.wait_dma2 semaphore(%arg24 : memref<!tpu.dma_semaphore, #tpu.memory_space<semaphore_mem>>) src(%dma_wait3A_276 : memref<80xi32, #tpu.memory_space<hbm>>) dst(%arg6 : memref<80xi32, #tpu.memory_space<vmem>>)
    %dma_start3A_277 = arith.constant 0 : i32
    %dma_start3A_278 = arith.constant 0 : i32
    %dma_start3A_279 = tpu.memref_slice %arg2[%dma_start3A_277, %dma_start3A_278] : memref<10240x128xf32, #tpu.memory_space<hbm>> -> memref<10240x128xf32, #tpu.memory_space<hbm>>
    tpu.enqueue_indirect_dma source(%dma_start3A_279 : memref<10240x128xf32, #tpu.memory_space<hbm>>) target(%arg14 : memref<80x128xf32, #tpu.memory_space<vmem>>) offsets(%arg6 : memref<80xi32, #tpu.memory_space<vmem>>) semaphore(%arg20 : memref<!tpu.dma_semaphore, #tpu.memory_space<semaphore_mem>>)
    %mul3A_280 = arith.constant 10000 : i32
    %mul3A_281 = arith.muli %add3A, %mul3A_280 : i32
    %add3A_282 = arith.constant 80 : i32
    %add3A_283 = arith.addi %mul3A_281, %add3A_282 : i32
    %dma_start3A_284 = tpu.memref_slice %arg3[%add3A_283] : memref<320000xi32, #tpu.memory_space<hbm>> -> memref<80xi32, #tpu.memory_space<hbm>>
    %dma_start3A_285 = tpu.memref_slice %arg3[%add3A_283] : memref<320000xi32, #tpu.memory_space<hbm>> -> memref<80xi32, #tpu.memory_space<hbm>>
    tpu.enqueue_dma source(%dma_start3A_285 : memref<80xi32, #tpu.memory_space<hbm>>) target(%arg7 : memref<80xi32, #tpu.memory_space<vmem>>) target_semaphore(%arg25 : memref<!tpu.dma_semaphore, #tpu.memory_space<semaphore_mem>>)
    %mul3A_286 = arith.constant 10000 : i32
    %mul3A_287 = arith.muli %add3A, %mul3A_286 : i32
    %add3A_288 = arith.constant 80 : i32
    %add3A_289 = arith.addi %mul3A_287, %add3A_288 : i32
    %dma_start3A_290 = tpu.memref_slice %arg4[%add3A_289] : memref<320000xi32, #tpu.memory_space<hbm>> -> memref<80xi32, #tpu.memory_space<hbm>>
    %dma_start3A_291 = tpu.memref_slice %arg4[%add3A_289] : memref<320000xi32, #tpu.memory_space<hbm>> -> memref<80xi32, #tpu.memory_space<hbm>>
    tpu.enqueue_dma source(%dma_start3A_291 : memref<80xi32, #tpu.memory_space<hbm>>) target(%arg11 : memref<80xi32, #tpu.memory_space<vmem>>) target_semaphore(%arg29 : memref<!tpu.dma_semaphore, #tpu.memory_space<semaphore_mem>>)
    %mul3A_292 = arith.constant 10000 : i32
    %mul3A_293 = arith.muli %add3A, %mul3A_292 : i32
    %add3A_294 = arith.constant 80 : i32
    %add3A_295 = arith.addi %mul3A_293, %add3A_294 : i32
    %dma_wait3A_296 = tpu.memref_slice %arg3[%add3A_295] : memref<320000xi32, #tpu.memory_space<hbm>> -> memref<80xi32, #tpu.memory_space<hbm>>
    %dma_wait3A_297 = tpu.memref_slice %arg3[%add3A_295] : memref<320000xi32, #tpu.memory_space<hbm>> -> memref<80xi32, #tpu.memory_space<hbm>>
    tpu.wait_dma2 semaphore(%arg25 : memref<!tpu.dma_semaphore, #tpu.memory_space<semaphore_mem>>) src(%dma_wait3A_297 : memref<80xi32, #tpu.memory_space<hbm>>) dst(%arg7 : memref<80xi32, #tpu.memory_space<vmem>>)
    %dma_start3A_298 = arith.constant 0 : i32
    %dma_start3A_299 = arith.constant 0 : i32
    %dma_start3A_300 = tpu.memref_slice %arg2[%dma_start3A_298, %dma_start3A_299] : memref<10240x128xf32, #tpu.memory_space<hbm>> -> memref<10240x128xf32, #tpu.memory_space<hbm>>
    tpu.enqueue_indirect_dma source(%dma_start3A_300 : memref<10240x128xf32, #tpu.memory_space<hbm>>) target(%arg15 : memref<80x128xf32, #tpu.memory_space<vmem>>) offsets(%arg7 : memref<80xi32, #tpu.memory_space<vmem>>) semaphore(%arg21 : memref<!tpu.dma_semaphore, #tpu.memory_space<semaphore_mem>>)
    %mul3A_301 = arith.constant 10000 : i32
    %mul3A_302 = arith.muli %add3A, %mul3A_301 : i32
    %add3A_303 = arith.constant 160 : i32
    %add3A_304 = arith.addi %mul3A_302, %add3A_303 : i32
    %dma_start3A_305 = tpu.memref_slice %arg3[%add3A_304] : memref<320000xi32, #tpu.memory_space<hbm>> -> memref<80xi32, #tpu.memory_space<hbm>>
    %dma_start3A_306 = tpu.memref_slice %arg3[%add3A_304] : memref<320000xi32, #tpu.memory_space<hbm>> -> memref<80xi32, #tpu.memory_space<hbm>>
    tpu.enqueue_dma source(%dma_start3A_306 : memref<80xi32, #tpu.memory_space<hbm>>) target(%arg8 : memref<80xi32, #tpu.memory_space<vmem>>) target_semaphore(%arg26 : memref<!tpu.dma_semaphore, #tpu.memory_space<semaphore_mem>>)
    %mul3A_307 = arith.constant 10000 : i32
    %mul3A_308 = arith.muli %add3A, %mul3A_307 : i32
    %add3A_309 = arith.constant 160 : i32
    %add3A_310 = arith.addi %mul3A_308, %add3A_309 : i32
    %dma_start3A_311 = tpu.memref_slice %arg4[%add3A_310] : memref<320000xi32, #tpu.memory_space<hbm>> -> memref<80xi32, #tpu.memory_space<hbm>>
    %dma_start3A_312 = tpu.memref_slice %arg4[%add3A_310] : memref<320000xi32, #tpu.memory_space<hbm>> -> memref<80xi32, #tpu.memory_space<hbm>>
    tpu.enqueue_dma source(%dma_start3A_312 : memref<80xi32, #tpu.memory_space<hbm>>) target(%arg12 : memref<80xi32, #tpu.memory_space<vmem>>) target_semaphore(%arg30 : memref<!tpu.dma_semaphore, #tpu.memory_space<semaphore_mem>>)
    %mul3A_313 = arith.constant 10000 : i32
    %mul3A_314 = arith.muli %add3A, %mul3A_313 : i32
    %add3A_315 = arith.constant 160 : i32
    %add3A_316 = arith.addi %mul3A_314, %add3A_315 : i32
    %dma_wait3A_317 = tpu.memref_slice %arg3[%add3A_316] : memref<320000xi32, #tpu.memory_space<hbm>> -> memref<80xi32, #tpu.memory_space<hbm>>
    %dma_wait3A_318 = tpu.memref_slice %arg3[%add3A_316] : memref<320000xi32, #tpu.memory_space<hbm>> -> memref<80xi32, #tpu.memory_space<hbm>>
    tpu.wait_dma2 semaphore(%arg26 : memref<!tpu.dma_semaphore, #tpu.memory_space<semaphore_mem>>) src(%dma_wait3A_318 : memref<80xi32, #tpu.memory_space<hbm>>) dst(%arg8 : memref<80xi32, #tpu.memory_space<vmem>>)
    %dma_start3A_319 = arith.constant 0 : i32
    %dma_start3A_320 = arith.constant 0 : i32
    %dma_start3A_321 = tpu.memref_slice %arg2[%dma_start3A_319, %dma_start3A_320] : memref<10240x128xf32, #tpu.memory_space<hbm>> -> memref<10240x128xf32, #tpu.memory_space<hbm>>
    tpu.enqueue_indirect_dma source(%dma_start3A_321 : memref<10240x128xf32, #tpu.memory_space<hbm>>) target(%arg16 : memref<80x128xf32, #tpu.memory_space<vmem>>) offsets(%arg8 : memref<80xi32, #tpu.memory_space<vmem>>) semaphore(%arg22 : memref<!tpu.dma_semaphore, #tpu.memory_space<semaphore_mem>>)
    %mul3A_322 = arith.constant 10000 : i32
    %mul3A_323 = arith.muli %add3A, %mul3A_322 : i32
    %add3A_324 = arith.constant 240 : i32
    %add3A_325 = arith.addi %mul3A_323, %add3A_324 : i32
    %dma_start3A_326 = tpu.memref_slice %arg3[%add3A_325] : memref<320000xi32, #tpu.memory_space<hbm>> -> memref<80xi32, #tpu.memory_space<hbm>>
    %dma_start3A_327 = tpu.memref_slice %arg3[%add3A_325] : memref<320000xi32, #tpu.memory_space<hbm>> -> memref<80xi32, #tpu.memory_space<hbm>>
    tpu.enqueue_dma source(%dma_start3A_327 : memref<80xi32, #tpu.memory_space<hbm>>) target(%arg9 : memref<80xi32, #tpu.memory_space<vmem>>) target_semaphore(%arg27 : memref<!tpu.dma_semaphore, #tpu.memory_space<semaphore_mem>>)
    %mul3A_328 = arith.constant 10000 : i32
    %mul3A_329 = arith.muli %add3A, %mul3A_328 : i32
    %add3A_330 = arith.constant 240 : i32
    %add3A_331 = arith.addi %mul3A_329, %add3A_330 : i32
    %dma_start3A_332 = tpu.memref_slice %arg4[%add3A_331] : memref<320000xi32, #tpu.memory_space<hbm>> -> memref<80xi32, #tpu.memory_space<hbm>>
    %dma_start3A_333 = tpu.memref_slice %arg4[%add3A_331] : memref<320000xi32, #tpu.memory_space<hbm>> -> memref<80xi32, #tpu.memory_space<hbm>>
    tpu.enqueue_dma source(%dma_start3A_333 : memref<80xi32, #tpu.memory_space<hbm>>) target(%arg13 : memref<80xi32, #tpu.memory_space<vmem>>) target_semaphore(%arg31 : memref<!tpu.dma_semaphore, #tpu.memory_space<semaphore_mem>>)
    %mul3A_334 = arith.constant 10000 : i32
    %mul3A_335 = arith.muli %add3A, %mul3A_334 : i32
    %add3A_336 = arith.constant 240 : i32
    %add3A_337 = arith.addi %mul3A_335, %add3A_336 : i32
    %dma_wait3A_338 = tpu.memref_slice %arg3[%add3A_337] : memref<320000xi32, #tpu.memory_space<hbm>> -> memref<80xi32, #tpu.memory_space<hbm>>
    %dma_wait3A_339 = tpu.memref_slice %arg3[%add3A_337] : memref<320000xi32, #tpu.memory_space<hbm>> -> memref<80xi32, #tpu.memory_space<hbm>>
    tpu.wait_dma2 semaphore(%arg27 : memref<!tpu.dma_semaphore, #tpu.memory_space<semaphore_mem>>) src(%dma_wait3A_339 : memref<80xi32, #tpu.memory_space<hbm>>) dst(%arg9 : memref<80xi32, #tpu.memory_space<vmem>>)
    %dma_start3A_340 = arith.constant 0 : i32
    %dma_start3A_341 = arith.constant 0 : i32
    %dma_start3A_342 = tpu.memref_slice %arg2[%dma_start3A_340, %dma_start3A_341] : memref<10240x128xf32, #tpu.memory_space<hbm>> -> memref<10240x128xf32, #tpu.memory_space<hbm>>
    tpu.enqueue_indirect_dma source(%dma_start3A_342 : memref<10240x128xf32, #tpu.memory_space<hbm>>) target(%arg17 : memref<80x128xf32, #tpu.memory_space<vmem>>) offsets(%arg9 : memref<80xi32, #tpu.memory_space<vmem>>) semaphore(%arg23 : memref<!tpu.dma_semaphore, #tpu.memory_space<semaphore_mem>>)
    %scan3A_343 = arith.constant 0 : i32
    %scan3A_344 = arith.constant 31 : i32
    %scan3A_345 = arith.addi %scan3A_343, %scan3A_344 : i32
    %scan3A_346 = arith.constant 1 : i32
    scf.for %scan3A_368 = %scan3A_343 to %scan3A_345 step %scan3A_346  : i32 {
      %mul3A_369 = arith.constant 4 : i32
      %mul3A_370 = arith.muli %mul3A_369, %scan3A_368 : i32
      %add3A_371 = arith.constant 0 : i32
      %add3A_372 = arith.addi %mul3A_370, %add3A_371 : i32
      %dma_wait3A_373 = arith.constant 0 : i32
      %dma_wait3A_374 = arith.constant 0 : i32
      %dma_wait3A_375 = tpu.memref_slice %arg2[%dma_wait3A_373, %dma_wait3A_374] : memref<10240x128xf32, #tpu.memory_space<hbm>> -> memref<10240x128xf32, #tpu.memory_space<hbm>>
      tpu.wait_indirect_dma semaphore(%arg20 : memref<!tpu.dma_semaphore, #tpu.memory_space<semaphore_mem>>) src(%dma_wait3A_375 : memref<10240x128xf32, #tpu.memory_space<hbm>>) dst(%arg14 : memref<80x128xf32, #tpu.memory_space<vmem>>)
      %add3A_376 = arith.constant 4 : i32
      %add3A_377 = arith.addi %add3A_372, %add3A_376 : i32
      %lt3A = arith.constant 125 : i32
      %lt3A_378 = arith.cmpi slt, %add3A_377, %lt3A : i32
      %convert_element_type3A = arith.extui %lt3A_378 : i1 to i32
      %cond3A = arith.constant 0 : i32
      %cond3A_379 = arith.cmpi ne, %convert_element_type3A, %cond3A : i32
      scf.if %cond3A_379 {
        %add3A_496 = arith.constant 4 : i32
        %add3A_497 = arith.addi %add3A_372, %add3A_496 : i32
        %mul3A_498 = arith.constant 10000 : i32
        %mul3A_499 = arith.muli %add3A, %mul3A_498 : i32
        %mul3A_500 = arith.constant 80 : i32
        %mul3A_501 = arith.muli %add3A_497, %mul3A_500 : i32
        %add3A_502 = arith.addi %mul3A_499, %mul3A_501 : i32
        %dma_start3A_503 = tpu.memref_slice %arg3[%add3A_502] : memref<320000xi32, #tpu.memory_space<hbm>> -> memref<80xi32, #tpu.memory_space<hbm>>
        %dma_start3A_504 = tpu.memref_slice %arg3[%add3A_502] : memref<320000xi32, #tpu.memory_space<hbm>> -> memref<80xi32, #tpu.memory_space<hbm>>
        tpu.enqueue_dma source(%dma_start3A_504 : memref<80xi32, #tpu.memory_space<hbm>>) target(%arg6 : memref<80xi32, #tpu.memory_space<vmem>>) target_semaphore(%arg24 : memref<!tpu.dma_semaphore, #tpu.memory_space<semaphore_mem>>)
      } else {
      }
      %mul3A_380 = arith.constant 10000 : i32
      %mul3A_381 = arith.muli %add3A, %mul3A_380 : i32
      %mul3A_382 = arith.constant 80 : i32
      %mul3A_383 = arith.muli %add3A_372, %mul3A_382 : i32
      %add3A_384 = arith.addi %mul3A_381, %mul3A_383 : i32
      %dma_wait3A_385 = tpu.memref_slice %arg4[%add3A_384] : memref<320000xi32, #tpu.memory_space<hbm>> -> memref<80xi32, #tpu.memory_space<hbm>>
      %dma_wait3A_386 = tpu.memref_slice %arg4[%add3A_384] : memref<320000xi32, #tpu.memory_space<hbm>> -> memref<80xi32, #tpu.memory_space<hbm>>
      tpu.wait_dma2 semaphore(%arg28 : memref<!tpu.dma_semaphore, #tpu.memory_space<semaphore_mem>>) src(%dma_wait3A_386 : memref<80xi32, #tpu.memory_space<hbm>>) dst(%arg10 : memref<80xi32, #tpu.memory_space<vmem>>)
      %dma_start3A_387 = arith.constant 0 : i32
      %dma_start3A_388 = arith.constant 0 : i32
      %dma_start3A_389 = tpu.memref_slice %arg19[%dma_start3A_387, %dma_start3A_388] : memref<10240x128xf32, #tpu.memory_space<vmem_shared>> -> memref<10240x128xf32, #tpu.memory_space<vmem_shared>>
      tpu.enqueue_indirect_dma source(%arg14 : memref<80x128xf32, #tpu.memory_space<vmem>>) target(%dma_start3A_389 : memref<10240x128xf32, #tpu.memory_space<vmem_shared>>) offsets(%arg10 : memref<80xi32, #tpu.memory_space<vmem>>) semaphore(%arg32 : memref<!tpu.dma_semaphore, #tpu.memory_space<semaphore_mem>>) {add = true}
      %dma_wait3A_390 = arith.constant 0 : i32
      %dma_wait3A_391 = arith.constant 0 : i32
      %dma_wait3A_392 = tpu.memref_slice %arg19[%dma_wait3A_390, %dma_wait3A_391] : memref<10240x128xf32, #tpu.memory_space<vmem_shared>> -> memref<10240x128xf32, #tpu.memory_space<vmem_shared>>
      tpu.wait_indirect_dma semaphore(%arg32 : memref<!tpu.dma_semaphore, #tpu.memory_space<semaphore_mem>>) src(%arg14 : memref<80x128xf32, #tpu.memory_space<vmem>>) dst(%dma_wait3A_392 : memref<10240x128xf32, #tpu.memory_space<vmem_shared>>)
      %add3A_393 = arith.constant 4 : i32
      %add3A_394 = arith.addi %add3A_372, %add3A_393 : i32
      %lt3A_395 = arith.constant 125 : i32
      %lt3A_396 = arith.cmpi slt, %add3A_394, %lt3A_395 : i32
      %convert_element_type3A_397 = arith.extui %lt3A_396 : i1 to i32
      %cond3A_398 = arith.constant 0 : i32
      %cond3A_399 = arith.cmpi ne, %convert_element_type3A_397, %cond3A_398 : i32
      scf.if %cond3A_399 {
        %add3A_496 = arith.constant 4 : i32
        %add3A_497 = arith.addi %add3A_372, %add3A_496 : i32
        %mul3A_498 = arith.constant 10000 : i32
        %mul3A_499 = arith.muli %add3A, %mul3A_498 : i32
        %mul3A_500 = arith.constant 80 : i32
        %mul3A_501 = arith.muli %add3A_497, %mul3A_500 : i32
        %add3A_502 = arith.addi %mul3A_499, %mul3A_501 : i32
        %dma_wait3A_503 = tpu.memref_slice %arg3[%add3A_502] : memref<320000xi32, #tpu.memory_space<hbm>> -> memref<80xi32, #tpu.memory_space<hbm>>
        %dma_wait3A_504 = tpu.memref_slice %arg3[%add3A_502] : memref<320000xi32, #tpu.memory_space<hbm>> -> memref<80xi32, #tpu.memory_space<hbm>>
        tpu.wait_dma2 semaphore(%arg24 : memref<!tpu.dma_semaphore, #tpu.memory_space<semaphore_mem>>) src(%dma_wait3A_504 : memref<80xi32, #tpu.memory_space<hbm>>) dst(%arg6 : memref<80xi32, #tpu.memory_space<vmem>>)
        %add3A_505 = arith.constant 4 : i32
        %add3A_506 = arith.addi %add3A_372, %add3A_505 : i32
        %dma_start3A_507 = arith.constant 0 : i32
        %dma_start3A_508 = arith.constant 0 : i32
        %dma_start3A_509 = tpu.memref_slice %arg2[%dma_start3A_507, %dma_start3A_508] : memref<10240x128xf32, #tpu.memory_space<hbm>> -> memref<10240x128xf32, #tpu.memory_space<hbm>>
        tpu.enqueue_indirect_dma source(%dma_start3A_509 : memref<10240x128xf32, #tpu.memory_space<hbm>>) target(%arg14 : memref<80x128xf32, #tpu.memory_space<vmem>>) offsets(%arg6 : memref<80xi32, #tpu.memory_space<vmem>>) semaphore(%arg20 : memref<!tpu.dma_semaphore, #tpu.memory_space<semaphore_mem>>)
        %add3A_510 = arith.constant 4 : i32
        %add3A_511 = arith.addi %add3A_372, %add3A_510 : i32
        %mul3A_512 = arith.constant 10000 : i32
        %mul3A_513 = arith.muli %add3A, %mul3A_512 : i32
        %mul3A_514 = arith.constant 80 : i32
        %mul3A_515 = arith.muli %add3A_511, %mul3A_514 : i32
        %add3A_516 = arith.addi %mul3A_513, %mul3A_515 : i32
        %dma_start3A_517 = tpu.memref_slice %arg4[%add3A_516] : memref<320000xi32, #tpu.memory_space<hbm>> -> memref<80xi32, #tpu.memory_space<hbm>>
        %dma_start3A_518 = tpu.memref_slice %arg4[%add3A_516] : memref<320000xi32, #tpu.memory_space<hbm>> -> memref<80xi32, #tpu.memory_space<hbm>>
        tpu.enqueue_dma source(%dma_start3A_518 : memref<80xi32, #tpu.memory_space<hbm>>) target(%arg10 : memref<80xi32, #tpu.memory_space<vmem>>) target_semaphore(%arg28 : memref<!tpu.dma_semaphore, #tpu.memory_space<semaphore_mem>>)
      } else {
      }
      %add3A_400 = arith.constant 1 : i32
      %add3A_401 = arith.addi %mul3A_370, %add3A_400 : i32
      %dma_wait3A_402 = arith.constant 0 : i32
      %dma_wait3A_403 = arith.constant 0 : i32
      %dma_wait3A_404 = tpu.memref_slice %arg2[%dma_wait3A_402, %dma_wait3A_403] : memref<10240x128xf32, #tpu.memory_space<hbm>> -> memref<10240x128xf32, #tpu.memory_space<hbm>>
      tpu.wait_indirect_dma semaphore(%arg21 : memref<!tpu.dma_semaphore, #tpu.memory_space<semaphore_mem>>) src(%dma_wait3A_404 : memref<10240x128xf32, #tpu.memory_space<hbm>>) dst(%arg15 : memref<80x128xf32, #tpu.memory_space<vmem>>)
      %add3A_405 = arith.constant 4 : i32
      %add3A_406 = arith.addi %add3A_401, %add3A_405 : i32
      %lt3A_407 = arith.constant 125 : i32
      %lt3A_408 = arith.cmpi slt, %add3A_406, %lt3A_407 : i32
      %convert_element_type3A_409 = arith.extui %lt3A_408 : i1 to i32
      %cond3A_410 = arith.constant 0 : i32
      %cond3A_411 = arith.cmpi ne, %convert_element_type3A_409, %cond3A_410 : i32
      scf.if %cond3A_411 {
        %add3A_496 = arith.constant 4 : i32
        %add3A_497 = arith.addi %add3A_401, %add3A_496 : i32
        %mul3A_498 = arith.constant 10000 : i32
        %mul3A_499 = arith.muli %add3A, %mul3A_498 : i32
        %mul3A_500 = arith.constant 80 : i32
        %mul3A_501 = arith.muli %add3A_497, %mul3A_500 : i32
        %add3A_502 = arith.addi %mul3A_499, %mul3A_501 : i32
        %dma_start3A_503 = tpu.memref_slice %arg3[%add3A_502] : memref<320000xi32, #tpu.memory_space<hbm>> -> memref<80xi32, #tpu.memory_space<hbm>>
        %dma_start3A_504 = tpu.memref_slice %arg3[%add3A_502] : memref<320000xi32, #tpu.memory_space<hbm>> -> memref<80xi32, #tpu.memory_space<hbm>>
        tpu.enqueue_dma source(%dma_start3A_504 : memref<80xi32, #tpu.memory_space<hbm>>) target(%arg7 : memref<80xi32, #tpu.memory_space<vmem>>) target_semaphore(%arg25 : memref<!tpu.dma_semaphore, #tpu.memory_space<semaphore_mem>>)
      } else {
      }
      %mul3A_412 = arith.constant 10000 : i32
      %mul3A_413 = arith.muli %add3A, %mul3A_412 : i32
      %mul3A_414 = arith.constant 80 : i32
      %mul3A_415 = arith.muli %add3A_401, %mul3A_414 : i32
      %add3A_416 = arith.addi %mul3A_413, %mul3A_415 : i32
      %dma_wait3A_417 = tpu.memref_slice %arg4[%add3A_416] : memref<320000xi32, #tpu.memory_space<hbm>> -> memref<80xi32, #tpu.memory_space<hbm>>
      %dma_wait3A_418 = tpu.memref_slice %arg4[%add3A_416] : memref<320000xi32, #tpu.memory_space<hbm>> -> memref<80xi32, #tpu.memory_space<hbm>>
      tpu.wait_dma2 semaphore(%arg29 : memref<!tpu.dma_semaphore, #tpu.memory_space<semaphore_mem>>) src(%dma_wait3A_418 : memref<80xi32, #tpu.memory_space<hbm>>) dst(%arg11 : memref<80xi32, #tpu.memory_space<vmem>>)
      %dma_start3A_419 = arith.constant 0 : i32
      %dma_start3A_420 = arith.constant 0 : i32
      %dma_start3A_421 = tpu.memref_slice %arg19[%dma_start3A_419, %dma_start3A_420] : memref<10240x128xf32, #tpu.memory_space<vmem_shared>> -> memref<10240x128xf32, #tpu.memory_space<vmem_shared>>
      tpu.enqueue_indirect_dma source(%arg15 : memref<80x128xf32, #tpu.memory_space<vmem>>) target(%dma_start3A_421 : memref<10240x128xf32, #tpu.memory_space<vmem_shared>>) offsets(%arg11 : memref<80xi32, #tpu.memory_space<vmem>>) semaphore(%arg33 : memref<!tpu.dma_semaphore, #tpu.memory_space<semaphore_mem>>) {add = true}
      %dma_wait3A_422 = arith.constant 0 : i32
      %dma_wait3A_423 = arith.constant 0 : i32
      %dma_wait3A_424 = tpu.memref_slice %arg19[%dma_wait3A_422, %dma_wait3A_423] : memref<10240x128xf32, #tpu.memory_space<vmem_shared>> -> memref<10240x128xf32, #tpu.memory_space<vmem_shared>>
      tpu.wait_indirect_dma semaphore(%arg33 : memref<!tpu.dma_semaphore, #tpu.memory_space<semaphore_mem>>) src(%arg15 : memref<80x128xf32, #tpu.memory_space<vmem>>) dst(%dma_wait3A_424 : memref<10240x128xf32, #tpu.memory_space<vmem_shared>>)
      %add3A_425 = arith.constant 4 : i32
      %add3A_426 = arith.addi %add3A_401, %add3A_425 : i32
      %lt3A_427 = arith.constant 125 : i32
      %lt3A_428 = arith.cmpi slt, %add3A_426, %lt3A_427 : i32
      %convert_element_type3A_429 = arith.extui %lt3A_428 : i1 to i32
      %cond3A_430 = arith.constant 0 : i32
      %cond3A_431 = arith.cmpi ne, %convert_element_type3A_429, %cond3A_430 : i32
      scf.if %cond3A_431 {
        %add3A_496 = arith.constant 4 : i32
        %add3A_497 = arith.addi %add3A_401, %add3A_496 : i32
        %mul3A_498 = arith.constant 10000 : i32
        %mul3A_499 = arith.muli %add3A, %mul3A_498 : i32
        %mul3A_500 = arith.constant 80 : i32
        %mul3A_501 = arith.muli %add3A_497, %mul3A_500 : i32
        %add3A_502 = arith.addi %mul3A_499, %mul3A_501 : i32
        %dma_wait3A_503 = tpu.memref_slice %arg3[%add3A_502] : memref<320000xi32, #tpu.memory_space<hbm>> -> memref<80xi32, #tpu.memory_space<hbm>>
        %dma_wait3A_504 = tpu.memref_slice %arg3[%add3A_502] : memref<320000xi32, #tpu.memory_space<hbm>> -> memref<80xi32, #tpu.memory_space<hbm>>
        tpu.wait_dma2 semaphore(%arg25 : memref<!tpu.dma_semaphore, #tpu.memory_space<semaphore_mem>>) src(%dma_wait3A_504 : memref<80xi32, #tpu.memory_space<hbm>>) dst(%arg7 : memref<80xi32, #tpu.memory_space<vmem>>)
        %add3A_505 = arith.constant 4 : i32
        %add3A_506 = arith.addi %add3A_401, %add3A_505 : i32
        %dma_start3A_507 = arith.constant 0 : i32
        %dma_start3A_508 = arith.constant 0 : i32
        %dma_start3A_509 = tpu.memref_slice %arg2[%dma_start3A_507, %dma_start3A_508] : memref<10240x128xf32, #tpu.memory_space<hbm>> -> memref<10240x128xf32, #tpu.memory_space<hbm>>
        tpu.enqueue_indirect_dma source(%dma_start3A_509 : memref<10240x128xf32, #tpu.memory_space<hbm>>) target(%arg15 : memref<80x128xf32, #tpu.memory_space<vmem>>) offsets(%arg7 : memref<80xi32, #tpu.memory_space<vmem>>) semaphore(%arg21 : memref<!tpu.dma_semaphore, #tpu.memory_space<semaphore_mem>>)
        %add3A_510 = arith.constant 4 : i32
        %add3A_511 = arith.addi %add3A_401, %add3A_510 : i32
        %mul3A_512 = arith.constant 10000 : i32
        %mul3A_513 = arith.muli %add3A, %mul3A_512 : i32
        %mul3A_514 = arith.constant 80 : i32
        %mul3A_515 = arith.muli %add3A_511, %mul3A_514 : i32
        %add3A_516 = arith.addi %mul3A_513, %mul3A_515 : i32
        %dma_start3A_517 = tpu.memref_slice %arg4[%add3A_516] : memref<320000xi32, #tpu.memory_space<hbm>> -> memref<80xi32, #tpu.memory_space<hbm>>
        %dma_start3A_518 = tpu.memref_slice %arg4[%add3A_516] : memref<320000xi32, #tpu.memory_space<hbm>> -> memref<80xi32, #tpu.memory_space<hbm>>
        tpu.enqueue_dma source(%dma_start3A_518 : memref<80xi32, #tpu.memory_space<hbm>>) target(%arg11 : memref<80xi32, #tpu.memory_space<vmem>>) target_semaphore(%arg29 : memref<!tpu.dma_semaphore, #tpu.memory_space<semaphore_mem>>)
      } else {
      }
      %add3A_432 = arith.constant 2 : i32
      %add3A_433 = arith.addi %mul3A_370, %add3A_432 : i32
      %dma_wait3A_434 = arith.constant 0 : i32
      %dma_wait3A_435 = arith.constant 0 : i32
      %dma_wait3A_436 = tpu.memref_slice %arg2[%dma_wait3A_434, %dma_wait3A_435] : memref<10240x128xf32, #tpu.memory_space<hbm>> -> memref<10240x128xf32, #tpu.memory_space<hbm>>
      tpu.wait_indirect_dma semaphore(%arg22 : memref<!tpu.dma_semaphore, #tpu.memory_space<semaphore_mem>>) src(%dma_wait3A_436 : memref<10240x128xf32, #tpu.memory_space<hbm>>) dst(%arg16 : memref<80x128xf32, #tpu.memory_space<vmem>>)
      %add3A_437 = arith.constant 4 : i32
      %add3A_438 = arith.addi %add3A_433, %add3A_437 : i32
      %lt3A_439 = arith.constant 125 : i32
      %lt3A_440 = arith.cmpi slt, %add3A_438, %lt3A_439 : i32
      %convert_element_type3A_441 = arith.extui %lt3A_440 : i1 to i32
      %cond3A_442 = arith.constant 0 : i32
      %cond3A_443 = arith.cmpi ne, %convert_element_type3A_441, %cond3A_442 : i32
      scf.if %cond3A_443 {
        %add3A_496 = arith.constant 4 : i32
        %add3A_497 = arith.addi %add3A_433, %add3A_496 : i32
        %mul3A_498 = arith.constant 10000 : i32
        %mul3A_499 = arith.muli %add3A, %mul3A_498 : i32
        %mul3A_500 = arith.constant 80 : i32
        %mul3A_501 = arith.muli %add3A_497, %mul3A_500 : i32
        %add3A_502 = arith.addi %mul3A_499, %mul3A_501 : i32
        %dma_start3A_503 = tpu.memref_slice %arg3[%add3A_502] : memref<320000xi32, #tpu.memory_space<hbm>> -> memref<80xi32, #tpu.memory_space<hbm>>
        %dma_start3A_504 = tpu.memref_slice %arg3[%add3A_502] : memref<320000xi32, #tpu.memory_space<hbm>> -> memref<80xi32, #tpu.memory_space<hbm>>
        tpu.enqueue_dma source(%dma_start3A_504 : memref<80xi32, #tpu.memory_space<hbm>>) target(%arg8 : memref<80xi32, #tpu.memory_space<vmem>>) target_semaphore(%arg26 : memref<!tpu.dma_semaphore, #tpu.memory_space<semaphore_mem>>)
      } else {
      }
      %mul3A_444 = arith.constant 10000 : i32
      %mul3A_445 = arith.muli %add3A, %mul3A_444 : i32
      %mul3A_446 = arith.constant 80 : i32
      %mul3A_447 = arith.muli %add3A_433, %mul3A_446 : i32
      %add3A_448 = arith.addi %mul3A_445, %mul3A_447 : i32
      %dma_wait3A_449 = tpu.memref_slice %arg4[%add3A_448] : memref<320000xi32, #tpu.memory_space<hbm>> -> memref<80xi32, #tpu.memory_space<hbm>>
      %dma_wait3A_450 = tpu.memref_slice %arg4[%add3A_448] : memref<320000xi32, #tpu.memory_space<hbm>> -> memref<80xi32, #tpu.memory_space<hbm>>
      tpu.wait_dma2 semaphore(%arg30 : memref<!tpu.dma_semaphore, #tpu.memory_space<semaphore_mem>>) src(%dma_wait3A_450 : memref<80xi32, #tpu.memory_space<hbm>>) dst(%arg12 : memref<80xi32, #tpu.memory_space<vmem>>)
      %dma_start3A_451 = arith.constant 0 : i32
      %dma_start3A_452 = arith.constant 0 : i32
      %dma_start3A_453 = tpu.memref_slice %arg19[%dma_start3A_451, %dma_start3A_452] : memref<10240x128xf32, #tpu.memory_space<vmem_shared>> -> memref<10240x128xf32, #tpu.memory_space<vmem_shared>>
      tpu.enqueue_indirect_dma source(%arg16 : memref<80x128xf32, #tpu.memory_space<vmem>>) target(%dma_start3A_453 : memref<10240x128xf32, #tpu.memory_space<vmem_shared>>) offsets(%arg12 : memref<80xi32, #tpu.memory_space<vmem>>) semaphore(%arg34 : memref<!tpu.dma_semaphore, #tpu.memory_space<semaphore_mem>>) {add = true}
      %dma_wait3A_454 = arith.constant 0 : i32
      %dma_wait3A_455 = arith.constant 0 : i32
      %dma_wait3A_456 = tpu.memref_slice %arg19[%dma_wait3A_454, %dma_wait3A_455] : memref<10240x128xf32, #tpu.memory_space<vmem_shared>> -> memref<10240x128xf32, #tpu.memory_space<vmem_shared>>
      tpu.wait_indirect_dma semaphore(%arg34 : memref<!tpu.dma_semaphore, #tpu.memory_space<semaphore_mem>>) src(%arg16 : memref<80x128xf32, #tpu.memory_space<vmem>>) dst(%dma_wait3A_456 : memref<10240x128xf32, #tpu.memory_space<vmem_shared>>)
      %add3A_457 = arith.constant 4 : i32
      %add3A_458 = arith.addi %add3A_433, %add3A_457 : i32
      %lt3A_459 = arith.constant 125 : i32
      %lt3A_460 = arith.cmpi slt, %add3A_458, %lt3A_459 : i32
      %convert_element_type3A_461 = arith.extui %lt3A_460 : i1 to i32
      %cond3A_462 = arith.constant 0 : i32
      %cond3A_463 = arith.cmpi ne, %convert_element_type3A_461, %cond3A_462 : i32
      scf.if %cond3A_463 {
        %add3A_496 = arith.constant 4 : i32
        %add3A_497 = arith.addi %add3A_433, %add3A_496 : i32
        %mul3A_498 = arith.constant 10000 : i32
        %mul3A_499 = arith.muli %add3A, %mul3A_498 : i32
        %mul3A_500 = arith.constant 80 : i32
        %mul3A_501 = arith.muli %add3A_497, %mul3A_500 : i32
        %add3A_502 = arith.addi %mul3A_499, %mul3A_501 : i32
        %dma_wait3A_503 = tpu.memref_slice %arg3[%add3A_502] : memref<320000xi32, #tpu.memory_space<hbm>> -> memref<80xi32, #tpu.memory_space<hbm>>
        %dma_wait3A_504 = tpu.memref_slice %arg3[%add3A_502] : memref<320000xi32, #tpu.memory_space<hbm>> -> memref<80xi32, #tpu.memory_space<hbm>>
        tpu.wait_dma2 semaphore(%arg26 : memref<!tpu.dma_semaphore, #tpu.memory_space<semaphore_mem>>) src(%dma_wait3A_504 : memref<80xi32, #tpu.memory_space<hbm>>) dst(%arg8 : memref<80xi32, #tpu.memory_space<vmem>>)
        %add3A_505 = arith.constant 4 : i32
        %add3A_506 = arith.addi %add3A_433, %add3A_505 : i32
        %dma_start3A_507 = arith.constant 0 : i32
        %dma_start3A_508 = arith.constant 0 : i32
        %dma_start3A_509 = tpu.memref_slice %arg2[%dma_start3A_507, %dma_start3A_508] : memref<10240x128xf32, #tpu.memory_space<hbm>> -> memref<10240x128xf32, #tpu.memory_space<hbm>>
        tpu.enqueue_indirect_dma source(%dma_start3A_509 : memref<10240x128xf32, #tpu.memory_space<hbm>>) target(%arg16 : memref<80x128xf32, #tpu.memory_space<vmem>>) offsets(%arg8 : memref<80xi32, #tpu.memory_space<vmem>>) semaphore(%arg22 : memref<!tpu.dma_semaphore, #tpu.memory_space<semaphore_mem>>)
        %add3A_510 = arith.constant 4 : i32
        %add3A_511 = arith.addi %add3A_433, %add3A_510 : i32
        %mul3A_512 = arith.constant 10000 : i32
        %mul3A_513 = arith.muli %add3A, %mul3A_512 : i32
        %mul3A_514 = arith.constant 80 : i32
        %mul3A_515 = arith.muli %add3A_511, %mul3A_514 : i32
        %add3A_516 = arith.addi %mul3A_513, %mul3A_515 : i32
        %dma_start3A_517 = tpu.memref_slice %arg4[%add3A_516] : memref<320000xi32, #tpu.memory_space<hbm>> -> memref<80xi32, #tpu.memory_space<hbm>>
        %dma_start3A_518 = tpu.memref_slice %arg4[%add3A_516] : memref<320000xi32, #tpu.memory_space<hbm>> -> memref<80xi32, #tpu.memory_space<hbm>>
        tpu.enqueue_dma source(%dma_start3A_518 : memref<80xi32, #tpu.memory_space<hbm>>) target(%arg12 : memref<80xi32, #tpu.memory_space<vmem>>) target_semaphore(%arg30 : memref<!tpu.dma_semaphore, #tpu.memory_space<semaphore_mem>>)
      } else {
      }
      %add3A_464 = arith.constant 3 : i32
      %add3A_465 = arith.addi %mul3A_370, %add3A_464 : i32
      %dma_wait3A_466 = arith.constant 0 : i32
      %dma_wait3A_467 = arith.constant 0 : i32
      %dma_wait3A_468 = tpu.memref_slice %arg2[%dma_wait3A_466, %dma_wait3A_467] : memref<10240x128xf32, #tpu.memory_space<hbm>> -> memref<10240x128xf32, #tpu.memory_space<hbm>>
      tpu.wait_indirect_dma semaphore(%arg23 : memref<!tpu.dma_semaphore, #tpu.memory_space<semaphore_mem>>) src(%dma_wait3A_468 : memref<10240x128xf32, #tpu.memory_space<hbm>>) dst(%arg17 : memref<80x128xf32, #tpu.memory_space<vmem>>)
      %add3A_469 = arith.constant 4 : i32
      %add3A_470 = arith.addi %add3A_465, %add3A_469 : i32
      %lt3A_471 = arith.constant 125 : i32
      %lt3A_472 = arith.cmpi slt, %add3A_470, %lt3A_471 : i32
      %convert_element_type3A_473 = arith.extui %lt3A_472 : i1 to i32
      %cond3A_474 = arith.constant 0 : i32
      %cond3A_475 = arith.cmpi ne, %convert_element_type3A_473, %cond3A_474 : i32
      scf.if %cond3A_475 {
        %add3A_496 = arith.constant 4 : i32
        %add3A_497 = arith.addi %add3A_465, %add3A_496 : i32
        %mul3A_498 = arith.constant 10000 : i32
        %mul3A_499 = arith.muli %add3A, %mul3A_498 : i32
        %mul3A_500 = arith.constant 80 : i32
        %mul3A_501 = arith.muli %add3A_497, %mul3A_500 : i32
        %add3A_502 = arith.addi %mul3A_499, %mul3A_501 : i32
        %dma_start3A_503 = tpu.memref_slice %arg3[%add3A_502] : memref<320000xi32, #tpu.memory_space<hbm>> -> memref<80xi32, #tpu.memory_space<hbm>>
        %dma_start3A_504 = tpu.memref_slice %arg3[%add3A_502] : memref<320000xi32, #tpu.memory_space<hbm>> -> memref<80xi32, #tpu.memory_space<hbm>>
        tpu.enqueue_dma source(%dma_start3A_504 : memref<80xi32, #tpu.memory_space<hbm>>) target(%arg9 : memref<80xi32, #tpu.memory_space<vmem>>) target_semaphore(%arg27 : memref<!tpu.dma_semaphore, #tpu.memory_space<semaphore_mem>>)
      } else {
      }
      %mul3A_476 = arith.constant 10000 : i32
      %mul3A_477 = arith.muli %add3A, %mul3A_476 : i32
      %mul3A_478 = arith.constant 80 : i32
      %mul3A_479 = arith.muli %add3A_465, %mul3A_478 : i32
      %add3A_480 = arith.addi %mul3A_477, %mul3A_479 : i32
      %dma_wait3A_481 = tpu.memref_slice %arg4[%add3A_480] : memref<320000xi32, #tpu.memory_space<hbm>> -> memref<80xi32, #tpu.memory_space<hbm>>
      %dma_wait3A_482 = tpu.memref_slice %arg4[%add3A_480] : memref<320000xi32, #tpu.memory_space<hbm>> -> memref<80xi32, #tpu.memory_space<hbm>>
      tpu.wait_dma2 semaphore(%arg31 : memref<!tpu.dma_semaphore, #tpu.memory_space<semaphore_mem>>) src(%dma_wait3A_482 : memref<80xi32, #tpu.memory_space<hbm>>) dst(%arg13 : memref<80xi32, #tpu.memory_space<vmem>>)
      %dma_start3A_483 = arith.constant 0 : i32
      %dma_start3A_484 = arith.constant 0 : i32
      %dma_start3A_485 = tpu.memref_slice %arg19[%dma_start3A_483, %dma_start3A_484] : memref<10240x128xf32, #tpu.memory_space<vmem_shared>> -> memref<10240x128xf32, #tpu.memory_space<vmem_shared>>
      tpu.enqueue_indirect_dma source(%arg17 : memref<80x128xf32, #tpu.memory_space<vmem>>) target(%dma_start3A_485 : memref<10240x128xf32, #tpu.memory_space<vmem_shared>>) offsets(%arg13 : memref<80xi32, #tpu.memory_space<vmem>>) semaphore(%arg35 : memref<!tpu.dma_semaphore, #tpu.memory_space<semaphore_mem>>) {add = true}
      %dma_wait3A_486 = arith.constant 0 : i32
      %dma_wait3A_487 = arith.constant 0 : i32
      %dma_wait3A_488 = tpu.memref_slice %arg19[%dma_wait3A_486, %dma_wait3A_487] : memref<10240x128xf32, #tpu.memory_space<vmem_shared>> -> memref<10240x128xf32, #tpu.memory_space<vmem_shared>>
      tpu.wait_indirect_dma semaphore(%arg35 : memref<!tpu.dma_semaphore, #tpu.memory_space<semaphore_mem>>) src(%arg17 : memref<80x128xf32, #tpu.memory_space<vmem>>) dst(%dma_wait3A_488 : memref<10240x128xf32, #tpu.memory_space<vmem_shared>>)
      %add3A_489 = arith.constant 4 : i32
      %add3A_490 = arith.addi %add3A_465, %add3A_489 : i32
      %lt3A_491 = arith.constant 125 : i32
      %lt3A_492 = arith.cmpi slt, %add3A_490, %lt3A_491 : i32
      %convert_element_type3A_493 = arith.extui %lt3A_492 : i1 to i32
      %cond3A_494 = arith.constant 0 : i32
      %cond3A_495 = arith.cmpi ne, %convert_element_type3A_493, %cond3A_494 : i32
      scf.if %cond3A_495 {
        %add3A_496 = arith.constant 4 : i32
        %add3A_497 = arith.addi %add3A_465, %add3A_496 : i32
        %mul3A_498 = arith.constant 10000 : i32
        %mul3A_499 = arith.muli %add3A, %mul3A_498 : i32
        %mul3A_500 = arith.constant 80 : i32
        %mul3A_501 = arith.muli %add3A_497, %mul3A_500 : i32
        %add3A_502 = arith.addi %mul3A_499, %mul3A_501 : i32
        %dma_wait3A_503 = tpu.memref_slice %arg3[%add3A_502] : memref<320000xi32, #tpu.memory_space<hbm>> -> memref<80xi32, #tpu.memory_space<hbm>>
        %dma_wait3A_504 = tpu.memref_slice %arg3[%add3A_502] : memref<320000xi32, #tpu.memory_space<hbm>> -> memref<80xi32, #tpu.memory_space<hbm>>
        tpu.wait_dma2 semaphore(%arg27 : memref<!tpu.dma_semaphore, #tpu.memory_space<semaphore_mem>>) src(%dma_wait3A_504 : memref<80xi32, #tpu.memory_space<hbm>>) dst(%arg9 : memref<80xi32, #tpu.memory_space<vmem>>)
        %add3A_505 = arith.constant 4 : i32
        %add3A_506 = arith.addi %add3A_465, %add3A_505 : i32
        %dma_start3A_507 = arith.constant 0 : i32
        %dma_start3A_508 = arith.constant 0 : i32
        %dma_start3A_509 = tpu.memref_slice %arg2[%dma_start3A_507, %dma_start3A_508] : memref<10240x128xf32, #tpu.memory_space<hbm>> -> memref<10240x128xf32, #tpu.memory_space<hbm>>
        tpu.enqueue_indirect_dma source(%dma_start3A_509 : memref<10240x128xf32, #tpu.memory_space<hbm>>) target(%arg17 : memref<80x128xf32, #tpu.memory_space<vmem>>) offsets(%arg9 : memref<80xi32, #tpu.memory_space<vmem>>) semaphore(%arg23 : memref<!tpu.dma_semaphore, #tpu.memory_space<semaphore_mem>>)
        %add3A_510 = arith.constant 4 : i32
        %add3A_511 = arith.addi %add3A_465, %add3A_510 : i32
        %mul3A_512 = arith.constant 10000 : i32
        %mul3A_513 = arith.muli %add3A, %mul3A_512 : i32
        %mul3A_514 = arith.constant 80 : i32
        %mul3A_515 = arith.muli %add3A_511, %mul3A_514 : i32
        %add3A_516 = arith.addi %mul3A_513, %mul3A_515 : i32
        %dma_start3A_517 = tpu.memref_slice %arg4[%add3A_516] : memref<320000xi32, #tpu.memory_space<hbm>> -> memref<80xi32, #tpu.memory_space<hbm>>
        %dma_start3A_518 = tpu.memref_slice %arg4[%add3A_516] : memref<320000xi32, #tpu.memory_space<hbm>> -> memref<80xi32, #tpu.memory_space<hbm>>
        tpu.enqueue_dma source(%dma_start3A_518 : memref<80xi32, #tpu.memory_space<hbm>>) target(%arg13 : memref<80xi32, #tpu.memory_space<vmem>>) target_semaphore(%arg31 : memref<!tpu.dma_semaphore, #tpu.memory_space<semaphore_mem>>)
      } else {
      }
    }
    %scan3A_347 = arith.constant 31 : i32
    %dma_wait3A_348 = arith.constant 0 : i32
    %dma_wait3A_349 = arith.constant 0 : i32
    %dma_wait3A_350 = tpu.memref_slice %arg2[%dma_wait3A_348, %dma_wait3A_349] : memref<10240x128xf32, #tpu.memory_space<hbm>> -> memref<10240x128xf32, #tpu.memory_space<hbm>>
    tpu.wait_indirect_dma semaphore(%arg20 : memref<!tpu.dma_semaphore, #tpu.memory_space<semaphore_mem>>) src(%dma_wait3A_350 : memref<10240x128xf32, #tpu.memory_space<hbm>>) dst(%arg14 : memref<80x128xf32, #tpu.memory_space<vmem>>)
    %mul3A_351 = arith.constant 10000 : i32
    %mul3A_352 = arith.muli %add3A, %mul3A_351 : i32
    %add3A_353 = arith.constant 9920 : i32
    %add3A_354 = arith.addi %mul3A_352, %add3A_353 : i32
    %dma_wait3A_355 = tpu.memref_slice %arg4[%add3A_354] : memref<320000xi32, #tpu.memory_space<hbm>> -> memref<80xi32, #tpu.memory_space<hbm>>
    %dma_wait3A_356 = tpu.memref_slice %arg4[%add3A_354] : memref<320000xi32, #tpu.memory_space<hbm>> -> memref<80xi32, #tpu.memory_space<hbm>>
    tpu.wait_dma2 semaphore(%arg28 : memref<!tpu.dma_semaphore, #tpu.memory_space<semaphore_mem>>) src(%dma_wait3A_356 : memref<80xi32, #tpu.memory_space<hbm>>) dst(%arg10 : memref<80xi32, #tpu.memory_space<vmem>>)
    %dma_start3A_357 = arith.constant 0 : i32
    %dma_start3A_358 = arith.constant 0 : i32
    %dma_start3A_359 = tpu.memref_slice %arg19[%dma_start3A_357, %dma_start3A_358] : memref<10240x128xf32, #tpu.memory_space<vmem_shared>> -> memref<10240x128xf32, #tpu.memory_space<vmem_shared>>
    tpu.enqueue_indirect_dma source(%arg14 : memref<80x128xf32, #tpu.memory_space<vmem>>) target(%dma_start3A_359 : memref<10240x128xf32, #tpu.memory_space<vmem_shared>>) offsets(%arg10 : memref<80xi32, #tpu.memory_space<vmem>>) semaphore(%arg32 : memref<!tpu.dma_semaphore, #tpu.memory_space<semaphore_mem>>) {add = true}
    %dma_wait3A_360 = arith.constant 0 : i32
    %dma_wait3A_361 = arith.constant 0 : i32
    %dma_wait3A_362 = tpu.memref_slice %arg19[%dma_wait3A_360, %dma_wait3A_361] : memref<10240x128xf32, #tpu.memory_space<vmem_shared>> -> memref<10240x128xf32, #tpu.memory_space<vmem_shared>>
    tpu.wait_indirect_dma semaphore(%arg32 : memref<!tpu.dma_semaphore, #tpu.memory_space<semaphore_mem>>) src(%arg14 : memref<80x128xf32, #tpu.memory_space<vmem>>) dst(%dma_wait3A_362 : memref<10240x128xf32, #tpu.memory_space<vmem_shared>>)
    %barrier3A_363 = arith.constant 0 : index
    tpu.barrier barrier_id(%barrier3A_363)
    %mul3A_364 = arith.constant 640 : i32
    %mul3A_365 = arith.muli %arg1, %mul3A_364 : i32
    %mul3A_366 = arith.constant 640 : i32
    %mul3A_367 = arith.muli %arg1, %mul3A_366 : i32
    "tpu.region"() ({
      %run_scoped3A = tpu.sem_alloc : memref<!tpu.dma_semaphore, #tpu.memory_space<semaphore_mem>>
      %dma_start3A_368 = arith.constant 0 : i32
      %dma_start3A_369 = tpu.memref_slice %arg5[%arg0, %mul3A_367, %dma_start3A_368] : memref<2x10240x128xf32, #tpu.memory_space<hbm>> -> memref<1x640x128xf32, #tpu.memory_space<hbm>>
      %dma_start3A_370 = tpu.memref_squeeze %dma_start3A_369 : memref<1x640x128xf32, #tpu.memory_space<hbm>> -> memref<640x128xf32, #tpu.memory_space<hbm>>
      %dma_start3A_371 = arith.constant 0 : i32
      %dma_start3A_372 = tpu.memref_slice %arg19[%mul3A_365, %dma_start3A_371] : memref<10240x128xf32, #tpu.memory_space<vmem_shared>> -> memref<640x128xf32, #tpu.memory_space<vmem_shared>>
      tpu.enqueue_dma source(%dma_start3A_372 : memref<640x128xf32, #tpu.memory_space<vmem_shared>>) target(%dma_start3A_370 : memref<640x128xf32, #tpu.memory_space<hbm>>) target_semaphore(%run_scoped3A : memref<!tpu.dma_semaphore, #tpu.memory_space<semaphore_mem>>)
      %dma_wait3A_373 = arith.constant 0 : i32
      %dma_wait3A_374 = tpu.memref_slice %arg5[%arg0, %mul3A_367, %dma_wait3A_373] : memref<2x10240x128xf32, #tpu.memory_space<hbm>> -> memref<1x640x128xf32, #tpu.memory_space<hbm>>
      %dma_wait3A_375 = tpu.memref_squeeze %dma_wait3A_374 : memref<1x640x128xf32, #tpu.memory_space<hbm>> -> memref<640x128xf32, #tpu.memory_space<hbm>>
      %dma_wait3A_376 = arith.constant 0 : i32
      %dma_wait3A_377 = tpu.memref_slice %arg19[%mul3A_365, %dma_wait3A_376] : memref<10240x128xf32, #tpu.memory_space<vmem_shared>> -> memref<640x128xf32, #tpu.memory_space<vmem_shared>>
      tpu.wait_dma2 semaphore(%run_scoped3A : memref<!tpu.dma_semaphore, #tpu.memory_space<semaphore_mem>>) src(%dma_wait3A_377 : memref<640x128xf32, #tpu.memory_space<vmem_shared>>) dst(%dma_wait3A_375 : memref<640x128xf32, #tpu.memory_space<hbm>>)
      tpu.yield
    }) : () -> ()
    return
  }
}

module attributes {stable_mosaic.version = 14 : i64} {
  func.func @_k3_body(%arg0: i32, %arg1: memref<32x16x128xf32, #tpu.memory_space<vmem>>, %arg2: memref<2x2048x128xf32, #tpu.memory_space<vmem>>, %arg3: memref<2048x128xf32, #tpu.memory_space<vmem>>, %arg4: memref<1x128xf32, #tpu.memory_space<vmem>>, %arg5: memref<128x128xf32, #tpu.memory_space<vmem>>, %arg6: memref<2048x128xf32, #tpu.memory_space<vmem>>) attributes {dimension_semantics = [#tpu.dimension_semantics<arbitrary>], iteration_bounds = array<i64: 5>, scalar_prefetch = 0 : i64, scratch_operands = 0 : i64, tpu.core_type = #tpu.core_type<tc>, window_params = [{transform_indices = @transform_0, window_bounds = array<i64: 32, 16, 128>}, {transform_indices = @transform_1, window_bounds = array<i64: 2, 2048, 128>}, {transform_indices = @transform_2, window_bounds = array<i64: 2048, 128>}, {pipeline_mode = #tpu.pipeline_mode<synchronous>, transform_indices = @transform_3, window_bounds = array<i64: 1, 128>}, {pipeline_mode = #tpu.pipeline_mode<synchronous>, transform_indices = @transform_4, window_bounds = array<i64: 128, 128>}, {transform_indices = @transform_5, window_bounds = array<i64: 2048, 128>}]} {
    %get3A = arith.constant 0 : index
    %get3A_0 = arith.constant 0 : index
    %get3A_1 = arith.constant 0 : index
    %get3A_2 = vector.load %arg1[%get3A, %get3A_0, %get3A_1] : memref<32x16x128xf32, #tpu.memory_space<vmem>>, vector<32x16x128xf32>
    %reduce_sum3A = arith.constant dense<0.000000e+00> : vector<16x128xf32>
    %reduce_sum3A_3 = vector.multi_reduction <add>, %get3A_2, %reduce_sum3A [0] : vector<32x16x128xf32> to vector<16x128xf32>
    %add3A = arith.constant 1.000000e+00 : f32
    %add3A_4 = vector.broadcast %add3A : f32 to vector<16x128xf32>
    %add3A_5 = arith.addf %add3A_4, %reduce_sum3A_3 : vector<16x128xf32>
    %rsqrt3A = math.rsqrt %add3A_5 : vector<16x128xf32>
    %iota3A = tpu.iota {dimensions = array<i32: 0>} : vector<2048x16xi32>
    %shift_right_logical3A = arith.constant 7 : i32
    %shift_right_logical3A_6 = vector.broadcast %shift_right_logical3A : i32 to vector<2048x16xi32>
    %shift_right_logical3A_7 = arith.shrui %iota3A, %shift_right_logical3A_6 : vector<2048x16xi32>
    %iota3A_8 = tpu.iota {dimensions = array<i32: 1>} : vector<2048x16xi32>
    %eq3A = arith.cmpi eq, %shift_right_logical3A_7, %iota3A_8 : vector<2048x16xi32>
    %convert_element_type3A = arith.extui %eq3A : vector<2048x16xi1> to vector<2048x16xi32>
    %convert_element_type3A_9 = arith.sitofp %convert_element_type3A : vector<2048x16xi32> to vector<2048x16xf32>
    %dot_general3A = arith.constant dense<0.000000e+00> : vector<2048x128xf32>
    %dot_general3A_10 = tpu.matmul %convert_element_type3A_9, %rsqrt3A, %dot_general3A {dimension_numbers = #tpu.dot_dimension_numbers<[1], [0], [0], [1], [0, 0, 1, 1], [], []>, transpose_lhs_hint = false} : vector<2048x16xf32>, vector<16x128xf32>, vector<2048x128xf32> -> vector<2048x128xf32>
    %iota3A_11 = tpu.iota {dimensions = array<i32: 1>} : vector<2048x128xi32>
    %iota3A_12 = tpu.iota {dimensions = array<i32: 0>} : vector<2048x128xi32>
    %and3A = arith.constant 127 : i32
    %and3A_13 = vector.broadcast %and3A : i32 to vector<2048x128xi32>
    %and3A_14 = arith.andi %iota3A_12, %and3A_13 : vector<2048x128xi32>
    %eq3A_15 = arith.cmpi eq, %iota3A_11, %and3A_14 : vector<2048x128xi32>
    %convert_element_type3A_16 = arith.extui %eq3A_15 : vector<2048x128xi1> to vector<2048x128xi32>
    %convert_element_type3A_17 = arith.sitofp %convert_element_type3A_16 : vector<2048x128xi32> to vector<2048x128xf32>
    %mul3A = arith.mulf %dot_general3A_10, %convert_element_type3A_17 : vector<2048x128xf32>
    %reduce_sum3A_18 = arith.constant dense<0.000000e+00> : vector<2048xf32>
    %reduce_sum3A_19 = vector.multi_reduction <add>, %mul3A, %reduce_sum3A_18 [1] : vector<2048x128xf32> to vector<2048xf32>
    %broadcast_in_dim3A = vector.shape_cast %reduce_sum3A_19 : vector<2048xf32> to vector<2048x1xf32>
    %get3A_20 = arith.constant 0 : index
    %get3A_21 = arith.constant 0 : index
    %get3A_22 = arith.constant 0 : index
    %get3A_23 = vector.load %arg2[%get3A_20, %get3A_21, %get3A_22] : memref<2x2048x128xf32, #tpu.memory_space<vmem>>, vector<1x2048x128xf32>
    %get3A_24 = vector.shape_cast %get3A_23 : vector<1x2048x128xf32> to vector<2048x128xf32>
    %get3A_25 = arith.constant 1 : index
    %get3A_26 = arith.constant 0 : index
    %get3A_27 = arith.constant 0 : index
    %get3A_28 = vector.load %arg2[%get3A_25, %get3A_26, %get3A_27] : memref<2x2048x128xf32, #tpu.memory_space<vmem>>, vector<1x2048x128xf32>
    %get3A_29 = vector.shape_cast %get3A_28 : vector<1x2048x128xf32> to vector<2048x128xf32>
    %add3A_30 = arith.addf %get3A_24, %get3A_29 : vector<2048x128xf32>
    %get3A_31 = arith.constant 0 : index
    %get3A_32 = arith.constant 0 : index
    %get3A_33 = vector.load %arg3[%get3A_31, %get3A_32] : memref<2048x128xf32, #tpu.memory_space<vmem>>, vector<2048x128xf32>
    %add3A_34 = arith.addf %add3A_30, %get3A_33 : vector<2048x128xf32>
    %mul3A_35 = vector.broadcast %broadcast_in_dim3A : vector<2048x1xf32> to vector<2048x128xf32>
    %mul3A_36 = arith.mulf %mul3A_35, %add3A_34 : vector<2048x128xf32>
    %get3A_37 = arith.constant 0 : index
    %get3A_38 = arith.constant 0 : index
    %get3A_39 = vector.load %arg4[%get3A_37, %get3A_38] : memref<1x128xf32, #tpu.memory_space<vmem>>, vector<1x128xf32>
    %add3A_40 = vector.broadcast %get3A_39 : vector<1x128xf32> to vector<2048x128xf32>
    %add3A_41 = arith.addf %mul3A_36, %add3A_40 : vector<2048x128xf32>
    %max3A = arith.constant 0.000000e+00 : f32
    %max3A_42 = vector.broadcast %max3A : f32 to vector<2048x128xf32>
    %max3A_43 = arith.maximumf %add3A_41, %max3A_42 : vector<2048x128xf32>
    %get3A_44 = arith.constant 0 : index
    %get3A_45 = arith.constant 0 : index
    %get3A_46 = vector.load %arg5[%get3A_44, %get3A_45] : memref<128x128xf32, #tpu.memory_space<vmem>>, vector<128x128xf32>
    %dot_general3A_47 = arith.constant dense<0.000000e+00> : vector<2048x128xf32>
    %dot_general3A_48 = tpu.matmul %max3A_43, %get3A_46, %dot_general3A_47 {dimension_numbers = #tpu.dot_dimension_numbers<[1], [0], [0], [1], [0, 0, 1, 1], [], []>, transpose_lhs_hint = false} : vector<2048x128xf32>, vector<128x128xf32>, vector<2048x128xf32> -> vector<2048x128xf32>
    %mul3A_49 = vector.broadcast %broadcast_in_dim3A : vector<2048x1xf32> to vector<2048x128xf32>
    %mul3A_50 = arith.mulf %dot_general3A_48, %mul3A_49 : vector<2048x128xf32>
    %swap3A = arith.constant 0 : index
    %swap3A_51 = arith.constant 0 : index
    %swap3A_52 = vector.load %arg6[%swap3A, %swap3A_51] : memref<2048x128xf32, #tpu.memory_space<vmem>>, vector<2048x128xf32>
    tpu.vector_store %arg6[%swap3A, %swap3A_51], %mul3A_50 {strides = array<i32>} : memref<2048x128xf32, #tpu.memory_space<vmem>>, vector<2048x128xf32>,
    return
  }
  func.func @transform_0(%arg0: i32) -> (i32, i32, i32) {
    %c0_i32 = arith.constant 0 : i32
    %c0_i32_0 = arith.constant 0 : i32
    %c0_i32_1 = arith.constant 0 : i32
    return %c0_i32, %arg0, %c0_i32_0 : i32, i32, i32
  }
  func.func @transform_1(%arg0: i32) -> (i32, i32, i32) {
    %c0_i32 = arith.constant 0 : i32
    %c0_i32_0 = arith.constant 0 : i32
    %c0_i32_1 = arith.constant 0 : i32
    return %c0_i32, %arg0, %c0_i32_0 : i32, i32, i32
  }
  func.func @transform_2(%arg0: i32) -> (i32, i32) {
    %c0_i32 = arith.constant 0 : i32
    %c0_i32_0 = arith.constant 0 : i32
    return %arg0, %c0_i32 : i32, i32
  }
  func.func @transform_3(%arg0: i32) -> (i32, i32) {
    %c0_i32 = arith.constant 0 : i32
    %c0_i32_0 = arith.constant 0 : i32
    %c0_i32_1 = arith.constant 0 : i32
    return %c0_i32, %c0_i32_0 : i32, i32
  }
  func.func @transform_4(%arg0: i32) -> (i32, i32) {
    %c0_i32 = arith.constant 0 : i32
    %c0_i32_0 = arith.constant 0 : i32
    %c0_i32_1 = arith.constant 0 : i32
    return %c0_i32, %c0_i32_0 : i32, i32
  }
  func.func @transform_5(%arg0: i32) -> (i32, i32) {
    %c0_i32 = arith.constant 0 : i32
    %c0_i32_0 = arith.constant 0 : i32
    return %arg0, %c0_i32 : i32, i32
  }
}

module attributes {stable_mosaic.version = 14 : i64} {
  func.func @_k1_body(%arg0: i32, %arg1: memref<32x16x128xf32, #tpu.memory_space<vmem>>, %arg2: memref<2048x128xf32, #tpu.memory_space<vmem>>, %arg3: memref<128x128xf32, #tpu.memory_space<vmem>>, %arg4: memref<2048x128xf32, #tpu.memory_space<vmem>>) attributes {dimension_semantics = [#tpu.dimension_semantics<arbitrary>], iteration_bounds = array<i64: 5>, scalar_prefetch = 0 : i64, scratch_operands = 0 : i64, tpu.core_type = #tpu.core_type<tc>, window_params = [{transform_indices = @transform_0, window_bounds = array<i64: 32, 16, 128>}, {transform_indices = @transform_1, window_bounds = array<i64: 2048, 128>}, {pipeline_mode = #tpu.pipeline_mode<synchronous>, transform_indices = @transform_2, window_bounds = array<i64: 128, 128>}, {transform_indices = @transform_3, window_bounds = array<i64: 2048, 128>}]} {
    %get3A = arith.constant 0 : index
    %get3A_0 = arith.constant 0 : index
    %get3A_1 = arith.constant 0 : index
    %get3A_2 = vector.load %arg1[%get3A, %get3A_0, %get3A_1] : memref<32x16x128xf32, #tpu.memory_space<vmem>>, vector<32x16x128xf32>
    %reduce_sum3A = arith.constant dense<0.000000e+00> : vector<16x128xf32>
    %reduce_sum3A_3 = vector.multi_reduction <add>, %get3A_2, %reduce_sum3A [0] : vector<32x16x128xf32> to vector<16x128xf32>
    %add3A = arith.constant 1.000000e+00 : f32
    %add3A_4 = vector.broadcast %add3A : f32 to vector<16x128xf32>
    %add3A_5 = arith.addf %add3A_4, %reduce_sum3A_3 : vector<16x128xf32>
    %rsqrt3A = math.rsqrt %add3A_5 : vector<16x128xf32>
    %iota3A = tpu.iota {dimensions = array<i32: 0>} : vector<2048x16xi32>
    %shift_right_logical3A = arith.constant 7 : i32
    %shift_right_logical3A_6 = vector.broadcast %shift_right_logical3A : i32 to vector<2048x16xi32>
    %shift_right_logical3A_7 = arith.shrui %iota3A, %shift_right_logical3A_6 : vector<2048x16xi32>
    %iota3A_8 = tpu.iota {dimensions = array<i32: 1>} : vector<2048x16xi32>
    %eq3A = arith.cmpi eq, %shift_right_logical3A_7, %iota3A_8 : vector<2048x16xi32>
    %convert_element_type3A = arith.extui %eq3A : vector<2048x16xi1> to vector<2048x16xi32>
    %convert_element_type3A_9 = arith.sitofp %convert_element_type3A : vector<2048x16xi32> to vector<2048x16xf32>
    %dot_general3A = arith.constant dense<0.000000e+00> : vector<2048x128xf32>
    %dot_general3A_10 = tpu.matmul %convert_element_type3A_9, %rsqrt3A, %dot_general3A {dimension_numbers = #tpu.dot_dimension_numbers<[1], [0], [0], [1], [0, 0, 1, 1], [], []>, transpose_lhs_hint = false} : vector<2048x16xf32>, vector<16x128xf32>, vector<2048x128xf32> -> vector<2048x128xf32>
    %iota3A_11 = tpu.iota {dimensions = array<i32: 1>} : vector<2048x128xi32>
    %iota3A_12 = tpu.iota {dimensions = array<i32: 0>} : vector<2048x128xi32>
    %and3A = arith.constant 127 : i32
    %and3A_13 = vector.broadcast %and3A : i32 to vector<2048x128xi32>
    %and3A_14 = arith.andi %iota3A_12, %and3A_13 : vector<2048x128xi32>
    %eq3A_15 = arith.cmpi eq, %iota3A_11, %and3A_14 : vector<2048x128xi32>
    %convert_element_type3A_16 = arith.extui %eq3A_15 : vector<2048x128xi1> to vector<2048x128xi32>
    %convert_element_type3A_17 = arith.sitofp %convert_element_type3A_16 : vector<2048x128xi32> to vector<2048x128xf32>
    %mul3A = arith.mulf %dot_general3A_10, %convert_element_type3A_17 : vector<2048x128xf32>
    %reduce_sum3A_18 = arith.constant dense<0.000000e+00> : vector<2048xf32>
    %reduce_sum3A_19 = vector.multi_reduction <add>, %mul3A, %reduce_sum3A_18 [1] : vector<2048x128xf32> to vector<2048xf32>
    %broadcast_in_dim3A = vector.shape_cast %reduce_sum3A_19 : vector<2048xf32> to vector<2048x1xf32>
    %get3A_20 = arith.constant 0 : index
    %get3A_21 = arith.constant 0 : index
    %get3A_22 = vector.load %arg2[%get3A_20, %get3A_21] : memref<2048x128xf32, #tpu.memory_space<vmem>>, vector<2048x128xf32>
    %get3A_23 = arith.constant 0 : index
    %get3A_24 = arith.constant 0 : index
    %get3A_25 = vector.load %arg3[%get3A_23, %get3A_24] : memref<128x128xf32, #tpu.memory_space<vmem>>, vector<128x128xf32>
    %dot_general3A_26 = arith.constant dense<0.000000e+00> : vector<2048x128xf32>
    %dot_general3A_27 = tpu.matmul %get3A_22, %get3A_25, %dot_general3A_26 {dimension_numbers = #tpu.dot_dimension_numbers<[1], [0], [0], [1], [0, 0, 1, 1], [], []>, transpose_lhs_hint = false} : vector<2048x128xf32>, vector<128x128xf32>, vector<2048x128xf32> -> vector<2048x128xf32>
    %mul3A_28 = vector.broadcast %broadcast_in_dim3A : vector<2048x1xf32> to vector<2048x128xf32>
    %mul3A_29 = arith.mulf %dot_general3A_27, %mul3A_28 : vector<2048x128xf32>
    %swap3A = arith.constant 0 : index
    %swap3A_30 = arith.constant 0 : index
    %swap3A_31 = vector.load %arg4[%swap3A, %swap3A_30] : memref<2048x128xf32, #tpu.memory_space<vmem>>, vector<2048x128xf32>
    tpu.vector_store %arg4[%swap3A, %swap3A_30], %mul3A_29 {strides = array<i32>} : memref<2048x128xf32, #tpu.memory_space<vmem>>, vector<2048x128xf32>,
    return
  }
  func.func @transform_0(%arg0: i32) -> (i32, i32, i32) {
    %c0_i32 = arith.constant 0 : i32
    %c0_i32_0 = arith.constant 0 : i32
    %c0_i32_1 = arith.constant 0 : i32
    return %c0_i32, %arg0, %c0_i32_0 : i32, i32, i32
  }
  func.func @transform_1(%arg0: i32) -> (i32, i32) {
    %c0_i32 = arith.constant 0 : i32
    %c0_i32_0 = arith.constant 0 : i32
    return %arg0, %c0_i32 : i32, i32
  }
  func.func @transform_2(%arg0: i32) -> (i32, i32) {
    %c0_i32 = arith.constant 0 : i32
    %c0_i32_0 = arith.constant 0 : i32
    %c0_i32_1 = arith.constant 0 : i32
    return %c0_i32, %c0_i32_0 : i32, i32
  }
  func.func @transform_3(%arg0: i32) -> (i32, i32) {
    %c0_i32 = arith.constant 0 : i32
    %c0_i32_0 = arith.constant 0 : i32
    return %arg0, %c0_i32 : i32, i32
  }
}

module attributes {stable_mosaic.version = 14 : i64} {
  func.func @_k5_body(%arg0: i32, %arg1: memref<32x16x128xf32, #tpu.memory_space<vmem>>, %arg2: memref<2x2048x128xf32, #tpu.memory_space<vmem>>, %arg3: memref<2048x128xf32, #tpu.memory_space<vmem>>, %arg4: memref<1x128xf32, #tpu.memory_space<vmem>>, %arg5: memref<16x128xi32, #tpu.memory_space<vmem>>, %arg6: memref<128x128xf32, #tpu.memory_space<vmem>>, %arg7: memref<1x128xf32, #tpu.memory_space<vmem>>, %arg8: memref<64x128xf32, #tpu.memory_space<vmem>>, %arg9: memref<64x128xf32, #tpu.memory_space<vmem>>, %arg10: memref<64x128xf32, #tpu.memory_space<vmem>>) attributes {dimension_semantics = [#tpu.dimension_semantics<arbitrary>], iteration_bounds = array<i64: 5>, scalar_prefetch = 0 : i64, scratch_operands = 2 : i64, tpu.core_type = #tpu.core_type<tc>, window_params = [{transform_indices = @transform_0, window_bounds = array<i64: 32, 16, 128>}, {transform_indices = @transform_1, window_bounds = array<i64: 2, 2048, 128>}, {transform_indices = @transform_2, window_bounds = array<i64: 2048, 128>}, {pipeline_mode = #tpu.pipeline_mode<synchronous>, transform_indices = @transform_3, window_bounds = array<i64: 1, 128>}, {transform_indices = @transform_4, window_bounds = array<i64: 16, 128>}, {pipeline_mode = #tpu.pipeline_mode<synchronous>, transform_indices = @transform_5, window_bounds = array<i64: 128, 128>}, {pipeline_mode = #tpu.pipeline_mode<synchronous>, transform_indices = @transform_6, window_bounds = array<i64: 1, 128>}, {pipeline_mode = #tpu.pipeline_mode<synchronous>, transform_indices = @transform_7, window_bounds = array<i64: 64, 128>}]} {
    %eq3A = arith.constant 0 : i32
    %eq3A_0 = arith.cmpi eq, %arg0, %eq3A : i32
    %convert_element_type3A = arith.extui %eq3A_0 : i1 to i32
    %cond3A = arith.constant 0 : i32
    %cond3A_1 = arith.cmpi ne, %convert_element_type3A, %cond3A : i32
    scf.if %cond3A_1 {
      %broadcast_in_dim3A_104 = arith.constant 0.000000e+00 : f32
      %broadcast_in_dim3A_105 = vector.broadcast %broadcast_in_dim3A_104 : f32 to vector<64x128xf32>
      %swap3A_106 = arith.constant 0 : index
      %swap3A_107 = arith.constant 0 : index
      %swap3A_108 = vector.load %arg9[%swap3A_106, %swap3A_107] : memref<64x128xf32, #tpu.memory_space<vmem>>, vector<64x128xf32>
      tpu.vector_store %arg9[%swap3A_106, %swap3A_107], %broadcast_in_dim3A_105 {strides = array<i32>} : memref<64x128xf32, #tpu.memory_space<vmem>>, vector<64x128xf32>,
      %broadcast_in_dim3A_109 = arith.constant 0.000000e+00 : f32
      %broadcast_in_dim3A_110 = vector.broadcast %broadcast_in_dim3A_109 : f32 to vector<64x128xf32>
      %swap3A_111 = arith.constant 0 : index
      %swap3A_112 = arith.constant 0 : index
      %swap3A_113 = vector.load %arg10[%swap3A_111, %swap3A_112] : memref<64x128xf32, #tpu.memory_space<vmem>>, vector<64x128xf32>
      tpu.vector_store %arg10[%swap3A_111, %swap3A_112], %broadcast_in_dim3A_110 {strides = array<i32>} : memref<64x128xf32, #tpu.memory_space<vmem>>, vector<64x128xf32>,
    } else {
    }
    %get3A = arith.constant 0 : index
    %get3A_2 = arith.constant 0 : index
    %get3A_3 = arith.constant 0 : index
    %get3A_4 = vector.load %arg1[%get3A, %get3A_2, %get3A_3] : memref<32x16x128xf32, #tpu.memory_space<vmem>>, vector<32x16x128xf32>
    %reduce_sum3A = arith.constant dense<0.000000e+00> : vector<16x128xf32>
    %reduce_sum3A_5 = vector.multi_reduction <add>, %get3A_4, %reduce_sum3A [0] : vector<32x16x128xf32> to vector<16x128xf32>
    %add3A = arith.constant 1.000000e+00 : f32
    %add3A_6 = vector.broadcast %add3A : f32 to vector<16x128xf32>
    %add3A_7 = arith.addf %add3A_6, %reduce_sum3A_5 : vector<16x128xf32>
    %rsqrt3A = math.rsqrt %add3A_7 : vector<16x128xf32>
    %iota3A = tpu.iota {dimensions = array<i32: 0>} : vector<2048x16xi32>
    %shift_right_logical3A = arith.constant 7 : i32
    %shift_right_logical3A_8 = vector.broadcast %shift_right_logical3A : i32 to vector<2048x16xi32>
    %shift_right_logical3A_9 = arith.shrui %iota3A, %shift_right_logical3A_8 : vector<2048x16xi32>
    %iota3A_10 = tpu.iota {dimensions = array<i32: 1>} : vector<2048x16xi32>
    %eq3A_11 = arith.cmpi eq, %shift_right_logical3A_9, %iota3A_10 : vector<2048x16xi32>
    %convert_element_type3A_12 = arith.extui %eq3A_11 : vector<2048x16xi1> to vector<2048x16xi32>
    %convert_element_type3A_13 = arith.sitofp %convert_element_type3A_12 : vector<2048x16xi32> to vector<2048x16xf32>
    %dot_general3A = arith.constant dense<0.000000e+00> : vector<2048x128xf32>
    %dot_general3A_14 = tpu.matmul %convert_element_type3A_13, %rsqrt3A, %dot_general3A {dimension_numbers = #tpu.dot_dimension_numbers<[1], [0], [0], [1], [0, 0, 1, 1], [], []>, transpose_lhs_hint = false} : vector<2048x16xf32>, vector<16x128xf32>, vector<2048x128xf32> -> vector<2048x128xf32>
    %iota3A_15 = tpu.iota {dimensions = array<i32: 1>} : vector<2048x128xi32>
    %iota3A_16 = tpu.iota {dimensions = array<i32: 0>} : vector<2048x128xi32>
    %and3A = arith.constant 127 : i32
    %and3A_17 = vector.broadcast %and3A : i32 to vector<2048x128xi32>
    %and3A_18 = arith.andi %iota3A_16, %and3A_17 : vector<2048x128xi32>
    %eq3A_19 = arith.cmpi eq, %iota3A_15, %and3A_18 : vector<2048x128xi32>
    %convert_element_type3A_20 = arith.extui %eq3A_19 : vector<2048x128xi1> to vector<2048x128xi32>
    %convert_element_type3A_21 = arith.sitofp %convert_element_type3A_20 : vector<2048x128xi32> to vector<2048x128xf32>
    %mul3A = arith.mulf %dot_general3A_14, %convert_element_type3A_21 : vector<2048x128xf32>
    %reduce_sum3A_22 = arith.constant dense<0.000000e+00> : vector<2048xf32>
    %reduce_sum3A_23 = vector.multi_reduction <add>, %mul3A, %reduce_sum3A_22 [1] : vector<2048x128xf32> to vector<2048xf32>
    %broadcast_in_dim3A = vector.shape_cast %reduce_sum3A_23 : vector<2048xf32> to vector<2048x1xf32>
    %get3A_24 = arith.constant 0 : index
    %get3A_25 = arith.constant 0 : index
    %get3A_26 = arith.constant 0 : index
    %get3A_27 = vector.load %arg2[%get3A_24, %get3A_25, %get3A_26] : memref<2x2048x128xf32, #tpu.memory_space<vmem>>, vector<1x2048x128xf32>
    %get3A_28 = vector.shape_cast %get3A_27 : vector<1x2048x128xf32> to vector<2048x128xf32>
    %get3A_29 = arith.constant 1 : index
    %get3A_30 = arith.constant 0 : index
    %get3A_31 = arith.constant 0 : index
    %get3A_32 = vector.load %arg2[%get3A_29, %get3A_30, %get3A_31] : memref<2x2048x128xf32, #tpu.memory_space<vmem>>, vector<1x2048x128xf32>
    %get3A_33 = vector.shape_cast %get3A_32 : vector<1x2048x128xf32> to vector<2048x128xf32>
    %add3A_34 = arith.addf %get3A_28, %get3A_33 : vector<2048x128xf32>
    %get3A_35 = arith.constant 0 : index
    %get3A_36 = arith.constant 0 : index
    %get3A_37 = vector.load %arg3[%get3A_35, %get3A_36] : memref<2048x128xf32, #tpu.memory_space<vmem>>, vector<2048x128xf32>
    %add3A_38 = arith.addf %add3A_34, %get3A_37 : vector<2048x128xf32>
    %mul3A_39 = vector.broadcast %broadcast_in_dim3A : vector<2048x1xf32> to vector<2048x128xf32>
    %mul3A_40 = arith.mulf %mul3A_39, %add3A_38 : vector<2048x128xf32>
    %get3A_41 = arith.constant 0 : index
    %get3A_42 = arith.constant 0 : index
    %get3A_43 = vector.load %arg4[%get3A_41, %get3A_42] : memref<1x128xf32, #tpu.memory_space<vmem>>, vector<1x128xf32>
    %add3A_44 = vector.broadcast %get3A_43 : vector<1x128xf32> to vector<2048x128xf32>
    %add3A_45 = arith.addf %mul3A_40, %add3A_44 : vector<2048x128xf32>
    %max3A = arith.constant 0.000000e+00 : f32
    %max3A_46 = vector.broadcast %max3A : f32 to vector<2048x128xf32>
    %max3A_47 = arith.maximumf %add3A_45, %max3A_46 : vector<2048x128xf32>
    %get3A_48 = arith.constant 0 : index
    %get3A_49 = arith.constant 0 : index
    %get3A_50 = vector.load %arg5[%get3A_48, %get3A_49] : memref<16x128xi32, #tpu.memory_space<vmem>>, vector<16x128xi32>
    %convert_element_type3A_51 = arith.sitofp %get3A_50 : vector<16x128xi32> to vector<16x128xf32>
    %iota3A_52 = tpu.iota {dimensions = array<i32: 0>} : vector<2048x16xi32>
    %shift_right_logical3A_53 = arith.constant 7 : i32
    %shift_right_logical3A_54 = vector.broadcast %shift_right_logical3A_53 : i32 to vector<2048x16xi32>
    %shift_right_logical3A_55 = arith.shrui %iota3A_52, %shift_right_logical3A_54 : vector<2048x16xi32>
    %iota3A_56 = tpu.iota {dimensions = array<i32: 1>} : vector<2048x16xi32>
    %eq3A_57 = arith.cmpi eq, %shift_right_logical3A_55, %iota3A_56 : vector<2048x16xi32>
    %convert_element_type3A_58 = arith.extui %eq3A_57 : vector<2048x16xi1> to vector<2048x16xi32>
    %convert_element_type3A_59 = arith.sitofp %convert_element_type3A_58 : vector<2048x16xi32> to vector<2048x16xf32>
    %dot_general3A_60 = arith.constant dense<0.000000e+00> : vector<2048x128xf32>
    %dot_general3A_61 = tpu.matmul %convert_element_type3A_59, %convert_element_type3A_51, %dot_general3A_60 {dimension_numbers = #tpu.dot_dimension_numbers<[1], [0], [0], [1], [0, 0, 1, 1], [], []>, transpose_lhs_hint = false} : vector<2048x16xf32>, vector<16x128xf32>, vector<2048x128xf32> -> vector<2048x128xf32>
    %iota3A_62 = tpu.iota {dimensions = array<i32: 1>} : vector<2048x128xi32>
    %iota3A_63 = tpu.iota {dimensions = array<i32: 0>} : vector<2048x128xi32>
    %and3A_64 = arith.constant 127 : i32
    %and3A_65 = vector.broadcast %and3A_64 : i32 to vector<2048x128xi32>
    %and3A_66 = arith.andi %iota3A_63, %and3A_65 : vector<2048x128xi32>
    %eq3A_67 = arith.cmpi eq, %iota3A_62, %and3A_66 : vector<2048x128xi32>
    %convert_element_type3A_68 = arith.extui %eq3A_67 : vector<2048x128xi1> to vector<2048x128xi32>
    %convert_element_type3A_69 = arith.sitofp %convert_element_type3A_68 : vector<2048x128xi32> to vector<2048x128xf32>
    %mul3A_70 = arith.mulf %dot_general3A_61, %convert_element_type3A_69 : vector<2048x128xf32>
    %reduce_sum3A_71 = arith.constant dense<0.000000e+00> : vector<2048xf32>
    %reduce_sum3A_72 = vector.multi_reduction <add>, %mul3A_70, %reduce_sum3A_71 [1] : vector<2048x128xf32> to vector<2048xf32>
    %broadcast_in_dim3A_73 = vector.shape_cast %reduce_sum3A_72 : vector<2048xf32> to vector<2048x1xf32>
    %iota3A_74 = tpu.iota {dimensions = array<i32: 1>} : vector<2048x64xi32>
    %convert_element_type3A_75 = arith.sitofp %iota3A_74 : vector<2048x64xi32> to vector<2048x64xf32>
    %eq3A_76 = vector.broadcast %broadcast_in_dim3A_73 : vector<2048x1xf32> to vector<2048x64xf32>
    %eq3A_77 = arith.cmpf oeq, %eq3A_76, %convert_element_type3A_75 : vector<2048x64xf32>
    %convert_element_type3A_78 = arith.extui %eq3A_77 : vector<2048x64xi1> to vector<2048x64xi32>
    %convert_element_type3A_79 = arith.sitofp %convert_element_type3A_78 : vector<2048x64xi32> to vector<2048x64xf32>
    %get3A_80 = arith.constant 0 : index
    %get3A_81 = arith.constant 0 : index
    %get3A_82 = vector.load %arg9[%get3A_80, %get3A_81] : memref<64x128xf32, #tpu.memory_space<vmem>>, vector<64x128xf32>
    %dot_general3A_83 = arith.constant dense<0.000000e+00> : vector<64x128xf32>
    %dot_general3A_84 = tpu.matmul %convert_element_type3A_79, %max3A_47, %dot_general3A_83 {dimension_numbers = #tpu.dot_dimension_numbers<[0], [0], [1], [1], [0, 1, 1, 1], [], []>, transpose_lhs_hint = false} : vector<2048x64xf32>, vector<2048x128xf32>, vector<64x128xf32> -> vector<64x128xf32>
    %add3A_85 = arith.addf %get3A_82, %dot_general3A_84 : vector<64x128xf32>
    %swap3A = arith.constant 0 : index
    %swap3A_86 = arith.constant 0 : index
    %swap3A_87 = vector.load %arg9[%swap3A, %swap3A_86] : memref<64x128xf32, #tpu.memory_space<vmem>>, vector<64x128xf32>
    tpu.vector_store %arg9[%swap3A, %swap3A_86], %add3A_85 {strides = array<i32>} : memref<64x128xf32, #tpu.memory_space<vmem>>, vector<64x128xf32>,
    %get3A_88 = arith.constant 0 : index
    %get3A_89 = arith.constant 0 : index
    %get3A_90 = vector.load %arg10[%get3A_88, %get3A_89] : memref<64x128xf32, #tpu.memory_space<vmem>>, vector<64x128xf32>
    %broadcast_in_dim3A_91 = arith.constant 1.000000e+00 : f32
    %broadcast_in_dim3A_92 = vector.broadcast %broadcast_in_dim3A_91 : f32 to vector<2048x128xf32>
    %dot_general3A_93 = arith.constant dense<0.000000e+00> : vector<64x128xf32>
    %dot_general3A_94 = tpu.matmul %convert_element_type3A_79, %broadcast_in_dim3A_92, %dot_general3A_93 {dimension_numbers = #tpu.dot_dimension_numbers<[0], [0], [1], [1], [0, 1, 1, 1], [], []>, transpose_lhs_hint = false} : vector<2048x64xf32>, vector<2048x128xf32>, vector<64x128xf32> -> vector<64x128xf32>
    %add3A_95 = arith.addf %get3A_90, %dot_general3A_94 : vector<64x128xf32>
    %swap3A_96 = arith.constant 0 : index
    %swap3A_97 = arith.constant 0 : index
    %swap3A_98 = vector.load %arg10[%swap3A_96, %swap3A_97] : memref<64x128xf32, #tpu.memory_space<vmem>>, vector<64x128xf32>
    tpu.vector_store %arg10[%swap3A_96, %swap3A_97], %add3A_95 {strides = array<i32>} : memref<64x128xf32, #tpu.memory_space<vmem>>, vector<64x128xf32>,
    %eq3A_99 = arith.constant 4 : i32
    %eq3A_100 = arith.cmpi eq, %arg0, %eq3A_99 : i32
    %convert_element_type3A_101 = arith.extui %eq3A_100 : i1 to i32
    %cond3A_102 = arith.constant 0 : i32
    %cond3A_103 = arith.cmpi ne, %convert_element_type3A_101, %cond3A_102 : i32
    scf.if %cond3A_103 {
      %get3A_104 = arith.constant 0 : index
      %get3A_105 = arith.constant 0 : index
      %get3A_106 = vector.load %arg9[%get3A_104, %get3A_105] : memref<64x128xf32, #tpu.memory_space<vmem>>, vector<64x128xf32>
      %get3A_107 = arith.constant 0 : index
      %get3A_108 = arith.constant 0 : index
      %get3A_109 = vector.load %arg10[%get3A_107, %get3A_108] : memref<64x128xf32, #tpu.memory_space<vmem>>, vector<64x128xf32>
      %max3A_110 = arith.constant 1.000000e+00 : f32
      %max3A_111 = vector.broadcast %max3A_110 : f32 to vector<64x128xf32>
      %max3A_112 = arith.maximumf %get3A_109, %max3A_111 : vector<64x128xf32>
      %div3A = arith.divf %get3A_106, %max3A_112 : vector<64x128xf32>
      %get3A_113 = arith.constant 0 : index
      %get3A_114 = arith.constant 0 : index
      %get3A_115 = vector.load %arg6[%get3A_113, %get3A_114] : memref<128x128xf32, #tpu.memory_space<vmem>>, vector<128x128xf32>
      %dot_general3A_116 = arith.constant dense<0.000000e+00> : vector<64x128xf32>
      %dot_general3A_117 = tpu.matmul %div3A, %get3A_115, %dot_general3A_116 {dimension_numbers = #tpu.dot_dimension_numbers<[1], [0], [0], [1], [0, 0, 1, 1], [], []>, transpose_lhs_hint = false} : vector<64x128xf32>, vector<128x128xf32>, vector<64x128xf32> -> vector<64x128xf32>
      %get3A_118 = arith.constant 0 : index
      %get3A_119 = arith.constant 0 : index
      %get3A_120 = vector.load %arg7[%get3A_118, %get3A_119] : memref<1x128xf32, #tpu.memory_space<vmem>>, vector<1x128xf32>
      %add3A_121 = vector.broadcast %get3A_120 : vector<1x128xf32> to vector<64x128xf32>
      %add3A_122 = arith.addf %dot_general3A_117, %add3A_121 : vector<64x128xf32>
      %swap3A_123 = arith.constant 0 : index
      %swap3A_124 = arith.constant 0 : index
      %swap3A_125 = vector.load %arg8[%swap3A_123, %swap3A_124] : memref<64x128xf32, #tpu.memory_space<vmem>>, vector<64x128xf32>
      tpu.vector_store %arg8[%swap3A_123, %swap3A_124], %add3A_122 {strides = array<i32>} : memref<64x128xf32, #tpu.memory_space<vmem>>, vector<64x128xf32>,
    } else {
    }
    return
  }
  func.func @transform_0(%arg0: i32) -> (i32, i32, i32) {
    %c0_i32 = arith.constant 0 : i32
    %c0_i32_0 = arith.constant 0 : i32
    %c0_i32_1 = arith.constant 0 : i32
    return %c0_i32, %arg0, %c0_i32_0 : i32, i32, i32
  }
  func.func @transform_1(%arg0: i32) -> (i32, i32, i32) {
    %c0_i32 = arith.constant 0 : i32
    %c0_i32_0 = arith.constant 0 : i32
    %c0_i32_1 = arith.constant 0 : i32
    return %c0_i32, %arg0, %c0_i32_0 : i32, i32, i32
  }
  func.func @transform_2(%arg0: i32) -> (i32, i32) {
    %c0_i32 = arith.constant 0 : i32
    %c0_i32_0 = arith.constant 0 : i32
    return %arg0, %c0_i32 : i32, i32
  }
  func.func @transform_3(%arg0: i32) -> (i32, i32) {
    %c0_i32 = arith.constant 0 : i32
    %c0_i32_0 = arith.constant 0 : i32
    %c0_i32_1 = arith.constant 0 : i32
    return %c0_i32, %c0_i32_0 : i32, i32
  }
  func.func @transform_4(%arg0: i32) -> (i32, i32) {
    %c0_i32 = arith.constant 0 : i32
    %c0_i32_0 = arith.constant 0 : i32
    return %arg0, %c0_i32 : i32, i32
  }
  func.func @transform_5(%arg0: i32) -> (i32, i32) {
    %c0_i32 = arith.constant 0 : i32
    %c0_i32_0 = arith.constant 0 : i32
    %c0_i32_1 = arith.constant 0 : i32
    return %c0_i32, %c0_i32_0 : i32, i32
  }
  func.func @transform_6(%arg0: i32) -> (i32, i32) {
    %c0_i32 = arith.constant 0 : i32
    %c0_i32_0 = arith.constant 0 : i32
    %c0_i32_1 = arith.constant 0 : i32
    return %c0_i32, %c0_i32_0 : i32, i32
  }
  func.func @transform_7(%arg0: i32) -> (i32, i32) {
    %c0_i32 = arith.constant 0 : i32
    %c0_i32_0 = arith.constant 0 : i32
    %c0_i32_1 = arith.constant 0 : i32
    return %c0_i32, %c0_i32_0 : i32, i32
  }
}

</mosaic_0001>

<sc_bundles>
// kernel: kernel.11.cloned.1.call-start
scs
__scs_entry_jumppad:
0x0: {  	(pc) =	sbr.rel $0x88, $3  }
0x1: {  	(tag) =	ssettag $0x0;
	lr =	simm.s32 $0x1  }
0x2: {  	[smem:$0x3F98] =	sst lr;
	_ =	strace $0xD0000000  }
0x3: {  	_ = 	snop  }
0x4: {  	_ = 	snop  }
0x5: {  	_ = 	snop  }
0x6: {  	_ = 	snop  }
0x7: {  	_ = 	snop  }
__scs_overlays_trampoline_lowered:
0x8: {  	[smem:$0x3FA7] =	sst s0  }
0x9: {  	[smem:$0x3FA8] =	sst s1  }
0xa: {  	[smem:$0x3FA9] =	sst s2  }
0xb: {  	[smem:$0x3FAA] =	sst s3  }
0xc: {  	[smem:$0x3FAB] =	sst s4  }
0xd: {  	[smem:$0x3FAC] =	sst s5  }
0xe: {  	[smem:$0x3FAD] =	sst s6  }
0xf: {  	[smem:$0x3FAE] =	sst s7  }
0x10: {  	[smem:$0x3FAF] =	sst s8  }
0x11: {  	[smem:$0x3FB0] =	sst s9;
	s0 =	simm.s32 @!p0 $0x0  }
0x12: {  	s1 =	sld [smem:$0x3F96];
	s0 =	simm.s32 @p0 $0x1  }
0x13: {  	[smem:$0x3FB1] =	sst s0;
	s0 =	simm.s32 @!p1 $0x0  }
0x14: {  	s2 =	sld [smem:$0x3F95];
	s0 =	simm.s32 @p1 $0x1  }
0x15: {  	[smem:$0x3FB2] =	sst s0;
	s0 =	simm.s32 @!p2 $0x0  }
0x16: {  	s3 =	sld [smem:$0x3FDB];
	s0 =	simm.s32 @p2 $0x1  }
0x17: {  	s4 =	simm.s32 $0x1BF5;
	[smem:$0x3FB4] =	sst s0  }
0x18: {  	s0 =	sld [smem:$0x3F97];
	_ =	swait.ge [sflag:s4], $0x0  }
0x19: {  	s7 =	sld [smem:$0x3F98]  }
0x1a: {  	s8 =	sadd.s32 $0xFFFFE003, lr  }
0x1b: {  	s9 =	sadd.s32 $0xFFFFFEF7, lr;
	s5 =	simm.s32 $0xFFFFFFFF;
	p2 =	slt.u32 s8, $0xFFFFF086  }
0x1c: {  	p1 =	slt.u32 s9, $0xF7A;
	s5 =	simm.s32 @!p2 $0x0  }
0x1d: {  	s5 =	simm.s32 @p1 $0x1;
	p0 =	seq.s32 s7, s2  }
0x1e: {  	s7 =	smul.u32 @!p0 $0xF7A, s2;
	p2 =	seq.s32 @!p0 s5, $0x0  }
0x1f: {  	s9 =	smul.u32 $0xF7A, s1;
	s8 =	simm.s32 @!p0 $0x1BF5;
	p2 =	por !p2, p0  }
0x20: {  	[sflag:s8] =	ssyncset.s32 @!p0 $0xFFFFF086;
	s6 =	sadd.s32 @!p0 s3, s7;
	s7 =	simm.s32 @!p0 $0x108  }
0x21: {  	s3 =	sadd.s32 s3, s9;
	s6 =	sadd.s32 @!p0 $0x88, s6;
	s7 =	simm.s32 @p2 $0x1082  }
0x22: {  	[simem:s7], [sflag:s8] =	dma.local @!p0 [hbm:s6], $0xF7A  }
0x23: {  	s9 =	sor.u32 $0xD0000000, s2;
	s6 =	simm.s32 $0x108;
	_ =	swait.ge @!p0 [sflag:s8], $0x0  }
0x24: {  	s3 =	sadd.s32 $0x88, s3;
	s6 =	simm.s32 @!p1 $0x1082;
	[sflag:s4] =	ssyncset.s32 $0xFFFFF086  }
0x25: {  	[simem:s6], [sflag:s4] =	dma.local [hbm:s3], $0xF7A  }
0x26: {  	[smem:$0x3F98] =	sst s1;
	(tag) =	ssettag s2;
	_ =	strace s9  }
0x27: {  	s1 =	sld [smem:$0x3FA8]  }
0x28: {  	s2 =	sld [smem:$0x3FA9]  }
0x29: {  	s4 =	sld [smem:$0x3FAB]  }
0x2a: {  	p0 =	seq.s32 s5, $0x0;
	s5 =	sld [smem:$0x3FAC]  }
0x2b: {  	s6 =	sld [smem:$0x3FAD]  }
0x2c: {  	s7 =	sld [smem:$0x3FAE]  }
0x2d: {  	s3 =	simm.s32 $0x108;
	s8 =	sld [smem:$0x3FAF]  }
0x2e: {  	s3 =	simm.s32 @!p0 $0x1082;
	s9 =	sld [smem:$0x3FB0]  }
0x2f: {  	lr =	sadd.s32 s0, s3;
	s0 =	sld [smem:$0x3FA7]  }
0x30: {  	s3 =	sld [smem:$0x3FAA]  }
0x31: {  	[smem:$0x3FB3] =	sst s10  }
0x32: {  	s10 =	sld [smem:$0x3FB1];
	_ =	sdelay $0x3  }
0x33: {  	p0 =	seq.s32 s10, $0x1;
	s10 =	sld [smem:$0x3FB3];
	_ =	sdelay $0x3  }
0x34: {  	[smem:$0x3FB3] =	sst s10  }
0x35: {  	s10 =	sld [smem:$0x3FB2];
	_ =	sdelay $0x3  }
0x36: {  	p1 =	seq.s32 s10, $0x1;
	s10 =	sld [smem:$0x3FB3];
	_ =	sdelay $0x3  }
0x37: {  	[smem:$0x3FB3] =	sst s10  }
0x38: {  	s10 =	sld [smem:$0x3FB4]  }
0x39: {  	_ = 	snop;
	(pc) =	sbr.ind lr, $3  }
0x3a: {  	_ = 	snop  }
0x3b: {  	_ = 	snop  }
0x3c: {  	p2 =	seq.s32 s10, $0x1;
	s10 =	sld [smem:$0x3FB3]  }
0x3d: {  	_ =	shalt  }
0x3e: {  	_ =	shalt  }
0x3f: {  	_ =	shalt  }
0x40: {  	_ =	shalt  }
0x41: {  	_ =	shalt  }
0x42: {  	_ =	shalt  }
0x43: {  	_ =	shalt  }
0x44: {  	_ =	shalt  }
0x45: {  	_ =	shalt  }
0x46: {  	_ =	shalt  }
0x47: {  	_ =	shalt  }
0x48: {  	_ =	shalt  }
0x49: {  	_ =	shalt  }
0x4a: {  	_ =	shalt  }
0x4b: {  	_ =	shalt  }
0x4c: {  	_ =	shalt  }
0x4d: {  	_ =	shalt  }
0x4e: {  	_ =	shalt  }
0x4f: {  	_ =	shalt  }
0x50: {  	_ =	shalt  }
0x51: {  	_ =	shalt  }
0x52: {  	_ =	shalt  }
0x53: {  	_ =	shalt  }
0x54: {  	_ =	shalt  }
0x55: {  	_ =	shalt  }
0x56: {  	_ =	shalt  }
0x57: {  	_ =	shalt  }
0x58: {  	_ =	shalt  }
0x59: {  	_ =	shalt  }
0x5a: {  	_ =	shalt  }
0x5b: {  	_ =	shalt  }
0x5c: {  	_ =	shalt  }
0x5d: {  	_ =	shalt  }
0x5e: {  	_ =	shalt  }
0x5f: {  	_ =	shalt  }
0x60: {  	_ =	shalt  }
0x61: {  	_ =	shalt  }
0x62: {  	_ =	shalt  }
0x63: {  	_ =	shalt  }
0x64: {  	_ =	shalt  }
0x65: {  	_ =	shalt  }
0x66: {  	_ =	shalt  }
0x67: {  	_ =	shalt  }
0x68: {  	_ =	shalt  }
0x69: {  	_ =	shalt  }
0x6a: {  	_ =	shalt  }
0x6b: {  	_ =	shalt  }
0x6c: {  	_ =	shalt  }
0x6d: {  	_ =	shalt  }
0x6e: {  	_ =	shalt  }
0x6f: {  	_ =	shalt  }
0x70: {  	_ =	shalt  }
0x71: {  	_ =	shalt  }
0x72: {  	_ =	shalt  }
0x73: {  	_ =	shalt  }
0x74: {  	_ =	shalt  }
0x75: {  	_ =	shalt  }
0x76: {  	_ =	shalt  }
0x77: {  	_ =	shalt  }
0x78: {  	_ =	shalt  }
0x79: {  	_ =	shalt  }
0x7a: {  	_ =	shalt  }
0x7b: {  	_ =	shalt  }
0x7c: {  	_ =	shalt  }
0x7d: {  	_ =	shalt  }
0x7e: {  	_ =	shalt  }
0x7f: {  	_ =	shalt  }
0x80: {  	_ =	shalt  }
0x81: {  	_ =	shalt  }
0x82: {  	_ =	shalt  }
0x83: {  	_ =	shalt  }
0x84: {  	_ =	shalt  }
0x85: {  	_ =	shalt  }
0x86: {  	_ =	shalt  }
0x87: {  	_ =	shalt  }
.Lfunc_end0:
.L_simem_size_0:
called_computation.1_lowered:
.L_overlay_start_0:
0x88: {  	s2 =	sld [smem:$0x3FD9]  }
0x89: {  	s3 =	sld [smem:$0x3FFE];
	_ =	sdelay $0x1  }
0x8a: {  	s1 =	srdreg.scid  }
0x8b: {  	s0 =	sand.u32 $0x1, s1  }
0x8c: {  	s16 =	sshll.u32 s0, $0xA;
	s2 =	sadd.s32 s3, s2  }
0x8d: {  	s2 =	sadd.s32 s2, s16  }
0x8e: {  	[smem:$0x3FBF] =	sst s2  }
0x8f: {  	_ = 	snop  }
0x90: {  	(tm) =	ssettm $0x1  }
0x91: {  	s17 =	sld [smem:$0x3FFB];
	_ =	sdelay $0x3  }
0x92: {  	_ =	strace s17  }
0x93: {  	s2 =	sld [smem:$0x3FFC];
	_ =	sdelay $0x3  }
0x94: {  	_ =	strace s2  }
0x95: {  	s2 =	sld [smem:$0x3FFD];
	_ =	sdelay $0x3  }
0x96: {  	_ =	strace s2  }
0x97: {  	_ =	strace $0x8FFFFFFF  }
0x98: {  	s18 =	sld [smem:$0x3FDB];
	_ =	sdelay $0x1  }
0x99: {  	s19 =	simm.s32 $_scs_section_size  }
0x9a: {  	s4 =	simm.s32 $_size__tile_overlayer_lowered;
	s5 =	simm.s32 $_tile_overlayer_lowered  }
0x9b: {  	s22 =	simm.s32 $0x1BFF;
	s21 =	sshll.u32 s5, $0x1;
	s2 =	sadd.s32 s19, s18  }
0x9c: {  	s6 =	simm.s32 $0x0;
	s20 =	sshll.u32 s4, $0x1;
	s4 =	sadd.s32 s21, s2  }
0x9d: {  	[timem:s6], [sflag:s22] =	dma.local [hbm:s4], s20  }
0x9e: {  	_ =	swait.ge [sflag:s22], s20  }
0x9f: {  	s3 =	ssub.s32 $0x0, s20;
	[sflag:s22] =	ssyncset.done $0x0  }
0xa0: {  	[sflag:s22] =	ssyncadd.s32 s3;
	_ =	sdelay $0x1  }
0xa1: {  	s23 =	simm.s32 $0x1B8B  }
0xa2: {  	_ =	swait.ge [sflag:s23], $0x1  }
0xa3: {  	[sflag:s23] =	ssyncset.done $0x0  }
0xa4: {  	s25 =	simm.s32 $0x1B8E;
	s24 =	sld [smem:$0x3FFE];
	[sflag:s23] =	ssyncadd.s32 $0xFFFFFFFF  }
0xa5: {  	s26 =	simm.s32 $execute0_lowered;
	[smem:$0x3FD2] =	sst s25  }
0xa6: {  	s4 =	sshll.u32 s26, $0x1;
	_ =	strace $0x80000049;
	[dreg:$0x1] =	wrdreg $0xFFFFFFFF  }
0xa7: {  	s28 =	simm.s32 $_size_execute0_lowered;
	s2 =	sadd.s32 s2, s4;
	[dreg:$0x0] =	wrdreg $0x0  }
0xa8: {  	s4 =	sshll.u32 s28, $0x1;
	[dreg:$0x2] =	wrdreg s2  }
0xa9: {  	[dreg:$0x3] =	wrdreg s4  }
0xaa: {  	[dreg:$0x4] =	wrdreg $0xC0  }
0xab: {  	_ =	task [dreg:s6], $0x5FFFF  }
0xac: {  	[dreg:$0x1] =	wrdreg $0xFFFFFFFF  }
0xad: {  	[dreg:$0x0] =	wrdreg $0x60  }
0xae: {  	[dreg:$0x2] =	wrdreg s24  }
0xaf: {  	[dreg:$0x3] =	wrdreg $0xA8000  }
0xb0: {  	[dreg:$0x4] =	wrdreg $0x9  }
0xb1: {  	_ =	task.clear_ibuf [dreg:s6], $0x5FFFF;
	_ =	strace $0x90000049  }
0xb2: {  	s29 =	simm.s32 $0x9;
	_ =	strace $0x8000004B  }
0xb3: {  	_ =	swait.ge [sflag:s29], $0x1  }
0xb4: {  	[sflag:s29] =	ssyncadd.s32 $0xFFFFFFFF  }
0xb5: {  	_ =	strace $0x9000004B  }
0xb6: {  	_ =	sfence  }
0xb7: {  	s30 =	sld [smem:$0x0];
	_ =	sdelay $0x2  }
0xb8: {  	s31 =	sshll.u32 s1, $0xD;
	s1 =	sshrl.u32 s1, $0x2  }
0xb9: {  	s3 =	sand.u32 $0x4000, s31;
	s1 =	sadd.s32 s1, s30  }
0xba: {  	s0 =	sor.u32 s3, s0;
	s1 =	sshll.u32 s1, $0x11  }
0xbb: {  	s0 =	sor.u32 s1, s0  }
0xbc: {  	s0 =	sadd.s32 $0x8F2B, s0  }
0xbd: {  	[sflag:s0] =	ssyncadd.remote.s32 $0x1  }
0xbe: {  	_ =	sfence.sel $0xFFFF  }
0xbf: {  	[dreg:$0x0] =	wrdreg $0xFFFFFFFF;
	(pc) =	sbr.abs _section_cstart, $3  }
0xc0: {  	[dreg:$0x1] =	wrdreg $0xFFFFFFFF  }
0xc1: {  	_ =	task.clear_ibuf [dreg:s6], $0x2FFFF;
	_ =	strace $0x9FFFFFFF  }
0xc2: {  	(tm) =	ssettm $0x7FFFFFFF  }
0xc3: {  	_ =	shalt  }
tec
execute0_lowered:
.L_overlay_start_1:
0x0: {  	(tag) =	ssettag $0x1  }
0x1: {  	s0 =	rddreg [dreg:$0x0]  }
0x2: {  	s1 =	rddreg [dreg:$0x1];
	s3 =	simm.s32 $0x0  }
0x3: {  	s2 =	srdreg.scid;
	s9 =	stileid.u32;
	s28 =	simm.s32 $0x200  }
0x4: {  	s29 =	simm.s32 $0x5;
	s30 =	simm.s32 $0x50;
	s31 =	simm.s32 $0x380  }
0x5: {  	[smem:$0x7FF] =	sst s3;
	s2 =	sand.u32 $0x1, s2;
	s6 =	smul.u32 $0x14000, s9  }
0x6: {  	s4 =	sadd.s32 $0x16A00, s0;
	s11 =	sadd.s32 $0x2E00, s0;
	s20 =	smul.u32 $0x50000, s9  }
0x7: {  	s12 =	sadd.s32 $0xCC00, s0;
	s7 =	sshll.u32 s9, $0x1;
	s24 =	smul.u32 $0x4E20, s9  }
0x8: {  	s5 =	smul.u32 $0x140000, s2;
	_ =	strace $0x8000004A;
	s19 =	sor.u32 s2, s7  }
0x9: {  	s8 =	ssub.s32 $0x2, s2;
	s2 =	smul.u32 $0x2710, s2;
	[dreg:$0x4] =	wrdreg s12  }
0xa: {  	[dreg:$0x3] =	wrdreg s11;
	s21 =	sshrl.u32 s8, $0x1;
	s7 =	sshrl.u32 s20, $0x2  }
0xb: {  	s5 =	sadd.s32 s6, s5;
	s6 =	smul.u32 $0x2710, s19;
	s2 =	sadd.s32 s2, s24  }
0xc: {  	s7 =	sadd.s32 s7, s1;
	s5 =	sshrl.u32 s5, $0x3;
	s15 =	sadd.s32 $0x230, s2  }
0xd: {  	s19 =	sadd.s32 $0x1E0, s2;
	s20 =	sadd.s32 $0x190, s2;
	s0 =	sadd.s32 s5, s0  }
0xe: {  	s5 =	ssub.s32 s8, s21;
	s6 =	sshrl.u32 s6, $0x3;
	s17 =	sshrl.u32 s15, $0x3  }
0xf: {  	s21 =	sshrl.u32 s19, $0x3;
	s15 =	simm.s32 $0x400;
	s22 =	sadd.s32 s11, s6  }
0x10: {  	s8 =	simm.s32 $0x6;
	s23 =	sadd.s32 s12, s6;
	[dreg:$0x5] =	wrdreg s22  }
0x11: {  	s19 =	simm.s32 $0xA;
	s0 =	sadd.s32 $0x3EA00, s0;
	[dreg:$0x6] =	wrdreg s23  }
0x12: {  	s25 =	sadd.s32 $0xA, s6;
	s16 =	smax.u32 s5, $0x1;
	[dreg:$0xd] =	wrdreg s0  }
0x13: {  	s10 =	sadd.s32 $0x14, s6;
	s18 =	sadd.s32 s17, s12;
	[dreg:$0xe] =	wrdreg s16  }
0x14: {  	s6 =	sadd.s32 $0x1E, s6;
	s13 =	sadd.s32 s11, s25;
	[dreg:$0xf] =	wrdreg s18  }
0x15: {  	s5 =	simm.s32 $0x9;
	s9 =	sadd.s32 s12, s25;
	[dreg:$0x7] =	wrdreg s13  }
0x16: {  	s26 =	sadd.s32 s11, s10;
	s14 =	sadd.s32 s11, s6;
	[dreg:$0x8] =	wrdreg s9  }
0x17: {  	s6 =	sadd.s32 s12, s6;
	s0 =	sadd.s32 s17, s11;
	[dreg:$0x9] =	wrdreg s26  }
0x18: {  	s22 =	sshrl.u32 s20, $0x3;
	s23 =	sadd.s32 s21, s12;
	[dreg:$0xb] =	wrdreg s14  }
0x19: {  	s16 =	simm.s32 $0x8;
	s17 =	simm.s32 $0x7C00;
	[dreg:$0xc] =	wrdreg s6  }
0x1a: {  	s18 =	simm.s32 $0x2;
	s20 =	simm.s32 $0xE;
	[dreg:$0x10] =	wrdreg s0  }
0x1b: {  	s13 =	sadd.s32 s12, s10;
	[dreg:$0x11] =	wrdreg s23;
	s0 =	sadd.s32 s21, s11  }
0x1c: {  	s24 =	sadd.s32 s22, s12;
	s25 =	sadd.s32 s22, s11;
	s26 =	sadd.s32 $0x140, s2  }
0x1d: {  	s12 =	simm.s32 $0x7;
	s6 =	simm.s32 $0xD;
	[dreg:$0xa] =	wrdreg s13  }
.Ltmp0:
0x1e: {  	s21 =	simm.s32 $0x3;
	[dreg:$0x12] =	wrdreg s0;
	(pc) =	sbr.rel .LBB2_1-.Ltmp0, $4  }
0x1f: {  	s22 =	simm.s32 $0xB;
	s23 =	simm.s32 $0xF;
	[dreg:$0x13] =	wrdreg s24  }
0x20: {  	s2 =	simm.s32 $0xC;
	s9 =	simm.s32 $0x10;
	[dreg:$0x14] =	wrdreg s25  }
0x21: {  	s11 =	simm.s32 $0x0;
	[dreg:$0x15] =	wrdreg s26;
	s25 =	simm.s32 $0xA400  }
0x22: {  	v0 =	vimm.f32 $0.0e+00;
	s26 =	simm.s32 $0x11;
	s24 =	simm.s32 $0x1;
	s0 =	simm.s32 $0x4  }
.LBB2_6:
0x23: {  	_ =	swait.ge [sflag:s19], $0x50  }
0x24: {  	[sflag:s19] =	ssyncset.done $0x0  }
0x25: {  	s10 =	simm.s32 $0x2C00;
	s11 =	simm.s32 $0x280;
	[sflag:s19] =	ssyncadd.s32 $0xFFFFFFB0  }
0x26: {  	[spmem:s1] =	stream.indirect.scatter.add.f32 [tilespmem:s10], [sflag:$0xE], $0x80, s11, s30, $0xb8;
	[tilespmem:$0x1E800] =	vst v63  }
0x27: {  	_ =	swait.ge [sflag:s20], $0x2800  }
0x28: {  	[sflag:s20] =	ssyncset.done $0x0  }
0x29: {  	[sflag:s20] =	ssyncadd.s32 $0xFFFFD800  }
0x2a: {  	_ =	swait.ge [sflag:s21], $0x2800  }
0x2b: {  	[sflag:s21] =	ssyncset.done $0x0  }
0x2c: {  	[sflag:s21] =	ssyncadd.s32 $0xFFFFD800  }
0x2d: {  	_ =	swait.ge [sflag:s22], $0x50  }
0x2e: {  	[sflag:s22] =	ssyncset.done $0x0  }
0x2f: {  	s13 =	simm.s32 $0x5400;
	s14 =	simm.s32 $0x300;
	[sflag:s22] =	ssyncadd.s32 $0xFFFFFFB0  }
0x30: {  	[spmem:s1] =	stream.indirect.scatter.add.f32 [tilespmem:s13], [sflag:$0xF], $0x80, s14, s30, $0xb8;
	[tilespmem:$0x1E800] =	vst v63  }
0x31: {  	_ =	swait.ge [sflag:s23], $0x2800  }
0x32: {  	[sflag:s23] =	ssyncset.done $0x0  }
0x33: {  	[sflag:s23] =	ssyncadd.s32 $0xFFFFD800  }
0x34: {  	_ =	swait.ge [sflag:s0], $0x2800  }
0x35: {  	[sflag:s0] =	ssyncset.done $0x0  }
0x36: {  	[sflag:s0] =	ssyncadd.s32 $0xFFFFD800  }
0x37: {  	_ =	swait.ge [sflag:s2], $0x50  }
0x38: {  	[sflag:s2] =	ssyncset.done $0x0  }
0x39: {  	[sflag:s2] =	ssyncadd.s32 $0xFFFFFFB0  }
0x3a: {  	[spmem:s1] =	stream.indirect.scatter.add.f32 [tilespmem:s17], [sflag:$0x10], $0x80, s31, s30, $0xb8;
	[tilespmem:$0x1E800] =	vst v63  }
0x3b: {  	_ =	swait.ge [sflag:s9], $0x2800  }
0x3c: {  	[sflag:s9] =	ssyncset.done $0x0  }
0x3d: {  	[sflag:s9] =	ssyncadd.s32 $0xFFFFD800  }
0x3e: {  	_ =	swait.ge [sflag:s24], $0x2800  }
0x3f: {  	[sflag:s24] =	ssyncset.done $0x0  }
0x40: {  	[sflag:s24] =	ssyncadd.s32 $0xFFFFD800  }
0x41: {  	_ =	swait.ge [sflag:s5], $0x50  }
0x42: {  	[sflag:s5] =	ssyncset.done $0x0  }
0x43: {  	[sflag:s5] =	ssyncadd.s32 $0xFFFFFFB0  }
0x44: {  	[spmem:s1] =	stream.indirect.scatter.add.f32 [tilespmem:s15], [sflag:$0xD], $0x80, s28, s30, $0xb8;
	[tilespmem:$0x1E800] =	vst v63  }
0x45: {  	_ =	swait.ge [sflag:s6], $0x2800  }
0x46: {  	[sflag:s6] =	ssyncset.done $0x0  }
0x47: {  	s13 =	stileid.u32;
	[sflag:s6] =	ssyncadd.s32 $0xFFFFD800  }
0x48: {  	s10 =	sshll.u32 s13, $0x6;
	[bflag:$0x0] =	sbarrier.arrive $0xFFFF  }
0x49: {  	s14 =	sshrl.u32 s7, $0x3;
	s10 =	sor.u32 $0x1C11, s10;
	s13 =	rddreg [dreg:$0xd]  }
0x4a: {  	[hbm:s13], [sflag:s10] =	dma.local [spmem:s14], $0x2800  }
0x4b: {  	_ =	swait.ge [sflag:s26], $0x2800  }
0x4c: {  	s13 =	rddreg [dreg:$0x16]  }
0x4d: {  	s14 =	rddreg [dreg:$0xe];
	s11 =	sadd.s32 $0x1, s13  }
0x4e: {  	p0 =	sne.s32 s11, s14  }
.Ltmp1:
0x4f: {  	_ = 	snop;
	(pc) =	sbr.rel @!p0 .LBB2_7-.Ltmp1, $3  }
0x50: {  	_ =	sdelay $0x1  }
0x51: {  	[sflag:s26] =	ssyncset.done $0x0  }
0x52: {  	[sflag:s26] =	ssyncadd.s32 $0xFFFFD800  }
.LBB2_1:
0x53: {  	[tilespmem:$0xA400] =	vst v0  }
0x54: {  	[tilespmem:$0xA410] =	vst v0  }
0x55: {  	[tilespmem:$0xA420] =	vst v0  }
0x56: {  	[tilespmem:$0xA430] =	vst v0  }
0x57: {  	[tilespmem:$0xA440] =	vst v0  }
0x58: {  	[tilespmem:$0xA450] =	vst v0  }
0x59: {  	[tilespmem:$0xA460] =	vst v0  }
0x5a: {  	[tilespmem:$0xA470] =	vst v0  }
0x5b: {  	[tilespmem:$0xA480] =	vst v0  }
0x5c: {  	[tilespmem:$0xA490] =	vst v0  }
0x5d: {  	[tilespmem:$0xA4A0] =	vst v0  }
0x5e: {  	[tilespmem:$0xA4B0] =	vst v0  }
0x5f: {  	[tilespmem:$0xA4C0] =	vst v0  }
0x60: {  	[tilespmem:$0xA4D0] =	vst v0  }
0x61: {  	[tilespmem:$0xA4E0] =	vst v0  }
0x62: {  	[tilespmem:$0xA4F0] =	vst v0  }
0x63: {  	[tilespmem:$0xA500] =	vst v0  }
0x64: {  	[tilespmem:$0xA510] =	vst v0  }
0x65: {  	[tilespmem:$0xA520] =	vst v0  }
0x66: {  	[tilespmem:$0xA530] =	vst v0  }
0x67: {  	[tilespmem:$0xA540] =	vst v0  }
0x68: {  	[tilespmem:$0xA550] =	vst v0  }
0x69: {  	[tilespmem:$0xA560] =	vst v0  }
0x6a: {  	[tilespmem:$0xA570] =	vst v0  }
0x6b: {  	[tilespmem:$0xA580] =	vst v0  }
0x6c: {  	[tilespmem:$0xA590] =	vst v0  }
0x6d: {  	[tilespmem:$0xA5A0] =	vst v0  }
0x6e: {  	[tilespmem:$0xA5B0] =	vst v0  }
0x6f: {  	[tilespmem:$0xA5C0] =	vst v0  }
0x70: {  	[tilespmem:$0xA5D0] =	vst v0  }
0x71: {  	[tilespmem:$0xA5E0] =	vst v0  }
0x72: {  	[tilespmem:$0xA5F0] =	vst v0  }
0x73: {  	[tilespmem:$0xA600] =	vst v0  }
0x74: {  	[tilespmem:$0xA610] =	vst v0  }
0x75: {  	[tilespmem:$0xA620] =	vst v0  }
0x76: {  	[tilespmem:$0xA630] =	vst v0  }
0x77: {  	[tilespmem:$0xA640] =	vst v0  }
0x78: {  	[tilespmem:$0xA650] =	vst v0  }
0x79: {  	[tilespmem:$0xA660] =	vst v0  }
0x7a: {  	[tilespmem:$0xA670] =	vst v0  }
0x7b: {  	[tilespmem:$0xA680] =	vst v0  }
0x7c: {  	[tilespmem:$0xA690] =	vst v0  }
0x7d: {  	[tilespmem:$0xA6A0] =	vst v0  }
0x7e: {  	[tilespmem:$0xA6B0] =	vst v0  }
0x7f: {  	[tilespmem:$0xA6C0] =	vst v0  }
0x80: {  	[tilespmem:$0xA6D0] =	vst v0  }
0x81: {  	[tilespmem:$0xA6E0] =	vst v0  }
0x82: {  	[tilespmem:$0xA6F0] =	vst v0  }
0x83: {  	[tilespmem:$0xA700] =	vst v0  }
0x84: {  	[tilespmem:$0xA710] =	vst v0  }
0x85: {  	[tilespmem:$0xA720] =	vst v0  }
0x86: {  	[tilespmem:$0xA730] =	vst v0  }
0x87: {  	[tilespmem:$0xA740] =	vst v0  }
0x88: {  	[tilespmem:$0xA750] =	vst v0  }
0x89: {  	[tilespmem:$0xA760] =	vst v0  }
0x8a: {  	[tilespmem:$0xA770] =	vst v0  }
0x8b: {  	[tilespmem:$0xA780] =	vst v0  }
0x8c: {  	[tilespmem:$0xA790] =	vst v0  }
0x8d: {  	[tilespmem:$0xA7A0] =	vst v0  }
0x8e: {  	[tilespmem:$0xA7B0] =	vst v0  }
0x8f: {  	[tilespmem:$0xA7C0] =	vst v0  }
0x90: {  	[tilespmem:$0xA7D0] =	vst v0  }
0x91: {  	[tilespmem:$0xA7E0] =	vst v0  }
0x92: {  	[dreg:$0x16] =	wrdreg s11;
	[tilespmem:$0xA7F0] =	vst v0;
	s10 =	sadd.s32 $0x0, s7  }
0x93: {  	[spmem:s10] =	stream.linear.scatter [tilespmem:s25], [sflag:$0x11], $0x400, $0x38;
	[tilespmem:$0x1E800] =	vst v63  }
0x94: {  	s10 =	simm.s32 $0x1000;
	_ =	swait.ge [sflag:s26], $0x400  }
.LBB2_2:
0x95: {  	s11 =	sshra.s32 s10, $0x2;
	[sflag:s26] =	ssyncset.done $0x0;
	p0 =	sne.s32 s10, $0x4F000  }
.Ltmp2:
0x96: {  	s11 =	sadd.s32 s11, s7;
	[sflag:s26] =	ssyncadd.s32 $0xFFFFFC00;
	(pc) =	sbr.rel @p0 .LBB2_2-.Ltmp2, $3  }
0x97: {  	[spmem:s11] =	stream.linear.scatter [tilespmem:s25], [sflag:$0x11], $0x400, $0x38;
	[tilespmem:$0x1E800] =	vst v63  }
0x98: {  	s10 =	sadd.s32 $0x1000, s10;
	_ =	sdelay $0x1  }
0x99: {  	_ =	swait.ge [sflag:s26], $0x400  }
0x9a: {  	[sflag:s26] =	ssyncset.done $0x0  }
0x9b: {  	[sflag:s26] =	ssyncadd.s32 $0xFFFFFC00  }
0x9c: {  	[bflag:$0x0] =	sbarrier.arrive $0xFFFF  }
0x9d: {  	s10 =	simm.s32 $0x0;
	s11 =	rddreg [dreg:$0x5]  }
0x9e: {  	[tilespmem:s10], [sflag:$0x5] =	stream.linear.gather [hbm4b:s11+s10], $0x50, $0x38;
	[tilespmem:$0x1E800] =	vst v63  }
0x9f: {  	s14 =	rddreg [dreg:$0x6]  }
0xa0: {  	[tilespmem:s28], [sflag:$0x9] =	stream.linear.gather [hbm4b:s14+s10], $0x50, $0x38;
	[tilespmem:$0x1E800] =	vst v63  }
0xa1: {  	_ =	swait.ge [sflag:s29], $0x50  }
0xa2: {  	[sflag:s29] =	ssyncset.done $0x0  }
0xa3: {  	[sflag:s29] =	ssyncadd.s32 $0xFFFFFFB0  }
0xa4: {  	[tilespmem:s15], [sflag:$0x1] =	stream.indirect.gather [hbm4b:s4+s30], $0x80, s10, s30, $0xb8;
	[tilespmem:$0x1E800] =	vst v63  }
0xa5: {  	s13 =	simm.s32 $0x80;
	s15 =	rddreg [dreg:$0x7]  }
0xa6: {  	[tilespmem:s13], [sflag:$0x6] =	stream.linear.gather [hbm4b:s15+s10], $0x50, $0x38;
	[tilespmem:$0x1E800] =	vst v63  }
0xa7: {  	s14 =	simm.s32 $0x280;
	s28 =	rddreg [dreg:$0x8]  }
0xa8: {  	[tilespmem:s14], [sflag:$0xA] =	stream.linear.gather [hbm4b:s28+s10], $0x50, $0x38;
	[tilespmem:$0x1E800] =	vst v63  }
0xa9: {  	_ =	swait.ge [sflag:s8], $0x50  }
0xaa: {  	[sflag:s8] =	ssyncset.done $0x0  }
0xab: {  	s15 =	simm.s32 $0x2C00;
	[sflag:s8] =	ssyncadd.s32 $0xFFFFFFB0  }
0xac: {  	[tilespmem:s15], [sflag:$0x2] =	stream.indirect.gather [hbm4b:s4+s30], $0x80, s13, s30, $0xb8;
	[tilespmem:$0x1E800] =	vst v63  }
0xad: {  	s28 =	rddreg [dreg:$0x9];
	s13 =	simm.s32 $0x100  }
0xae: {  	[tilespmem:s13], [sflag:$0x7] =	stream.linear.gather [hbm4b:s28+s10], $0x50, $0x38;
	[tilespmem:$0x1E800] =	vst v63  }
0xaf: {  	s14 =	rddreg [dreg:$0xa];
	s15 =	simm.s32 $0x300  }
0xb0: {  	[tilespmem:s15], [sflag:$0xB] =	stream.linear.gather [hbm4b:s14+s10], $0x50, $0x38;
	[tilespmem:$0x1E800] =	vst v63  }
0xb1: {  	_ =	swait.ge [sflag:s12], $0x50  }
0xb2: {  	[sflag:s12] =	ssyncset.done $0x0  }
0xb3: {  	s28 =	simm.s32 $0x5400;
	[sflag:s12] =	ssyncadd.s32 $0xFFFFFFB0  }
0xb4: {  	[tilespmem:s28], [sflag:$0x3] =	stream.indirect.gather [hbm4b:s4+s30], $0x80, s13, s30, $0xb8;
	[tilespmem:$0x1E800] =	vst v63  }
0xb5: {  	s15 =	simm.s32 $0x180;
	s14 =	rddreg [dreg:$0xb]  }
0xb6: {  	[tilespmem:s15], [sflag:$0x8] =	stream.linear.gather [hbm4b:s14+s10], $0x50, $0x38;
	[tilespmem:$0x1E800] =	vst v63  }
0xb7: {  	s28 =	rddreg [dreg:$0xc]  }
0xb8: {  	[tilespmem:s31], [sflag:$0xC] =	stream.linear.gather [hbm4b:s28+s10], $0x50, $0x38;
	[tilespmem:$0x1E800] =	vst v63  }
0xb9: {  	_ =	swait.ge [sflag:s16], $0x50  }
0xba: {  	[sflag:s16] =	ssyncset.done $0x0  }
0xbb: {  	s11 =	rddreg [dreg:$0x15];
	[sflag:s16] =	ssyncadd.s32 $0xFFFFFFB0  }
0xbc: {  	[tilespmem:s17], [sflag:$0x4] =	stream.indirect.gather [hbm4b:s4+s30], $0x80, s15, s30, $0xb8;
	[tilespmem:$0x1E800] =	vst v63  }
.LBB2_4:
0xbd: {  	_ =	swait.ge [sflag:s24], $0x2800  }
0xbe: {  	s28 =	sshrl.u32 s11, $0x3;
	[sflag:s24] =	ssyncset.done $0x0;
	s13 =	rddreg [dreg:$0x3]  }
0xbf: {  	[sflag:s24] =	ssyncadd.s32 $0xFFFFD800;
	s13 =	sadd.s32 s13, s28  }
0xc0: {  	[tilespmem:s3], [sflag:$0x5] =	stream.linear.gather [hbm4b:s13+s3], $0x50, $0x38;
	[tilespmem:$0x1E800] =	vst v63  }
0xc1: {  	_ =	swait.ge [sflag:s5], $0x50  }
0xc2: {  	[sflag:s5] =	ssyncset.done $0x0  }
0xc3: {  	s14 =	simm.s32 $0x200;
	s13 =	simm.s32 $0x400;
	[sflag:s5] =	ssyncadd.s32 $0xFFFFFFB0  }
0xc4: {  	[spmem:s1] =	stream.indirect.scatter.add.f32 [tilespmem:s13], [sflag:$0xD], $0x80, s14, s30, $0xb8;
	[tilespmem:$0x1E800] =	vst v63  }
0xc5: {  	_ =	swait.ge [sflag:s6], $0x2800  }
0xc6: {  	[sflag:s6] =	ssyncset.done $0x0  }
0xc7: {  	[sflag:s6] =	ssyncadd.s32 $0xFFFFD800  }
0xc8: {  	_ =	swait.ge [sflag:s29], $0x50  }
0xc9: {  	[sflag:s29] =	ssyncset.done $0x0  }
0xca: {  	[sflag:s29] =	ssyncadd.s32 $0xFFFFFFB0  }
0xcb: {  	[tilespmem:s13], [sflag:$0x1] =	stream.indirect.gather [hbm4b:s4+s30], $0x80, s3, s30, $0xb8;
	[tilespmem:$0x1E800] =	vst v63  }
0xcc: {  	p0 =	seq.s32 s10, $0x4B0;
	s13 =	rddreg [dreg:$0x4]  }
.Ltmp3:
0xcd: {  	s13 =	sadd.s32 s13, s28;
	(pc) =	sbr.rel @p0 .LBB2_6-.Ltmp3, $4  }
0xce: {  	[tilespmem:s14], [sflag:$0x9] =	stream.linear.gather [hbm4b:s13+s3], $0x50, $0x38;
	[tilespmem:$0x1E800] =	vst v63  }
0xcf: {  	_ =	swait.ge [sflag:s18], $0x2800  }
0xd0: {  	[sflag:s18] =	ssyncset.done $0x0  }
0xd1: {  	s15 =	simm.s32 $0x400;
	s28 =	simm.s32 $0x200;
	[sflag:s18] =	ssyncadd.s32 $0xFFFFD800  }
0xd2: {  	s13 =	rddreg [dreg:$0x14]  }
0xd3: {  	s14 =	simm.s32 $0x80;
	s13 =	sadd.s32 s10, s13  }
0xd4: {  	[tilespmem:s14], [sflag:$0x6] =	stream.linear.gather [hbm4b:s13+s3], $0x50, $0x38;
	[tilespmem:$0x1E800] =	vst v63  }
0xd5: {  	_ =	swait.ge [sflag:s19], $0x50  }
0xd6: {  	[sflag:s19] =	ssyncset.done $0x0  }
0xd7: {  	s28 =	simm.s32 $0x280;
	s17 =	simm.s32 $0x2C00;
	[sflag:s19] =	ssyncadd.s32 $0xFFFFFFB0  }
0xd8: {  	[spmem:s1] =	stream.indirect.scatter.add.f32 [tilespmem:s17], [sflag:$0xE], $0x80, s28, s30, $0xb8;
	[tilespmem:$0x1E800] =	vst v63  }
0xd9: {  	_ =	swait.ge [sflag:s20], $0x2800  }
0xda: {  	[sflag:s20] =	ssyncset.done $0x0  }
0xdb: {  	[sflag:s20] =	ssyncadd.s32 $0xFFFFD800  }
0xdc: {  	_ =	swait.ge [sflag:s8], $0x50  }
0xdd: {  	[sflag:s8] =	ssyncset.done $0x0  }
0xde: {  	[sflag:s8] =	ssyncadd.s32 $0xFFFFFFB0  }
0xdf: {  	[tilespmem:s17], [sflag:$0x2] =	stream.indirect.gather [hbm4b:s4+s30], $0x80, s14, s30, $0xb8;
	[tilespmem:$0x1E800] =	vst v63  }
0xe0: {  	s14 =	rddreg [dreg:$0x13]  }
0xe1: {  	s13 =	sadd.s32 s10, s14  }
0xe2: {  	[tilespmem:s28], [sflag:$0xA] =	stream.linear.gather [hbm4b:s13+s3], $0x50, $0x38;
	[tilespmem:$0x1E800] =	vst v63  }
0xe3: {  	_ =	swait.ge [sflag:s21], $0x2800  }
0xe4: {  	[sflag:s21] =	ssyncset.done $0x0;
	s15 =	rddreg [dreg:$0x12]  }
0xe5: {  	s17 =	simm.s32 $0x100;
	[sflag:s21] =	ssyncadd.s32 $0xFFFFD800;
	s13 =	sadd.s32 s10, s15  }
0xe6: {  	[tilespmem:s17], [sflag:$0x7] =	stream.linear.gather [hbm4b:s13+s3], $0x50, $0x38;
	[tilespmem:$0x1E800] =	vst v63  }
0xe7: {  	_ =	swait.ge [sflag:s22], $0x50  }
0xe8: {  	[sflag:s22] =	ssyncset.done $0x0  }
0xe9: {  	s28 =	simm.s32 $0x5400;
	s15 =	simm.s32 $0x300;
	[sflag:s22] =	ssyncadd.s32 $0xFFFFFFB0  }
0xea: {  	[spmem:s1] =	stream.indirect.scatter.add.f32 [tilespmem:s28], [sflag:$0xF], $0x80, s15, s30, $0xb8;
	[tilespmem:$0x1E800] =	vst v63  }
0xeb: {  	_ =	swait.ge [sflag:s23], $0x2800  }
0xec: {  	[sflag:s23] =	ssyncset.done $0x0  }
0xed: {  	[sflag:s23] =	ssyncadd.s32 $0xFFFFD800  }
0xee: {  	_ =	swait.ge [sflag:s12], $0x50  }
0xef: {  	[sflag:s12] =	ssyncset.done $0x0  }
0xf0: {  	s14 =	rddreg [dreg:$0x11];
	[sflag:s12] =	ssyncadd.s32 $0xFFFFFFB0  }
0xf1: {  	[tilespmem:s28], [sflag:$0x3] =	stream.indirect.gather [hbm4b:s4+s30], $0x80, s17, s30, $0xb8;
	[tilespmem:$0x1E800] =	vst v63  }
0xf2: {  	s13 =	sadd.s32 s10, s14  }
0xf3: {  	[tilespmem:s15], [sflag:$0xB] =	stream.linear.gather [hbm4b:s13+s3], $0x50, $0x38;
	[tilespmem:$0x1E800] =	vst v63  }
0xf4: {  	_ =	swait.ge [sflag:s0], $0x2800  }
0xf5: {  	[sflag:s0] =	ssyncset.done $0x0;
	s17 =	rddreg [dreg:$0x10]  }
0xf6: {  	s14 =	simm.s32 $0x180;
	[sflag:s0] =	ssyncadd.s32 $0xFFFFD800;
	s13 =	sadd.s32 s10, s17  }
0xf7: {  	[tilespmem:s14], [sflag:$0x8] =	stream.linear.gather [hbm4b:s13+s3], $0x50, $0x38;
	[tilespmem:$0x1E800] =	vst v63  }
0xf8: {  	_ =	swait.ge [sflag:s2], $0x50  }
0xf9: {  	[sflag:s2] =	ssyncset.done $0x0  }
0xfa: {  	s28 =	simm.s32 $0x7C00;
	s15 =	simm.s32 $0x380;
	[sflag:s2] =	ssyncadd.s32 $0xFFFFFFB0  }
0xfb: {  	[spmem:s1] =	stream.indirect.scatter.add.f32 [tilespmem:s28], [sflag:$0x10], $0x80, s15, s30, $0xb8;
	[tilespmem:$0x1E800] =	vst v63  }
0xfc: {  	_ =	swait.ge [sflag:s9], $0x2800  }
0xfd: {  	[sflag:s9] =	ssyncset.done $0x0  }
0xfe: {  	[sflag:s9] =	ssyncadd.s32 $0xFFFFD800  }
0xff: {  	_ =	swait.ge [sflag:s16], $0x50  }
0x100: {  	[sflag:s16] =	ssyncset.done $0x0  }
.Ltmp4:
0x101: {  	[sflag:s16] =	ssyncadd.s32 $0xFFFFFFB0;
	(pc) =	sbr.rel .LBB2_4-.Ltmp4, $4  }
0x102: {  	[tilespmem:s28], [sflag:$0x4] =	stream.indirect.gather [hbm4b:s4+s30], $0x80, s14, s30, $0xb8;
	[tilespmem:$0x1E800] =	vst v63  }
0x103: {  	s31 =	simm.s32 $0x380;
	s11 =	sadd.s32 $0x140, s11;
	s28 =	rddreg [dreg:$0xf]  }
0x104: {  	s17 =	simm.s32 $0x7C00;
	s13 =	sadd.s32 s10, s28;
	s10 =	sadd.s32 $0x28, s10  }
0x105: {  	[tilespmem:s15], [sflag:$0xC] =	stream.linear.gather [hbm4b:s13+s3], $0x50, $0x38;
	[tilespmem:$0x1E800] =	vst v63  }
.LBB2_7:
0x106: {  	_ =	sfence.sel $0x180000  }
0x107: {  	[bflag:$0x0] =	sbarrier.arrive $0xFFFF  }
0x108: {  	_ =	strace $0x9000004A  }
0x109: {  	s0 =	stileid.u32;
	[bflag:$0x2] =	sbarrier.arrive $0xFFFF  }
0x10a: {  	p0 =	sne.s32 s0, $0x0;
	s0 =	rddreg [dreg:$0x2]  }
0x10b: {  	s0 =	sadd.s32 @!p0 $0x100000, s0  }
0x10c: {  	[sflag:s0] =	ssyncadd.tile.s32 @!p0 $0x1;
	_ =	shalt  }
.Lfunc_end2:
_tile_overlayer_lowered:
.L_overlay_start_2:
0x10d: {  	(tag) =	ssettag $0x2  }
0x10e: {  	s0 =	rddreg [dreg:$0x0];
	s2 =	stileid.u32  }
0x10f: {  	s1 =	rddreg [dreg:$0x1];
	p0 =	sne.s32 s2, $0x0  }
0x110: {  	s3 =	rddreg [dreg:$0x2];
	[bflag:$0x3] =	sbarrier.arrive $0xFFFF;
	s2 =	simm.s32 @!p0 $0x1C11  }
0x111: {  	[timem:s3], [sflag:s2] =	dma.local @!p0 [hbm:s0], s1  }
0x112: {  	s0 =	simm.s32 @!p0 $0x11  }
0x113: {  	_ =	swait.ge @!p0 [sflag:s0], s1  }
0x114: {  	s1 =	ssub.s32 @!p0 $0x0, s1;
	[sflag:s0] =	ssyncset.done @!p0 $0x0  }
0x115: {  	[sflag:s0] =	ssyncadd.s32 @!p0 s1  }
0x116: {  	[bflag:$0x3] =	sbarrier.arrive $0xFFFF  }
0x117: {  	_ =	shalt  }

// kernel: kernel.14.cloned.1.call-start
scs
__scs_entry_jumppad:
0x0: {  	(pc) =	sbr.rel $0x88, $3  }
0x1: {  	(tag) =	ssettag $0x0;
	lr =	simm.s32 $0x1  }
0x2: {  	[smem:$0x3F98] =	sst lr;
	_ =	strace $0xD0000000  }
0x3: {  	_ = 	snop  }
0x4: {  	_ = 	snop  }
0x5: {  	_ = 	snop  }
0x6: {  	_ = 	snop  }
0x7: {  	_ = 	snop  }
__scs_overlays_trampoline_lowered:
0x8: {  	[smem:$0x3FA7] =	sst s0  }
0x9: {  	[smem:$0x3FA8] =	sst s1  }
0xa: {  	[smem:$0x3FA9] =	sst s2  }
0xb: {  	[smem:$0x3FAA] =	sst s3  }
0xc: {  	[smem:$0x3FAB] =	sst s4  }
0xd: {  	[smem:$0x3FAC] =	sst s5  }
0xe: {  	[smem:$0x3FAD] =	sst s6  }
0xf: {  	[smem:$0x3FAE] =	sst s7  }
0x10: {  	[smem:$0x3FAF] =	sst s8  }
0x11: {  	[smem:$0x3FB0] =	sst s9;
	s0 =	simm.s32 @!p0 $0x0  }
0x12: {  	s1 =	sld [smem:$0x3F96];
	s0 =	simm.s32 @p0 $0x1  }
0x13: {  	[smem:$0x3FB1] =	sst s0;
	s0 =	simm.s32 @!p1 $0x0  }
0x14: {  	s2 =	sld [smem:$0x3F95];
	s0 =	simm.s32 @p1 $0x1  }
0x15: {  	[smem:$0x3FB2] =	sst s0;
	s0 =	simm.s32 @!p2 $0x0  }
0x16: {  	s3 =	sld [smem:$0x3FDB];
	s0 =	simm.s32 @p2 $0x1  }
0x17: {  	s4 =	simm.s32 $0x1BF5;
	[smem:$0x3FB4] =	sst s0  }
0x18: {  	s0 =	sld [smem:$0x3F97];
	_ =	swait.ge [sflag:s4], $0x0  }
0x19: {  	s7 =	sld [smem:$0x3F98]  }
0x1a: {  	s8 =	sadd.s32 $0xFFFFE003, lr  }
0x1b: {  	s9 =	sadd.s32 $0xFFFFFEF7, lr;
	s5 =	simm.s32 $0xFFFFFFFF;
	p2 =	slt.u32 s8, $0xFFFFF086  }
0x1c: {  	p1 =	slt.u32 s9, $0xF7A;
	s5 =	simm.s32 @!p2 $0x0  }
0x1d: {  	s5 =	simm.s32 @p1 $0x1;
	p0 =	seq.s32 s7, s2  }
0x1e: {  	s7 =	smul.u32 @!p0 $0xF7A, s2;
	p2 =	seq.s32 @!p0 s5, $0x0  }
0x1f: {  	s9 =	smul.u32 $0xF7A, s1;
	s8 =	simm.s32 @!p0 $0x1BF5;
	p2 =	por !p2, p0  }
0x20: {  	[sflag:s8] =	ssyncset.s32 @!p0 $0xFFFFF086;
	s6 =	sadd.s32 @!p0 s3, s7;
	s7 =	simm.s32 @!p0 $0x108  }
0x21: {  	s3 =	sadd.s32 s3, s9;
	s6 =	sadd.s32 @!p0 $0x88, s6;
	s7 =	simm.s32 @p2 $0x1082  }
0x22: {  	[simem:s7], [sflag:s8] =	dma.local @!p0 [hbm:s6], $0xF7A  }
0x23: {  	s9 =	sor.u32 $0xD0000000, s2;
	s6 =	simm.s32 $0x108;
	_ =	swait.ge @!p0 [sflag:s8], $0x0  }
0x24: {  	s3 =	sadd.s32 $0x88, s3;
	s6 =	simm.s32 @!p1 $0x1082;
	[sflag:s4] =	ssyncset.s32 $0xFFFFF086  }
0x25: {  	[simem:s6], [sflag:s4] =	dma.local [hbm:s3], $0xF7A  }
0x26: {  	[smem:$0x3F98] =	sst s1;
	(tag) =	ssettag s2;
	_ =	strace s9  }
0x27: {  	s1 =	sld [smem:$0x3FA8]  }
0x28: {  	s2 =	sld [smem:$0x3FA9]  }
0x29: {  	s4 =	sld [smem:$0x3FAB]  }
0x2a: {  	p0 =	seq.s32 s5, $0x0;
	s5 =	sld [smem:$0x3FAC]  }
0x2b: {  	s6 =	sld [smem:$0x3FAD]  }
0x2c: {  	s7 =	sld [smem:$0x3FAE]  }
0x2d: {  	s3 =	simm.s32 $0x108;
	s8 =	sld [smem:$0x3FAF]  }
0x2e: {  	s3 =	simm.s32 @!p0 $0x1082;
	s9 =	sld [smem:$0x3FB0]  }
0x2f: {  	lr =	sadd.s32 s0, s3;
	s0 =	sld [smem:$0x3FA7]  }
0x30: {  	s3 =	sld [smem:$0x3FAA]  }
0x31: {  	[smem:$0x3FB3] =	sst s10  }
0x32: {  	s10 =	sld [smem:$0x3FB1];
	_ =	sdelay $0x3  }
0x33: {  	p0 =	seq.s32 s10, $0x1;
	s10 =	sld [smem:$0x3FB3];
	_ =	sdelay $0x3  }
0x34: {  	[smem:$0x3FB3] =	sst s10  }
0x35: {  	s10 =	sld [smem:$0x3FB2];
	_ =	sdelay $0x3  }
0x36: {  	p1 =	seq.s32 s10, $0x1;
	s10 =	sld [smem:$0x3FB3];
	_ =	sdelay $0x3  }
0x37: {  	[smem:$0x3FB3] =	sst s10  }
0x38: {  	s10 =	sld [smem:$0x3FB4]  }
0x39: {  	_ = 	snop;
	(pc) =	sbr.ind lr, $3  }
0x3a: {  	_ = 	snop  }
0x3b: {  	_ = 	snop  }
0x3c: {  	p2 =	seq.s32 s10, $0x1;
	s10 =	sld [smem:$0x3FB3]  }
0x3d: {  	_ =	shalt  }
0x3e: {  	_ =	shalt  }
0x3f: {  	_ =	shalt  }
0x40: {  	_ =	shalt  }
0x41: {  	_ =	shalt  }
0x42: {  	_ =	shalt  }
0x43: {  	_ =	shalt  }
0x44: {  	_ =	shalt  }
0x45: {  	_ =	shalt  }
0x46: {  	_ =	shalt  }
0x47: {  	_ =	shalt  }
0x48: {  	_ =	shalt  }
0x49: {  	_ =	shalt  }
0x4a: {  	_ =	shalt  }
0x4b: {  	_ =	shalt  }
0x4c: {  	_ =	shalt  }
0x4d: {  	_ =	shalt  }
0x4e: {  	_ =	shalt  }
0x4f: {  	_ =	shalt  }
0x50: {  	_ =	shalt  }
0x51: {  	_ =	shalt  }
0x52: {  	_ =	shalt  }
0x53: {  	_ =	shalt  }
0x54: {  	_ =	shalt  }
0x55: {  	_ =	shalt  }
0x56: {  	_ =	shalt  }
0x57: {  	_ =	shalt  }
0x58: {  	_ =	shalt  }
0x59: {  	_ =	shalt  }
0x5a: {  	_ =	shalt  }
0x5b: {  	_ =	shalt  }
0x5c: {  	_ =	shalt  }
0x5d: {  	_ =	shalt  }
0x5e: {  	_ =	shalt  }
0x5f: {  	_ =	shalt  }
0x60: {  	_ =	shalt  }
0x61: {  	_ =	shalt  }
0x62: {  	_ =	shalt  }
0x63: {  	_ =	shalt  }
0x64: {  	_ =	shalt  }
0x65: {  	_ =	shalt  }
0x66: {  	_ =	shalt  }
0x67: {  	_ =	shalt  }
0x68: {  	_ =	shalt  }
0x69: {  	_ =	shalt  }
0x6a: {  	_ =	shalt  }
0x6b: {  	_ =	shalt  }
0x6c: {  	_ =	shalt  }
0x6d: {  	_ =	shalt  }
0x6e: {  	_ =	shalt  }
0x6f: {  	_ =	shalt  }
0x70: {  	_ =	shalt  }
0x71: {  	_ =	shalt  }
0x72: {  	_ =	shalt  }
0x73: {  	_ =	shalt  }
0x74: {  	_ =	shalt  }
0x75: {  	_ =	shalt  }
0x76: {  	_ =	shalt  }
0x77: {  	_ =	shalt  }
0x78: {  	_ =	shalt  }
0x79: {  	_ =	shalt  }
0x7a: {  	_ =	shalt  }
0x7b: {  	_ =	shalt  }
0x7c: {  	_ =	shalt  }
0x7d: {  	_ =	shalt  }
0x7e: {  	_ =	shalt  }
0x7f: {  	_ =	shalt  }
0x80: {  	_ =	shalt  }
0x81: {  	_ =	shalt  }
0x82: {  	_ =	shalt  }
0x83: {  	_ =	shalt  }
0x84: {  	_ =	shalt  }
0x85: {  	_ =	shalt  }
0x86: {  	_ =	shalt  }
0x87: {  	_ =	shalt  }
.Lfunc_end0:
.L_simem_size_0:
called_computation.2_lowered:
.L_overlay_start_0:
0x88: {  	s2 =	sld [smem:$0x3FD9]  }
0x89: {  	s3 =	sld [smem:$0x3FFE];
	_ =	sdelay $0x1  }
0x8a: {  	s1 =	srdreg.scid  }
0x8b: {  	s0 =	sand.u32 $0x1, s1  }
0x8c: {  	s16 =	sshll.u32 s0, $0xA;
	s2 =	sadd.s32 s3, s2  }
0x8d: {  	s2 =	sadd.s32 s2, s16  }
0x8e: {  	[smem:$0x3FBF] =	sst s2  }
0x8f: {  	_ = 	snop  }
0x90: {  	(tm) =	ssettm $0x1  }
0x91: {  	s17 =	sld [smem:$0x3FFB];
	_ =	sdelay $0x3  }
0x92: {  	_ =	strace s17  }
0x93: {  	s2 =	sld [smem:$0x3FFC];
	_ =	sdelay $0x3  }
0x94: {  	_ =	strace s2  }
0x95: {  	s2 =	sld [smem:$0x3FFD];
	_ =	sdelay $0x3  }
0x96: {  	_ =	strace s2  }
0x97: {  	_ =	strace $0x8FFFFFFF  }
0x98: {  	s18 =	sld [smem:$0x3FDB];
	_ =	sdelay $0x1  }
0x99: {  	s19 =	simm.s32 $_scs_section_size  }
0x9a: {  	s4 =	simm.s32 $_size__tile_overlayer_lowered;
	s5 =	simm.s32 $_tile_overlayer_lowered  }
0x9b: {  	s22 =	simm.s32 $0x1BFF;
	s21 =	sshll.u32 s5, $0x1;
	s2 =	sadd.s32 s19, s18  }
0x9c: {  	s6 =	simm.s32 $0x0;
	s20 =	sshll.u32 s4, $0x1;
	s4 =	sadd.s32 s21, s2  }
0x9d: {  	[timem:s6], [sflag:s22] =	dma.local [hbm:s4], s20  }
0x9e: {  	_ =	swait.ge [sflag:s22], s20  }
0x9f: {  	s3 =	ssub.s32 $0x0, s20;
	[sflag:s22] =	ssyncset.done $0x0  }
0xa0: {  	[sflag:s22] =	ssyncadd.s32 s3;
	_ =	sdelay $0x1  }
0xa1: {  	s23 =	simm.s32 $0x1B8B  }
0xa2: {  	_ =	swait.ge [sflag:s23], $0x1  }
0xa3: {  	[sflag:s23] =	ssyncset.done $0x0  }
0xa4: {  	s25 =	simm.s32 $0x1B8E;
	s24 =	sld [smem:$0x3FFE];
	[sflag:s23] =	ssyncadd.s32 $0xFFFFFFFF  }
0xa5: {  	s26 =	simm.s32 $execute0_lowered;
	[smem:$0x3FD2] =	sst s25  }
0xa6: {  	s4 =	sshll.u32 s26, $0x1;
	_ =	strace $0x8000004C;
	[dreg:$0x1] =	wrdreg $0xFFFFFFFF  }
0xa7: {  	s28 =	simm.s32 $_size_execute0_lowered;
	s2 =	sadd.s32 s2, s4;
	[dreg:$0x0] =	wrdreg $0x0  }
0xa8: {  	s4 =	sshll.u32 s28, $0x1;
	[dreg:$0x2] =	wrdreg s2  }
0xa9: {  	[dreg:$0x3] =	wrdreg s4  }
0xaa: {  	[dreg:$0x4] =	wrdreg $0xC0  }
0xab: {  	_ =	task [dreg:s6], $0x5FFFF  }
0xac: {  	[dreg:$0x1] =	wrdreg $0xFFFFFFFF  }
0xad: {  	[dreg:$0x0] =	wrdreg $0x60  }
0xae: {  	[dreg:$0x2] =	wrdreg s24  }
0xaf: {  	[dreg:$0x3] =	wrdreg $0xA8000  }
0xb0: {  	[dreg:$0x4] =	wrdreg $0x9  }
0xb1: {  	_ =	task.clear_ibuf [dreg:s6], $0x5FFFF;
	_ =	strace $0x9000004C  }
0xb2: {  	s29 =	simm.s32 $0x9;
	_ =	strace $0x8000004E  }
0xb3: {  	_ =	swait.ge [sflag:s29], $0x1  }
0xb4: {  	[sflag:s29] =	ssyncadd.s32 $0xFFFFFFFF  }
0xb5: {  	_ =	strace $0x9000004E  }
0xb6: {  	_ =	sfence  }
0xb7: {  	s30 =	sld [smem:$0x0];
	_ =	sdelay $0x2  }
0xb8: {  	s31 =	sshll.u32 s1, $0xD;
	s1 =	sshrl.u32 s1, $0x2  }
0xb9: {  	s3 =	sand.u32 $0x4000, s31;
	s1 =	sadd.s32 s1, s30  }
0xba: {  	s0 =	sor.u32 s3, s0;
	s1 =	sshll.u32 s1, $0x11  }
0xbb: {  	s0 =	sor.u32 s1, s0  }
0xbc: {  	s0 =	sadd.s32 $0x8F2B, s0  }
0xbd: {  	[sflag:s0] =	ssyncadd.remote.s32 $0x1  }
0xbe: {  	_ =	sfence.sel $0xFFFF  }
0xbf: {  	[dreg:$0x0] =	wrdreg $0xFFFFFFFF;
	(pc) =	sbr.abs _section_cstart, $3  }
0xc0: {  	[dreg:$0x1] =	wrdreg $0xFFFFFFFF  }
0xc1: {  	_ =	task.clear_ibuf [dreg:s6], $0x2FFFF;
	_ =	strace $0x9FFFFFFF  }
0xc2: {  	(tm) =	ssettm $0x7FFFFFFF  }
0xc3: {  	_ =	shalt  }
tec
execute0_lowered:
.L_overlay_start_1:
0x0: {  	(tag) =	ssettag $0x1  }
0x1: {  	s0 =	rddreg [dreg:$0x0]  }
0x2: {  	s1 =	rddreg [dreg:$0x1];
	s3 =	simm.s32 $0x0  }
0x3: {  	s2 =	srdreg.scid;
	s9 =	stileid.u32;
	s28 =	simm.s32 $0x200  }
0x4: {  	s29 =	simm.s32 $0x5;
	s30 =	simm.s32 $0x50;
	s31 =	simm.s32 $0x380  }
0x5: {  	[smem:$0x7FF] =	sst s3;
	s2 =	sand.u32 $0x1, s2;
	s6 =	smul.u32 $0x14000, s9  }
0x6: {  	s4 =	sadd.s32 $0x16A00, s0;
	s11 =	sadd.s32 $0x2E00, s0;
	s20 =	smul.u32 $0x50000, s9  }
0x7: {  	s12 =	sadd.s32 $0xCC00, s0;
	s7 =	sshll.u32 s9, $0x1;
	s24 =	smul.u32 $0x4E20, s9  }
0x8: {  	s5 =	smul.u32 $0x140000, s2;
	_ =	strace $0x8000004D;
	s19 =	sor.u32 s2, s7  }
0x9: {  	s8 =	ssub.s32 $0x2, s2;
	s2 =	smul.u32 $0x2710, s2;
	[dreg:$0x4] =	wrdreg s12  }
0xa: {  	[dreg:$0x3] =	wrdreg s11;
	s21 =	sshrl.u32 s8, $0x1;
	s7 =	sshrl.u32 s20, $0x2  }
0xb: {  	s5 =	sadd.s32 s6, s5;
	s6 =	smul.u32 $0x2710, s19;
	s2 =	sadd.s32 s2, s24  }
0xc: {  	s7 =	sadd.s32 s7, s1;
	s5 =	sshrl.u32 s5, $0x3;
	s15 =	sadd.s32 $0x230, s2  }
0xd: {  	s19 =	sadd.s32 $0x1E0, s2;
	s20 =	sadd.s32 $0x190, s2;
	s0 =	sadd.s32 s5, s0  }
0xe: {  	s5 =	ssub.s32 s8, s21;
	s6 =	sshrl.u32 s6, $0x3;
	s17 =	sshrl.u32 s15, $0x3  }
0xf: {  	s21 =	sshrl.u32 s19, $0x3;
	s15 =	simm.s32 $0x400;
	s22 =	sadd.s32 s11, s6  }
0x10: {  	s8 =	simm.s32 $0x6;
	s23 =	sadd.s32 s12, s6;
	[dreg:$0x5] =	wrdreg s22  }
0x11: {  	s19 =	simm.s32 $0xA;
	s0 =	sadd.s32 $0x3EA00, s0;
	[dreg:$0x6] =	wrdreg s23  }
0x12: {  	s25 =	sadd.s32 $0xA, s6;
	s16 =	smax.u32 s5, $0x1;
	[dreg:$0xd] =	wrdreg s0  }
0x13: {  	s10 =	sadd.s32 $0x14, s6;
	s18 =	sadd.s32 s17, s12;
	[dreg:$0xe] =	wrdreg s16  }
0x14: {  	s6 =	sadd.s32 $0x1E, s6;
	s13 =	sadd.s32 s11, s25;
	[dreg:$0xf] =	wrdreg s18  }
0x15: {  	s5 =	simm.s32 $0x9;
	s9 =	sadd.s32 s12, s25;
	[dreg:$0x7] =	wrdreg s13  }
0x16: {  	s26 =	sadd.s32 s11, s10;
	s14 =	sadd.s32 s11, s6;
	[dreg:$0x8] =	wrdreg s9  }
0x17: {  	s6 =	sadd.s32 s12, s6;
	s0 =	sadd.s32 s17, s11;
	[dreg:$0x9] =	wrdreg s26  }
0x18: {  	s22 =	sshrl.u32 s20, $0x3;
	s23 =	sadd.s32 s21, s12;
	[dreg:$0xb] =	wrdreg s14  }
0x19: {  	s16 =	simm.s32 $0x8;
	s17 =	simm.s32 $0x7C00;
	[dreg:$0xc] =	wrdreg s6  }
0x1a: {  	s18 =	simm.s32 $0x2;
	s20 =	simm.s32 $0xE;
	[dreg:$0x10] =	wrdreg s0  }
0x1b: {  	s13 =	sadd.s32 s12, s10;
	[dreg:$0x11] =	wrdreg s23;
	s0 =	sadd.s32 s21, s11  }
0x1c: {  	s24 =	sadd.s32 s22, s12;
	s25 =	sadd.s32 s22, s11;
	s26 =	sadd.s32 $0x140, s2  }
0x1d: {  	s12 =	simm.s32 $0x7;
	s6 =	simm.s32 $0xD;
	[dreg:$0xa] =	wrdreg s13  }
.Ltmp0:
0x1e: {  	s21 =	simm.s32 $0x3;
	[dreg:$0x12] =	wrdreg s0;
	(pc) =	sbr.rel .LBB2_1-.Ltmp0, $4  }
0x1f: {  	s22 =	simm.s32 $0xB;
	s23 =	simm.s32 $0xF;
	[dreg:$0x13] =	wrdreg s24  }
0x20: {  	s2 =	simm.s32 $0xC;
	s9 =	simm.s32 $0x10;
	[dreg:$0x14] =	wrdreg s25  }
0x21: {  	s11 =	simm.s32 $0x0;
	[dreg:$0x15] =	wrdreg s26;
	s25 =	simm.s32 $0xA400  }
0x22: {  	v0 =	vimm.f32 $0.0e+00;
	s26 =	simm.s32 $0x11;
	s24 =	simm.s32 $0x1;
	s0 =	simm.s32 $0x4  }
.LBB2_6:
0x23: {  	_ =	swait.ge [sflag:s19], $0x50  }
0x24: {  	[sflag:s19] =	ssyncset.done $0x0  }
0x25: {  	s10 =	simm.s32 $0x2C00;
	s11 =	simm.s32 $0x280;
	[sflag:s19] =	ssyncadd.s32 $0xFFFFFFB0  }
0x26: {  	[spmem:s1] =	stream.indirect.scatter.add.f32 [tilespmem:s10], [sflag:$0xE], $0x80, s11, s30, $0xb8;
	[tilespmem:$0x1E800] =	vst v63  }
0x27: {  	_ =	swait.ge [sflag:s20], $0x2800  }
0x28: {  	[sflag:s20] =	ssyncset.done $0x0  }
0x29: {  	[sflag:s20] =	ssyncadd.s32 $0xFFFFD800  }
0x2a: {  	_ =	swait.ge [sflag:s21], $0x2800  }
0x2b: {  	[sflag:s21] =	ssyncset.done $0x0  }
0x2c: {  	[sflag:s21] =	ssyncadd.s32 $0xFFFFD800  }
0x2d: {  	_ =	swait.ge [sflag:s22], $0x50  }
0x2e: {  	[sflag:s22] =	ssyncset.done $0x0  }
0x2f: {  	s13 =	simm.s32 $0x5400;
	s14 =	simm.s32 $0x300;
	[sflag:s22] =	ssyncadd.s32 $0xFFFFFFB0  }
0x30: {  	[spmem:s1] =	stream.indirect.scatter.add.f32 [tilespmem:s13], [sflag:$0xF], $0x80, s14, s30, $0xb8;
	[tilespmem:$0x1E800] =	vst v63  }
0x31: {  	_ =	swait.ge [sflag:s23], $0x2800  }
0x32: {  	[sflag:s23] =	ssyncset.done $0x0  }
0x33: {  	[sflag:s23] =	ssyncadd.s32 $0xFFFFD800  }
0x34: {  	_ =	swait.ge [sflag:s0], $0x2800  }
0x35: {  	[sflag:s0] =	ssyncset.done $0x0  }
0x36: {  	[sflag:s0] =	ssyncadd.s32 $0xFFFFD800  }
0x37: {  	_ =	swait.ge [sflag:s2], $0x50  }
0x38: {  	[sflag:s2] =	ssyncset.done $0x0  }
0x39: {  	[sflag:s2] =	ssyncadd.s32 $0xFFFFFFB0  }
0x3a: {  	[spmem:s1] =	stream.indirect.scatter.add.f32 [tilespmem:s17], [sflag:$0x10], $0x80, s31, s30, $0xb8;
	[tilespmem:$0x1E800] =	vst v63  }
0x3b: {  	_ =	swait.ge [sflag:s9], $0x2800  }
0x3c: {  	[sflag:s9] =	ssyncset.done $0x0  }
0x3d: {  	[sflag:s9] =	ssyncadd.s32 $0xFFFFD800  }
0x3e: {  	_ =	swait.ge [sflag:s24], $0x2800  }
0x3f: {  	[sflag:s24] =	ssyncset.done $0x0  }
0x40: {  	[sflag:s24] =	ssyncadd.s32 $0xFFFFD800  }
0x41: {  	_ =	swait.ge [sflag:s5], $0x50  }
0x42: {  	[sflag:s5] =	ssyncset.done $0x0  }
0x43: {  	[sflag:s5] =	ssyncadd.s32 $0xFFFFFFB0  }
0x44: {  	[spmem:s1] =	stream.indirect.scatter.add.f32 [tilespmem:s15], [sflag:$0xD], $0x80, s28, s30, $0xb8;
	[tilespmem:$0x1E800] =	vst v63  }
0x45: {  	_ =	swait.ge [sflag:s6], $0x2800  }
0x46: {  	[sflag:s6] =	ssyncset.done $0x0  }
0x47: {  	s13 =	stileid.u32;
	[sflag:s6] =	ssyncadd.s32 $0xFFFFD800  }
0x48: {  	s10 =	sshll.u32 s13, $0x6;
	[bflag:$0x0] =	sbarrier.arrive $0xFFFF  }
0x49: {  	s14 =	sshrl.u32 s7, $0x3;
	s10 =	sor.u32 $0x1C11, s10;
	s13 =	rddreg [dreg:$0xd]  }
0x4a: {  	[hbm:s13], [sflag:s10] =	dma.local [spmem:s14], $0x2800  }
0x4b: {  	_ =	swait.ge [sflag:s26], $0x2800  }
0x4c: {  	s13 =	rddreg [dreg:$0x16]  }
0x4d: {  	s14 =	rddreg [dreg:$0xe];
	s11 =	sadd.s32 $0x1, s13  }
0x4e: {  	p0 =	sne.s32 s11, s14  }
.Ltmp1:
0x4f: {  	_ = 	snop;
	(pc) =	sbr.rel @!p0 .LBB2_7-.Ltmp1, $3  }
0x50: {  	_ =	sdelay $0x1  }
0x51: {  	[sflag:s26] =	ssyncset.done $0x0  }
0x52: {  	[sflag:s26] =	ssyncadd.s32 $0xFFFFD800  }
.LBB2_1:
0x53: {  	[tilespmem:$0xA400] =	vst v0  }
0x54: {  	[tilespmem:$0xA410] =	vst v0  }
0x55: {  	[tilespmem:$0xA420] =	vst v0  }
0x56: {  	[tilespmem:$0xA430] =	vst v0  }
0x57: {  	[tilespmem:$0xA440] =	vst v0  }
0x58: {  	[tilespmem:$0xA450] =	vst v0  }
0x59: {  	[tilespmem:$0xA460] =	vst v0  }
0x5a: {  	[tilespmem:$0xA470] =	vst v0  }
0x5b: {  	[tilespmem:$0xA480] =	vst v0  }
0x5c: {  	[tilespmem:$0xA490] =	vst v0  }
0x5d: {  	[tilespmem:$0xA4A0] =	vst v0  }
0x5e: {  	[tilespmem:$0xA4B0] =	vst v0  }
0x5f: {  	[tilespmem:$0xA4C0] =	vst v0  }
0x60: {  	[tilespmem:$0xA4D0] =	vst v0  }
0x61: {  	[tilespmem:$0xA4E0] =	vst v0  }
0x62: {  	[tilespmem:$0xA4F0] =	vst v0  }
0x63: {  	[tilespmem:$0xA500] =	vst v0  }
0x64: {  	[tilespmem:$0xA510] =	vst v0  }
0x65: {  	[tilespmem:$0xA520] =	vst v0  }
0x66: {  	[tilespmem:$0xA530] =	vst v0  }
0x67: {  	[tilespmem:$0xA540] =	vst v0  }
0x68: {  	[tilespmem:$0xA550] =	vst v0  }
0x69: {  	[tilespmem:$0xA560] =	vst v0  }
0x6a: {  	[tilespmem:$0xA570] =	vst v0  }
0x6b: {  	[tilespmem:$0xA580] =	vst v0  }
0x6c: {  	[tilespmem:$0xA590] =	vst v0  }
0x6d: {  	[tilespmem:$0xA5A0] =	vst v0  }
0x6e: {  	[tilespmem:$0xA5B0] =	vst v0  }
0x6f: {  	[tilespmem:$0xA5C0] =	vst v0  }
0x70: {  	[tilespmem:$0xA5D0] =	vst v0  }
0x71: {  	[tilespmem:$0xA5E0] =	vst v0  }
0x72: {  	[tilespmem:$0xA5F0] =	vst v0  }
0x73: {  	[tilespmem:$0xA600] =	vst v0  }
0x74: {  	[tilespmem:$0xA610] =	vst v0  }
0x75: {  	[tilespmem:$0xA620] =	vst v0  }
0x76: {  	[tilespmem:$0xA630] =	vst v0  }
0x77: {  	[tilespmem:$0xA640] =	vst v0  }
0x78: {  	[tilespmem:$0xA650] =	vst v0  }
0x79: {  	[tilespmem:$0xA660] =	vst v0  }
0x7a: {  	[tilespmem:$0xA670] =	vst v0  }
0x7b: {  	[tilespmem:$0xA680] =	vst v0  }
0x7c: {  	[tilespmem:$0xA690] =	vst v0  }
0x7d: {  	[tilespmem:$0xA6A0] =	vst v0  }
0x7e: {  	[tilespmem:$0xA6B0] =	vst v0  }
0x7f: {  	[tilespmem:$0xA6C0] =	vst v0  }
0x80: {  	[tilespmem:$0xA6D0] =	vst v0  }
0x81: {  	[tilespmem:$0xA6E0] =	vst v0  }
0x82: {  	[tilespmem:$0xA6F0] =	vst v0  }
0x83: {  	[tilespmem:$0xA700] =	vst v0  }
0x84: {  	[tilespmem:$0xA710] =	vst v0  }
0x85: {  	[tilespmem:$0xA720] =	vst v0  }
0x86: {  	[tilespmem:$0xA730] =	vst v0  }
0x87: {  	[tilespmem:$0xA740] =	vst v0  }
0x88: {  	[tilespmem:$0xA750] =	vst v0  }
0x89: {  	[tilespmem:$0xA760] =	vst v0  }
0x8a: {  	[tilespmem:$0xA770] =	vst v0  }
0x8b: {  	[tilespmem:$0xA780] =	vst v0  }
0x8c: {  	[tilespmem:$0xA790] =	vst v0  }
0x8d: {  	[tilespmem:$0xA7A0] =	vst v0  }
0x8e: {  	[tilespmem:$0xA7B0] =	vst v0  }
0x8f: {  	[tilespmem:$0xA7C0] =	vst v0  }
0x90: {  	[tilespmem:$0xA7D0] =	vst v0  }
0x91: {  	[tilespmem:$0xA7E0] =	vst v0  }
0x92: {  	[dreg:$0x16] =	wrdreg s11;
	[tilespmem:$0xA7F0] =	vst v0;
	s10 =	sadd.s32 $0x0, s7  }
0x93: {  	[spmem:s10] =	stream.linear.scatter [tilespmem:s25], [sflag:$0x11], $0x400, $0x38;
	[tilespmem:$0x1E800] =	vst v63  }
0x94: {  	s10 =	simm.s32 $0x1000;
	_ =	swait.ge [sflag:s26], $0x400  }
.LBB2_2:
0x95: {  	s11 =	sshra.s32 s10, $0x2;
	[sflag:s26] =	ssyncset.done $0x0;
	p0 =	sne.s32 s10, $0x4F000  }
.Ltmp2:
0x96: {  	s11 =	sadd.s32 s11, s7;
	[sflag:s26] =	ssyncadd.s32 $0xFFFFFC00;
	(pc) =	sbr.rel @p0 .LBB2_2-.Ltmp2, $3  }
0x97: {  	[spmem:s11] =	stream.linear.scatter [tilespmem:s25], [sflag:$0x11], $0x400, $0x38;
	[tilespmem:$0x1E800] =	vst v63  }
0x98: {  	s10 =	sadd.s32 $0x1000, s10;
	_ =	sdelay $0x1  }
0x99: {  	_ =	swait.ge [sflag:s26], $0x400  }
0x9a: {  	[sflag:s26] =	ssyncset.done $0x0  }
0x9b: {  	[sflag:s26] =	ssyncadd.s32 $0xFFFFFC00  }
0x9c: {  	[bflag:$0x0] =	sbarrier.arrive $0xFFFF  }
0x9d: {  	s10 =	simm.s32 $0x0;
	s11 =	rddreg [dreg:$0x5]  }
0x9e: {  	[tilespmem:s10], [sflag:$0x5] =	stream.linear.gather [hbm4b:s11+s10], $0x50, $0x38;
	[tilespmem:$0x1E800] =	vst v63  }
0x9f: {  	s14 =	rddreg [dreg:$0x6]  }
0xa0: {  	[tilespmem:s28], [sflag:$0x9] =	stream.linear.gather [hbm4b:s14+s10], $0x50, $0x38;
	[tilespmem:$0x1E800] =	vst v63  }
0xa1: {  	_ =	swait.ge [sflag:s29], $0x50  }
0xa2: {  	[sflag:s29] =	ssyncset.done $0x0  }
0xa3: {  	[sflag:s29] =	ssyncadd.s32 $0xFFFFFFB0  }
0xa4: {  	[tilespmem:s15], [sflag:$0x1] =	stream.indirect.gather [hbm4b:s4+s30], $0x80, s10, s30, $0xb8;
	[tilespmem:$0x1E800] =	vst v63  }
0xa5: {  	s13 =	simm.s32 $0x80;
	s15 =	rddreg [dreg:$0x7]  }
0xa6: {  	[tilespmem:s13], [sflag:$0x6] =	stream.linear.gather [hbm4b:s15+s10], $0x50, $0x38;
	[tilespmem:$0x1E800] =	vst v63  }
0xa7: {  	s14 =	simm.s32 $0x280;
	s28 =	rddreg [dreg:$0x8]  }
0xa8: {  	[tilespmem:s14], [sflag:$0xA] =	stream.linear.gather [hbm4b:s28+s10], $0x50, $0x38;
	[tilespmem:$0x1E800] =	vst v63  }
0xa9: {  	_ =	swait.ge [sflag:s8], $0x50  }
0xaa: {  	[sflag:s8] =	ssyncset.done $0x0  }
0xab: {  	s15 =	simm.s32 $0x2C00;
	[sflag:s8] =	ssyncadd.s32 $0xFFFFFFB0  }
0xac: {  	[tilespmem:s15], [sflag:$0x2] =	stream.indirect.gather [hbm4b:s4+s30], $0x80, s13, s30, $0xb8;
	[tilespmem:$0x1E800] =	vst v63  }
0xad: {  	s28 =	rddreg [dreg:$0x9];
	s13 =	simm.s32 $0x100  }
0xae: {  	[tilespmem:s13], [sflag:$0x7] =	stream.linear.gather [hbm4b:s28+s10], $0x50, $0x38;
	[tilespmem:$0x1E800] =	vst v63  }
0xaf: {  	s14 =	rddreg [dreg:$0xa];
	s15 =	simm.s32 $0x300  }
0xb0: {  	[tilespmem:s15], [sflag:$0xB] =	stream.linear.gather [hbm4b:s14+s10], $0x50, $0x38;
	[tilespmem:$0x1E800] =	vst v63  }
0xb1: {  	_ =	swait.ge [sflag:s12], $0x50  }
0xb2: {  	[sflag:s12] =	ssyncset.done $0x0  }
0xb3: {  	s28 =	simm.s32 $0x5400;
	[sflag:s12] =	ssyncadd.s32 $0xFFFFFFB0  }
0xb4: {  	[tilespmem:s28], [sflag:$0x3] =	stream.indirect.gather [hbm4b:s4+s30], $0x80, s13, s30, $0xb8;
	[tilespmem:$0x1E800] =	vst v63  }
0xb5: {  	s15 =	simm.s32 $0x180;
	s14 =	rddreg [dreg:$0xb]  }
0xb6: {  	[tilespmem:s15], [sflag:$0x8] =	stream.linear.gather [hbm4b:s14+s10], $0x50, $0x38;
	[tilespmem:$0x1E800] =	vst v63  }
0xb7: {  	s28 =	rddreg [dreg:$0xc]  }
0xb8: {  	[tilespmem:s31], [sflag:$0xC] =	stream.linear.gather [hbm4b:s28+s10], $0x50, $0x38;
	[tilespmem:$0x1E800] =	vst v63  }
0xb9: {  	_ =	swait.ge [sflag:s16], $0x50  }
0xba: {  	[sflag:s16] =	ssyncset.done $0x0  }
0xbb: {  	s11 =	rddreg [dreg:$0x15];
	[sflag:s16] =	ssyncadd.s32 $0xFFFFFFB0  }
0xbc: {  	[tilespmem:s17], [sflag:$0x4] =	stream.indirect.gather [hbm4b:s4+s30], $0x80, s15, s30, $0xb8;
	[tilespmem:$0x1E800] =	vst v63  }
.LBB2_4:
0xbd: {  	_ =	swait.ge [sflag:s24], $0x2800  }
0xbe: {  	s28 =	sshrl.u32 s11, $0x3;
	[sflag:s24] =	ssyncset.done $0x0;
	s13 =	rddreg [dreg:$0x3]  }
0xbf: {  	[sflag:s24] =	ssyncadd.s32 $0xFFFFD800;
	s13 =	sadd.s32 s13, s28  }
0xc0: {  	[tilespmem:s3], [sflag:$0x5] =	stream.linear.gather [hbm4b:s13+s3], $0x50, $0x38;
	[tilespmem:$0x1E800] =	vst v63  }
0xc1: {  	_ =	swait.ge [sflag:s5], $0x50  }
0xc2: {  	[sflag:s5] =	ssyncset.done $0x0  }
0xc3: {  	s14 =	simm.s32 $0x200;
	s13 =	simm.s32 $0x400;
	[sflag:s5] =	ssyncadd.s32 $0xFFFFFFB0  }
0xc4: {  	[spmem:s1] =	stream.indirect.scatter.add.f32 [tilespmem:s13], [sflag:$0xD], $0x80, s14, s30, $0xb8;
	[tilespmem:$0x1E800] =	vst v63  }
0xc5: {  	_ =	swait.ge [sflag:s6], $0x2800  }
0xc6: {  	[sflag:s6] =	ssyncset.done $0x0  }
0xc7: {  	[sflag:s6] =	ssyncadd.s32 $0xFFFFD800  }
0xc8: {  	_ =	swait.ge [sflag:s29], $0x50  }
0xc9: {  	[sflag:s29] =	ssyncset.done $0x0  }
0xca: {  	[sflag:s29] =	ssyncadd.s32 $0xFFFFFFB0  }
0xcb: {  	[tilespmem:s13], [sflag:$0x1] =	stream.indirect.gather [hbm4b:s4+s30], $0x80, s3, s30, $0xb8;
	[tilespmem:$0x1E800] =	vst v63  }
0xcc: {  	p0 =	seq.s32 s10, $0x4B0;
	s13 =	rddreg [dreg:$0x4]  }
.Ltmp3:
0xcd: {  	s13 =	sadd.s32 s13, s28;
	(pc) =	sbr.rel @p0 .LBB2_6-.Ltmp3, $4  }
0xce: {  	[tilespmem:s14], [sflag:$0x9] =	stream.linear.gather [hbm4b:s13+s3], $0x50, $0x38;
	[tilespmem:$0x1E800] =	vst v63  }
0xcf: {  	_ =	swait.ge [sflag:s18], $0x2800  }
0xd0: {  	[sflag:s18] =	ssyncset.done $0x0  }
0xd1: {  	s15 =	simm.s32 $0x400;
	s28 =	simm.s32 $0x200;
	[sflag:s18] =	ssyncadd.s32 $0xFFFFD800  }
0xd2: {  	s13 =	rddreg [dreg:$0x14]  }
0xd3: {  	s14 =	simm.s32 $0x80;
	s13 =	sadd.s32 s10, s13  }
0xd4: {  	[tilespmem:s14], [sflag:$0x6] =	stream.linear.gather [hbm4b:s13+s3], $0x50, $0x38;
	[tilespmem:$0x1E800] =	vst v63  }
0xd5: {  	_ =	swait.ge [sflag:s19], $0x50  }
0xd6: {  	[sflag:s19] =	ssyncset.done $0x0  }
0xd7: {  	s28 =	simm.s32 $0x280;
	s17 =	simm.s32 $0x2C00;
	[sflag:s19] =	ssyncadd.s32 $0xFFFFFFB0  }
0xd8: {  	[spmem:s1] =	stream.indirect.scatter.add.f32 [tilespmem:s17], [sflag:$0xE], $0x80, s28, s30, $0xb8;
	[tilespmem:$0x1E800] =	vst v63  }
0xd9: {  	_ =	swait.ge [sflag:s20], $0x2800  }
0xda: {  	[sflag:s20] =	ssyncset.done $0x0  }
0xdb: {  	[sflag:s20] =	ssyncadd.s32 $0xFFFFD800  }
0xdc: {  	_ =	swait.ge [sflag:s8], $0x50  }
0xdd: {  	[sflag:s8] =	ssyncset.done $0x0  }
0xde: {  	[sflag:s8] =	ssyncadd.s32 $0xFFFFFFB0  }
0xdf: {  	[tilespmem:s17], [sflag:$0x2] =	stream.indirect.gather [hbm4b:s4+s30], $0x80, s14, s30, $0xb8;
	[tilespmem:$0x1E800] =	vst v63  }
0xe0: {  	s14 =	rddreg [dreg:$0x13]  }
0xe1: {  	s13 =	sadd.s32 s10, s14  }
0xe2: {  	[tilespmem:s28], [sflag:$0xA] =	stream.linear.gather [hbm4b:s13+s3], $0x50, $0x38;
	[tilespmem:$0x1E800] =	vst v63  }
0xe3: {  	_ =	swait.ge [sflag:s21], $0x2800  }
0xe4: {  	[sflag:s21] =	ssyncset.done $0x0;
	s15 =	rddreg [dreg:$0x12]  }
0xe5: {  	s17 =	simm.s32 $0x100;
	[sflag:s21] =	ssyncadd.s32 $0xFFFFD800;
	s13 =	sadd.s32 s10, s15  }
0xe6: {  	[tilespmem:s17], [sflag:$0x7] =	stream.linear.gather [hbm4b:s13+s3], $0x50, $0x38;
	[tilespmem:$0x1E800] =	vst v63  }
0xe7: {  	_ =	swait.ge [sflag:s22], $0x50  }
0xe8: {  	[sflag:s22] =	ssyncset.done $0x0  }
0xe9: {  	s28 =	simm.s32 $0x5400;
	s15 =	simm.s32 $0x300;
	[sflag:s22] =	ssyncadd.s32 $0xFFFFFFB0  }
0xea: {  	[spmem:s1] =	stream.indirect.scatter.add.f32 [tilespmem:s28], [sflag:$0xF], $0x80, s15, s30, $0xb8;
	[tilespmem:$0x1E800] =	vst v63  }
0xeb: {  	_ =	swait.ge [sflag:s23], $0x2800  }
0xec: {  	[sflag:s23] =	ssyncset.done $0x0  }
0xed: {  	[sflag:s23] =	ssyncadd.s32 $0xFFFFD800  }
0xee: {  	_ =	swait.ge [sflag:s12], $0x50  }
0xef: {  	[sflag:s12] =	ssyncset.done $0x0  }
0xf0: {  	s14 =	rddreg [dreg:$0x11];
	[sflag:s12] =	ssyncadd.s32 $0xFFFFFFB0  }
0xf1: {  	[tilespmem:s28], [sflag:$0x3] =	stream.indirect.gather [hbm4b:s4+s30], $0x80, s17, s30, $0xb8;
	[tilespmem:$0x1E800] =	vst v63  }
0xf2: {  	s13 =	sadd.s32 s10, s14  }
0xf3: {  	[tilespmem:s15], [sflag:$0xB] =	stream.linear.gather [hbm4b:s13+s3], $0x50, $0x38;
	[tilespmem:$0x1E800] =	vst v63  }
0xf4: {  	_ =	swait.ge [sflag:s0], $0x2800  }
0xf5: {  	[sflag:s0] =	ssyncset.done $0x0;
	s17 =	rddreg [dreg:$0x10]  }
0xf6: {  	s14 =	simm.s32 $0x180;
	[sflag:s0] =	ssyncadd.s32 $0xFFFFD800;
	s13 =	sadd.s32 s10, s17  }
0xf7: {  	[tilespmem:s14], [sflag:$0x8] =	stream.linear.gather [hbm4b:s13+s3], $0x50, $0x38;
	[tilespmem:$0x1E800] =	vst v63  }
0xf8: {  	_ =	swait.ge [sflag:s2], $0x50  }
0xf9: {  	[sflag:s2] =	ssyncset.done $0x0  }
0xfa: {  	s28 =	simm.s32 $0x7C00;
	s15 =	simm.s32 $0x380;
	[sflag:s2] =	ssyncadd.s32 $0xFFFFFFB0  }
0xfb: {  	[spmem:s1] =	stream.indirect.scatter.add.f32 [tilespmem:s28], [sflag:$0x10], $0x80, s15, s30, $0xb8;
	[tilespmem:$0x1E800] =	vst v63  }
0xfc: {  	_ =	swait.ge [sflag:s9], $0x2800  }
0xfd: {  	[sflag:s9] =	ssyncset.done $0x0  }
0xfe: {  	[sflag:s9] =	ssyncadd.s32 $0xFFFFD800  }
0xff: {  	_ =	swait.ge [sflag:s16], $0x50  }
0x100: {  	[sflag:s16] =	ssyncset.done $0x0  }
.Ltmp4:
0x101: {  	[sflag:s16] =	ssyncadd.s32 $0xFFFFFFB0;
	(pc) =	sbr.rel .LBB2_4-.Ltmp4, $4  }
0x102: {  	[tilespmem:s28], [sflag:$0x4] =	stream.indirect.gather [hbm4b:s4+s30], $0x80, s14, s30, $0xb8;
	[tilespmem:$0x1E800] =	vst v63  }
0x103: {  	s31 =	simm.s32 $0x380;
	s11 =	sadd.s32 $0x140, s11;
	s28 =	rddreg [dreg:$0xf]  }
0x104: {  	s17 =	simm.s32 $0x7C00;
	s13 =	sadd.s32 s10, s28;
	s10 =	sadd.s32 $0x28, s10  }
0x105: {  	[tilespmem:s15], [sflag:$0xC] =	stream.linear.gather [hbm4b:s13+s3], $0x50, $0x38;
	[tilespmem:$0x1E800] =	vst v63  }
.LBB2_7:
0x106: {  	_ =	sfence.sel $0x180000  }
0x107: {  	[bflag:$0x0] =	sbarrier.arrive $0xFFFF  }
0x108: {  	_ =	strace $0x9000004D  }
0x109: {  	s0 =	stileid.u32;
	[bflag:$0x2] =	sbarrier.arrive $0xFFFF  }
0x10a: {  	p0 =	sne.s32 s0, $0x0;
	s0 =	rddreg [dreg:$0x2]  }
0x10b: {  	s0 =	sadd.s32 @!p0 $0x100000, s0  }
0x10c: {  	[sflag:s0] =	ssyncadd.tile.s32 @!p0 $0x1;
	_ =	shalt  }
.Lfunc_end2:
_tile_overlayer_lowered:
.L_overlay_start_2:
0x10d: {  	(tag) =	ssettag $0x2  }
0x10e: {  	s0 =	rddreg [dreg:$0x0];
	s2 =	stileid.u32  }
0x10f: {  	s1 =	rddreg [dreg:$0x1];
	p0 =	sne.s32 s2, $0x0  }
0x110: {  	s3 =	rddreg [dreg:$0x2];
	[bflag:$0x3] =	sbarrier.arrive $0xFFFF;
	s2 =	simm.s32 @!p0 $0x1C11  }
0x111: {  	[timem:s3], [sflag:s2] =	dma.local @!p0 [hbm:s0], s1  }
0x112: {  	s0 =	simm.s32 @!p0 $0x11  }
0x113: {  	_ =	swait.ge @!p0 [sflag:s0], s1  }
0x114: {  	s1 =	ssub.s32 @!p0 $0x0, s1;
	[sflag:s0] =	ssyncset.done @!p0 $0x0  }
0x115: {  	[sflag:s0] =	ssyncadd.s32 @!p0 s1  }
0x116: {  	[bflag:$0x3] =	sbarrier.arrive $0xFFFF  }
0x117: {  	_ =	shalt  }

// kernel: kernel.8.cloned.1.call-start
scs
__scs_entry_jumppad:
0x0: {  	(pc) =	sbr.rel $0x88, $3  }
0x1: {  	(tag) =	ssettag $0x0;
	lr =	simm.s32 $0x1  }
0x2: {  	[smem:$0x3F98] =	sst lr;
	_ =	strace $0xD0000000  }
0x3: {  	_ = 	snop  }
0x4: {  	_ = 	snop  }
0x5: {  	_ = 	snop  }
0x6: {  	_ = 	snop  }
0x7: {  	_ = 	snop  }
__scs_overlays_trampoline_lowered:
0x8: {  	[smem:$0x3FA7] =	sst s0  }
0x9: {  	[smem:$0x3FA8] =	sst s1  }
0xa: {  	[smem:$0x3FA9] =	sst s2  }
0xb: {  	[smem:$0x3FAA] =	sst s3  }
0xc: {  	[smem:$0x3FAB] =	sst s4  }
0xd: {  	[smem:$0x3FAC] =	sst s5  }
0xe: {  	[smem:$0x3FAD] =	sst s6  }
0xf: {  	[smem:$0x3FAE] =	sst s7  }
0x10: {  	[smem:$0x3FAF] =	sst s8  }
0x11: {  	[smem:$0x3FB0] =	sst s9;
	s0 =	simm.s32 @!p0 $0x0  }
0x12: {  	s1 =	sld [smem:$0x3F96];
	s0 =	simm.s32 @p0 $0x1  }
0x13: {  	[smem:$0x3FB1] =	sst s0;
	s0 =	simm.s32 @!p1 $0x0  }
0x14: {  	s2 =	sld [smem:$0x3F95];
	s0 =	simm.s32 @p1 $0x1  }
0x15: {  	[smem:$0x3FB2] =	sst s0;
	s0 =	simm.s32 @!p2 $0x0  }
0x16: {  	s3 =	sld [smem:$0x3FDB];
	s0 =	simm.s32 @p2 $0x1  }
0x17: {  	s4 =	simm.s32 $0x1BF5;
	[smem:$0x3FB4] =	sst s0  }
0x18: {  	s0 =	sld [smem:$0x3F97];
	_ =	swait.ge [sflag:s4], $0x0  }
0x19: {  	s7 =	sld [smem:$0x3F98]  }
0x1a: {  	s8 =	sadd.s32 $0xFFFFE003, lr  }
0x1b: {  	s9 =	sadd.s32 $0xFFFFFEF7, lr;
	s5 =	simm.s32 $0xFFFFFFFF;
	p2 =	slt.u32 s8, $0xFFFFF086  }
0x1c: {  	p1 =	slt.u32 s9, $0xF7A;
	s5 =	simm.s32 @!p2 $0x0  }
0x1d: {  	s5 =	simm.s32 @p1 $0x1;
	p0 =	seq.s32 s7, s2  }
0x1e: {  	s7 =	smul.u32 @!p0 $0xF7A, s2;
	p2 =	seq.s32 @!p0 s5, $0x0  }
0x1f: {  	s9 =	smul.u32 $0xF7A, s1;
	s8 =	simm.s32 @!p0 $0x1BF5;
	p2 =	por !p2, p0  }
0x20: {  	[sflag:s8] =	ssyncset.s32 @!p0 $0xFFFFF086;
	s6 =	sadd.s32 @!p0 s3, s7;
	s7 =	simm.s32 @!p0 $0x108  }
0x21: {  	s3 =	sadd.s32 s3, s9;
	s6 =	sadd.s32 @!p0 $0x88, s6;
	s7 =	simm.s32 @p2 $0x1082  }
0x22: {  	[simem:s7], [sflag:s8] =	dma.local @!p0 [hbm:s6], $0xF7A  }
0x23: {  	s9 =	sor.u32 $0xD0000000, s2;
	s6 =	simm.s32 $0x108;
	_ =	swait.ge @!p0 [sflag:s8], $0x0  }
0x24: {  	s3 =	sadd.s32 $0x88, s3;
	s6 =	simm.s32 @!p1 $0x1082;
	[sflag:s4] =	ssyncset.s32 $0xFFFFF086  }
0x25: {  	[simem:s6], [sflag:s4] =	dma.local [hbm:s3], $0xF7A  }
0x26: {  	[smem:$0x3F98] =	sst s1;
	(tag) =	ssettag s2;
	_ =	strace s9  }
0x27: {  	s1 =	sld [smem:$0x3FA8]  }
0x28: {  	s2 =	sld [smem:$0x3FA9]  }
0x29: {  	s4 =	sld [smem:$0x3FAB]  }
0x2a: {  	p0 =	seq.s32 s5, $0x0;
	s5 =	sld [smem:$0x3FAC]  }
0x2b: {  	s6 =	sld [smem:$0x3FAD]  }
0x2c: {  	s7 =	sld [smem:$0x3FAE]  }
0x2d: {  	s3 =	simm.s32 $0x108;
	s8 =	sld [smem:$0x3FAF]  }
0x2e: {  	s3 =	simm.s32 @!p0 $0x1082;
	s9 =	sld [smem:$0x3FB0]  }
0x2f: {  	lr =	sadd.s32 s0, s3;
	s0 =	sld [smem:$0x3FA7]  }
0x30: {  	s3 =	sld [smem:$0x3FAA]  }
0x31: {  	[smem:$0x3FB3] =	sst s10  }
0x32: {  	s10 =	sld [smem:$0x3FB1];
	_ =	sdelay $0x3  }
0x33: {  	p0 =	seq.s32 s10, $0x1;
	s10 =	sld [smem:$0x3FB3];
	_ =	sdelay $0x3  }
0x34: {  	[smem:$0x3FB3] =	sst s10  }
0x35: {  	s10 =	sld [smem:$0x3FB2];
	_ =	sdelay $0x3  }
0x36: {  	p1 =	seq.s32 s10, $0x1;
	s10 =	sld [smem:$0x3FB3];
	_ =	sdelay $0x3  }
0x37: {  	[smem:$0x3FB3] =	sst s10  }
0x38: {  	s10 =	sld [smem:$0x3FB4]  }
0x39: {  	_ = 	snop;
	(pc) =	sbr.ind lr, $3  }
0x3a: {  	_ = 	snop  }
0x3b: {  	_ = 	snop  }
0x3c: {  	p2 =	seq.s32 s10, $0x1;
	s10 =	sld [smem:$0x3FB3]  }
0x3d: {  	_ =	shalt  }
0x3e: {  	_ =	shalt  }
0x3f: {  	_ =	shalt  }
0x40: {  	_ =	shalt  }
0x41: {  	_ =	shalt  }
0x42: {  	_ =	shalt  }
0x43: {  	_ =	shalt  }
0x44: {  	_ =	shalt  }
0x45: {  	_ =	shalt  }
0x46: {  	_ =	shalt  }
0x47: {  	_ =	shalt  }
0x48: {  	_ =	shalt  }
0x49: {  	_ =	shalt  }
0x4a: {  	_ =	shalt  }
0x4b: {  	_ =	shalt  }
0x4c: {  	_ =	shalt  }
0x4d: {  	_ =	shalt  }
0x4e: {  	_ =	shalt  }
0x4f: {  	_ =	shalt  }
0x50: {  	_ =	shalt  }
0x51: {  	_ =	shalt  }
0x52: {  	_ =	shalt  }
0x53: {  	_ =	shalt  }
0x54: {  	_ =	shalt  }
0x55: {  	_ =	shalt  }
0x56: {  	_ =	shalt  }
0x57: {  	_ =	shalt  }
0x58: {  	_ =	shalt  }
0x59: {  	_ =	shalt  }
0x5a: {  	_ =	shalt  }
0x5b: {  	_ =	shalt  }
0x5c: {  	_ =	shalt  }
0x5d: {  	_ =	shalt  }
0x5e: {  	_ =	shalt  }
0x5f: {  	_ =	shalt  }
0x60: {  	_ =	shalt  }
0x61: {  	_ =	shalt  }
0x62: {  	_ =	shalt  }
0x63: {  	_ =	shalt  }
0x64: {  	_ =	shalt  }
0x65: {  	_ =	shalt  }
0x66: {  	_ =	shalt  }
0x67: {  	_ =	shalt  }
0x68: {  	_ =	shalt  }
0x69: {  	_ =	shalt  }
0x6a: {  	_ =	shalt  }
0x6b: {  	_ =	shalt  }
0x6c: {  	_ =	shalt  }
0x6d: {  	_ =	shalt  }
0x6e: {  	_ =	shalt  }
0x6f: {  	_ =	shalt  }
0x70: {  	_ =	shalt  }
0x71: {  	_ =	shalt  }
0x72: {  	_ =	shalt  }
0x73: {  	_ =	shalt  }
0x74: {  	_ =	shalt  }
0x75: {  	_ =	shalt  }
0x76: {  	_ =	shalt  }
0x77: {  	_ =	shalt  }
0x78: {  	_ =	shalt  }
0x79: {  	_ =	shalt  }
0x7a: {  	_ =	shalt  }
0x7b: {  	_ =	shalt  }
0x7c: {  	_ =	shalt  }
0x7d: {  	_ =	shalt  }
0x7e: {  	_ =	shalt  }
0x7f: {  	_ =	shalt  }
0x80: {  	_ =	shalt  }
0x81: {  	_ =	shalt  }
0x82: {  	_ =	shalt  }
0x83: {  	_ =	shalt  }
0x84: {  	_ =	shalt  }
0x85: {  	_ =	shalt  }
0x86: {  	_ =	shalt  }
0x87: {  	_ =	shalt  }
.Lfunc_end0:
.L_simem_size_0:
called_computation_lowered:
.L_overlay_start_0:
0x88: {  	s2 =	sld [smem:$0x3FD9]  }
0x89: {  	s3 =	sld [smem:$0x3FFE];
	_ =	sdelay $0x1  }
0x8a: {  	s1 =	srdreg.scid  }
0x8b: {  	s0 =	sand.u32 $0x1, s1  }
0x8c: {  	s16 =	sshll.u32 s0, $0xA;
	s2 =	sadd.s32 s3, s2  }
0x8d: {  	s2 =	sadd.s32 s2, s16  }
0x8e: {  	[smem:$0x3FBF] =	sst s2  }
0x8f: {  	_ = 	snop  }
0x90: {  	(tm) =	ssettm $0x1  }
0x91: {  	s17 =	sld [smem:$0x3FFB];
	_ =	sdelay $0x3  }
0x92: {  	_ =	strace s17  }
0x93: {  	s2 =	sld [smem:$0x3FFC];
	_ =	sdelay $0x3  }
0x94: {  	_ =	strace s2  }
0x95: {  	s2 =	sld [smem:$0x3FFD];
	_ =	sdelay $0x3  }
0x96: {  	_ =	strace s2  }
0x97: {  	_ =	strace $0x8FFFFFFF  }
0x98: {  	s18 =	sld [smem:$0x3FDB];
	_ =	sdelay $0x1  }
0x99: {  	s19 =	simm.s32 $_scs_section_size  }
0x9a: {  	s4 =	simm.s32 $_size__tile_overlayer_lowered;
	s5 =	simm.s32 $_tile_overlayer_lowered  }
0x9b: {  	s22 =	simm.s32 $0x1BFF;
	s21 =	sshll.u32 s5, $0x1;
	s2 =	sadd.s32 s19, s18  }
0x9c: {  	s6 =	simm.s32 $0x0;
	s20 =	sshll.u32 s4, $0x1;
	s4 =	sadd.s32 s21, s2  }
0x9d: {  	[timem:s6], [sflag:s22] =	dma.local [hbm:s4], s20  }
0x9e: {  	_ =	swait.ge [sflag:s22], s20  }
0x9f: {  	s3 =	ssub.s32 $0x0, s20;
	[sflag:s22] =	ssyncset.done $0x0  }
0xa0: {  	[sflag:s22] =	ssyncadd.s32 s3;
	_ =	sdelay $0x1  }
0xa1: {  	s23 =	simm.s32 $0x1B8B  }
0xa2: {  	_ =	swait.ge [sflag:s23], $0x1  }
0xa3: {  	[sflag:s23] =	ssyncset.done $0x0  }
0xa4: {  	s25 =	simm.s32 $0x1B8E;
	s24 =	sld [smem:$0x3FFE];
	[sflag:s23] =	ssyncadd.s32 $0xFFFFFFFF  }
0xa5: {  	s26 =	simm.s32 $execute0_lowered;
	[smem:$0x3FD2] =	sst s25  }
0xa6: {  	s4 =	sshll.u32 s26, $0x1;
	_ =	strace $0x80000046;
	[dreg:$0x1] =	wrdreg $0xFFFFFFFF  }
0xa7: {  	s28 =	simm.s32 $_size_execute0_lowered;
	s2 =	sadd.s32 s2, s4;
	[dreg:$0x0] =	wrdreg $0x0  }
0xa8: {  	s4 =	sshll.u32 s28, $0x1;
	[dreg:$0x2] =	wrdreg s2  }
0xa9: {  	[dreg:$0x3] =	wrdreg s4  }
0xaa: {  	[dreg:$0x4] =	wrdreg $0xC0  }
0xab: {  	_ =	task [dreg:s6], $0x5FFFF  }
0xac: {  	[dreg:$0x1] =	wrdreg $0xFFFFFFFF  }
0xad: {  	[dreg:$0x0] =	wrdreg $0x60  }
0xae: {  	[dreg:$0x2] =	wrdreg s24  }
0xaf: {  	[dreg:$0x3] =	wrdreg $0x9  }
0xb0: {  	_ =	task.clear_ibuf [dreg:s6], $0x4FFFF;
	_ =	strace $0x90000046  }
0xb1: {  	s29 =	simm.s32 $0x9;
	_ =	strace $0x80000048  }
0xb2: {  	_ =	swait.ge [sflag:s29], $0x1  }
0xb3: {  	[sflag:s29] =	ssyncadd.s32 $0xFFFFFFFF  }
0xb4: {  	_ =	strace $0x90000048  }
0xb5: {  	_ =	sfence  }
0xb6: {  	s30 =	sld [smem:$0x0];
	_ =	sdelay $0x2  }
0xb7: {  	s31 =	sshll.u32 s1, $0xD;
	s1 =	sshrl.u32 s1, $0x2  }
0xb8: {  	s3 =	sand.u32 $0x4000, s31;
	s1 =	sadd.s32 s1, s30  }
0xb9: {  	s0 =	sor.u32 s3, s0;
	s1 =	sshll.u32 s1, $0x11  }
0xba: {  	s0 =	sor.u32 s1, s0  }
0xbb: {  	s0 =	sadd.s32 $0x8F2B, s0  }
0xbc: {  	[sflag:s0] =	ssyncadd.remote.s32 $0x1  }
0xbd: {  	_ =	sfence.sel $0xFFFF  }
0xbe: {  	[dreg:$0x0] =	wrdreg $0xFFFFFFFF;
	(pc) =	sbr.abs _section_cstart, $3  }
0xbf: {  	[dreg:$0x1] =	wrdreg $0xFFFFFFFF  }
0xc0: {  	_ =	task.clear_ibuf [dreg:s6], $0x2FFFF;
	_ =	strace $0x9FFFFFFF  }
0xc1: {  	(tm) =	ssettm $0x7FFFFFFF  }
tec
execute0_lowered:
.L_overlay_start_1:
0x0: {  	(tag) =	ssettag $0x1  }
0x1: {  	s1 =	srdreg.scid;
	s0 =	stileid.u32  }
0x2: {  	s4 =	rddreg [dreg:$0x0];
	s3 =	sand.u32 $0x1, s1;
	s30 =	sshll.u32 s0, $0x1  }
0x3: {  	s2 =	simm.s32 $0x0;
	s8 =	simm.s32 $0x0;
	s5 =	sor.u32 s3, s30  }
0x4: {  	s1 =	rddreg [dreg:$0x1];
	s3 =	ssub.s32 $0x2, s3;
	s6 =	smul.u32 $0x4E2, s5  }
0x5: {  	[smem:$0x7FF] =	sst s2;
	s5 =	smul.u32 $0x500, s5;
	s7 =	sshrl.u32 s3, $0x1  }
0x6: {  	_ =	strace $0x80000047;
	s31 =	ssub.s32 s3, s7;
	s7 =	simm.s32 $0x2780  }
0x7: {  	s6 =	sadd.s32 s6, s4;
	s4 =	sadd.s32 s5, s4;
	s5 =	smax.u32 s31, $0x1  }
0x8: {  	v0 =	vimm.f32 $0.0e+00;
	v1 =	vimm.f32 $1.000000000e+00;
	s3 =	sadd.s32 $0xCC00, s6;
	s4 =	sadd.s32 $0x16A00, s4;
	s6 =	simm.s32 $0x1  }
.LBB2_1:
0x9: {  	[tilespmem:s2], [sflag:$0x1] =	stream.linear.gather [hbm4b:s3+s2], $0x2710, $0x38;
	[tilespmem:$0x4F80] =	vst v63  }
0xa: {  	_ =	swait.ge [sflag:s6], $0x2710  }
0xb: {  	[sflag:s6] =	ssyncset.done $0x0  }
0xc: {  	s9 =	simm.s32 $0x0;
	s10 =	simm.s32 $0x200;
	[sflag:s6] =	ssyncadd.s32 $0xFFFFD8F0  }
.LBB2_2:
0xd: {  	p0 =	sne.s32 s10, $0x9E00;
	[tilespmem:s9+$0x27F0] =	vst v0  }
0xe: {  	[tilespmem:s9+$0x2780] =	vst v0  }
0xf: {  	[tilespmem:s9+$0x2790] =	vst v0  }
.Ltmp0:
0x10: {  	[tilespmem:s9+$0x27A0] =	vst v0;
	(pc) =	sbr.rel @p0 .LBB2_2-.Ltmp0, $4  }
0x11: {  	[tilespmem:s9+$0x27B0] =	vst v0  }
0x12: {  	[tilespmem:s9+$0x27C0] =	vst v0  }
0x13: {  	[tilespmem:s9+$0x27D0] =	vst v0  }
0x14: {  	[tilespmem:s9+$0x27E0] =	vst v0;
	s9 =	sshra.s32 s10, $0x2;
	s10 =	sadd.s32 $0x200, s10  }
0x15: {  	[tilespmem:s9+$0x27F0] =	vst v0  }
0x16: {  	[tilespmem:s9+$0x2780] =	vst v0  }
0x17: {  	[tilespmem:s9+$0x2790] =	vst v0  }
0x18: {  	[tilespmem:s9+$0x27A0] =	vst v0  }
0x19: {  	[tilespmem:s9+$0x27B0] =	vst v0  }
0x1a: {  	[tilespmem:s9+$0x27C0] =	vst v0  }
0x1b: {  	[tilespmem:s9+$0x27D0] =	vst v0  }
0x1c: {  	[tilespmem:s9+$0x27E0] =	vst v0;
	s10 =	simm.s32 $0x0;
	s9 =	simm.s32 $0x40  }
.LBB2_4:
0x1d: {  	p0 =	sne.s32 s9, $0x9C00;
	v2 =	vld [tilespmem:s10+$0x0];
	_ =	sdelay $0x3  }
.Ltmp1:
0x1e: {  	(pc) =	sbr.rel @p0 .LBB2_4-.Ltmp1, $2  }
0x1f: {  	_ =	sdelay $0x2  }
0x20: {  	s10 =	sshra.s32 s9, $0x2;
	s9 =	sadd.s32 $0x40, s9;
	[tilespmem:v2+s7+$0x0] =	vst.idx.add.f32.msk $0xffff, v1  }
0x21: {  	v2 =	vld [tilespmem:s10+$0x0];
	_ =	sdelay $0x5  }
0x22: {  	s8 =	sadd.s32 $0x1, s8  }
0x23: {  	p0 =	sne.s32 s8, s5  }
.Ltmp2:
0x24: {  	[tilespmem:v2+s7+$0x0] =	vst.idx.add.f32.msk $0xffff, v1;
	(pc) =	sbr.rel @p0 .LBB2_1-.Ltmp2, $4  }
0x25: {  	[hbm4b:s4+s2] =	stream.linear.scatter [tilespmem:s7], [sflag:$0x1], $0x2800, $0x38;
	[tilespmem:$0x4F80] =	vst v63  }
0x26: {  	_ =	swait.ge [sflag:s6], $0x2800  }
0x27: {  	[sflag:s6] =	ssyncset.done $0x0  }
0x28: {  	[sflag:s6] =	ssyncadd.s32 $0xFFFFD800  }
0x29: {  	_ =	sfence.sel $0x180000  }
0x2a: {  	[bflag:$0x0] =	sbarrier.arrive $0xFFFF  }
0x2b: {  	p0 =	sne.s32 s0, $0x0;
	_ =	strace $0x90000047  }
0x2c: {  	s0 =	sadd.s32 @!p0 $0x100000, s1;
	[bflag:$0x2] =	sbarrier.arrive $0xFFFF  }
0x2d: {  	[sflag:s0] =	ssyncadd.tile.s32 @!p0 $0x1;
	_ =	shalt  }
.Lfunc_end2:
_tile_overlayer_lowered:
.L_overlay_start_2:
0x2e: {  	(tag) =	ssettag $0x2  }
0x2f: {  	s0 =	rddreg [dreg:$0x0];
	s2 =	stileid.u32  }
0x30: {  	s1 =	rddreg [dreg:$0x1];
	p0 =	sne.s32 s2, $0x0  }
0x31: {  	s3 =	rddreg [dreg:$0x2];
	[bflag:$0x3] =	sbarrier.arrive $0xFFFF;
	s2 =	simm.s32 @!p0 $0x1C01  }
0x32: {  	[timem:s3], [sflag:s2] =	dma.local @!p0 [hbm:s0], s1  }
0x33: {  	s0 =	simm.s32 @!p0 $0x1  }
0x34: {  	_ =	swait.ge @!p0 [sflag:s0], s1  }
0x35: {  	s1 =	ssub.s32 @!p0 $0x0, s1;
	[sflag:s0] =	ssyncset.done @!p0 $0x0  }
0x36: {  	[sflag:s0] =	ssyncadd.s32 @!p0 s1  }
0x37: {  	[bflag:$0x3] =	sbarrier.arrive $0xFFFF  }
0x38: {  	_ =	shalt  }

</sc_bundles>
